<compile_context>
chip_gen: v7x
topology: tpu7x:2x2x1
jax: 0.10.2.dev20260603
libtpu: 0.0.44.dev20260713+nightly
codegen_flags: <defaults>
</compile_context>

<pallas_src>
import functools

import numpy as np
import jax
import jax.numpy as jnp
from jax import lax
from jax.experimental import pallas as pl
from jax.experimental.pallas import tpu as pltpu
from jax.experimental.pallas import tpu_sc as plsc

_R = 151
_DELTA = 2.0 / (float(_R) - 1.0)
_D32 = np.float32(_DELTA)
_N = 512
_NW = 32
_BLK = _N // (2 * _NW)
_BLKE = _BLK * _N
_NBIN = 256
_BSTRIDE = 160
_CSTRIDE = 2 * _BSTRIDE
_ACC = 16 * _CSTRIDE
_QBITS = 12
_MARK = 1 << 22
_QBIAS = 0.18778


def _build_bilinear() -> np.ndarray:
    size = max(0, int(np.ceil((1.0 - (-1.0)) / _DELTA)))
    t = (np.float32(-1.0)
         + _D32 * np.arange(size, dtype=np.float32)).astype(np.float32)
    tsize = t.shape[0]
    tm = (t - _D32).astype(np.float32)
    g = np.zeros((tsize, 2 * _NBIN), np.float64)
    for m in range(_NBIN):
        d = np.float32(np.float32(np.float32(m) * _D32) - np.float32(1.0))
        hb = np.nonzero(t == d)[0]
        ha = np.nonzero(tm == d)[0]
        if len(hb):
            kb = hb[0]
            tv = np.float64(t[kb])
            g[kb, m] += (tv + _DELTA) / _DELTA
            g[kb, _NBIN + m] += -1.0 / _DELTA
        if len(ha):
            ka = ha[0]
            tv = np.float64(t[ka])
            g[ka, m] += (_DELTA - tv) / _DELTA
            g[ka, _NBIN + m] += 1.0 / _DELTA
    gt = np.zeros((2 * _NBIN, _BSTRIDE), np.float64)
    gt[:, :tsize] = g.T
    return gt.astype(np.float32)


_G_CONST = _build_bilinear()
_ZEROS = np.zeros((_ACC,), np.int32)

_mesh = plsc.VectorSubcoreMesh(core_axis_name="c", subcore_axis_name="s")


@functools.partial(
    pl.kernel,
    out_type=jax.ShapeDtypeStruct((_NW * 1024,), jnp.float32),
    mesh=_mesh,
    scratch_types=[
        pltpu.VMEM((2 * _BLKE,), jnp.float32),
        pltpu.VMEM((_ACC,), jnp.int32),
        pltpu.VMEM((1024,), jnp.float32),
        pltpu.SemaphoreType.DMA,
        pltpu.SemaphoreType.DMA,
    ],
    compiler_params=pltpu.CompilerParams(needs_layout_passes=False),
)
def _sc_hist(vals_hbm, zeros_hbm, out_hbm, srows, acc, stage, sema, semb):
    wid = lax.axis_index("s") * 2 + lax.axis_index("c")
    r0a = _BLK * wid
    r0b = _N - _BLK * (wid + 1)
    ca = pltpu.async_copy(vals_hbm.at[pl.ds(r0a * _N, _BLKE)],
                          srows.at[pl.ds(0, _BLKE)], sema)
    cz = pltpu.async_copy(zeros_hbm, acc, sema)
    cb = pltpu.async_copy(vals_hbm.at[pl.ds(r0b * _N, _BLKE)],
                          srows.at[pl.ds(_BLKE, _BLKE)], semb)
    ca.wait()
    cz.wait()

    zero = jnp.zeros((16,), jnp.float32)
    lane = lax.iota(jnp.int32, 16)
    lane_off = lane * _CSTRIDE
    fma_c = np.float32(1 << _QBITS)
    fma_b = np.float32(_MARK + 0.5)

    def make_body(buf_base, r0):
        def body(j, carry):
            col = lane + j * 16
            for k in range(_BLK):
                off = buf_base + k * _N + j * 16
                v = srows[pl.ds(off, 16)]
                mask = col > (r0 + k)
                gi = lax.shift_right_logical(
                    plsc.bitcast(v, jnp.int32), 31)
                s = jnp.abs(v) - 3.0
                q = s * np.float32(75.0) + np.float32(75.0)
                mi = jnp.clip(q.astype(jnp.int32), 0, _BSTRIDE - 1)
                idx = lane_off + gi * _BSTRIDE + mi
                packed = (s * fma_c + fma_b).astype(jnp.int32)
                plsc.addupdate_scatter(acc, [idx], packed, mask=mask)
            return carry
        return body

    lax.fori_loop(r0a // 16, _N // 16, make_body(0, r0a), 0)
    cb.wait()
    lax.fori_loop(r0b // 16, _N // 16, make_body(_BLKE, r0b), 0)

    inv_q = np.float32(1.0 / (1 << _QBITS))

    def red(c, carry):
        chan = c // 10
        chunk = c - chan * 10
        fcnt = zero
        fsum = zero
        for ln in range(16):
            a = acc[pl.ds(ln * _CSTRIDE + chan * _BSTRIDE + chunk * 16, 16)]
            cnt = lax.shift_right_arithmetic(a + (1 << 21), 22)
            rem = a - lax.shift_left(cnt, 22)
            fcnt = fcnt + cnt.astype(jnp.float32)
            fsum = fsum + rem.astype(jnp.float32)
        stage[pl.ds(chan * 512 + chunk * 16, 16)] = fcnt
        stage[pl.ds(chan * 512 + 256 + chunk * 16, 16)] = (
            fsum * inv_q - fcnt * np.float32(_QBIAS / (1 << _QBITS)))
        return carry

    for k in range(1024 // 16):
        stage[pl.ds(k * 16, 16)] = zero
    lax.fori_loop(0, 20, red, 0)
    pltpu.sync_copy(stage, out_hbm.at[pl.ds(wid * 1024, 1024)])


def _tc_body(p_ref, g_ref, o_ref):
    x = jnp.sum(p_ref[...].reshape(_NW, 1024), axis=0)
    xn = x[0:512].reshape(1, 512)
    xp = x[512:1024].reshape(1, 512)
    ns = jnp.sum(x[0:256])
    ps = jnp.sum(x[512:768])
    gt = g_ref[...]
    hi = jax.lax.Precision.HIGHEST
    hn8 = jnp.dot(jnp.broadcast_to(xn, (8, 512)), gt,
                  preferred_element_type=jnp.float32, precision=hi)
    hp8 = jnp.dot(jnp.broadcast_to(xp, (8, 512)), gt,
                  preferred_element_type=jnp.float32, precision=hi)
    ii = lax.broadcasted_iota(jnp.int32, (_BSTRIDE, _BSTRIDE), 0)
    jj = lax.broadcasted_iota(jnp.int32, (_BSTRIDE, _BSTRIDE), 1)
    cdf = (ii <= jj).astype(jnp.float32)
    cum8 = jnp.dot(hp8, cdf, preferred_element_type=jnp.float32,
                   precision=hi)
    lu = jnp.sum(hn8 * cum8) * 0.125
    o_ref[...] = (lu / (ps * ns)).reshape(1, 1)


_finalize = pl.pallas_call(
    _tc_body,
    out_shape=jax.ShapeDtypeStruct((1, 1), jnp.float32),
)


def kernel(similarities_matrix, signs_matrix):
    flip = 1.0 - 2.0 * signs_matrix.astype(jnp.float32)
    v = ((similarities_matrix + 3.0) * flip).reshape(-1)
    partials = _sc_hist(v, _ZEROS)
    out = _finalize(partials, _G_CONST)
    return out.reshape(())

# --- scband reference (transcript-rebuilt; emitter-appended) ---
"""Pipeline reference for scband-histogram-loss-for-similarity-38603166057092 (READ-ONLY COPY).

The authoritative reference and input builder live on the scoring server;
editing this copy changes nothing except your own understanding.
"""

import jax, jax.numpy as jnp
import numpy as np

R = 151
DELTA = 2.0 / (float(R) - 1.0)
T = jnp.arange(-1.0, 1.0, DELTA, dtype=jnp.float32).reshape(-1, 1)
TSIZE = T.shape[0]


def setup_inputs(seed: int = 0) -> dict:
    key = jax.random.key(seed)
    k1, k2 = jax.random.split(key)
    N = 512
    # similarities are cosine-like values in [-1, 1]
    similarities_matrix = jax.random.uniform(k1, (N, N), dtype=jnp.float32, minval=-1.0, maxval=1.0)
    # signs_matrix: boolean class-equality matrix (randint 0/2 -> bool)
    signs_matrix = jax.random.randint(k2, (N, N), 0, 2).astype(bool)
    return {"similarities_matrix": similarities_matrix, "signs_matrix": signs_matrix}


def reference(similarities_matrix, signs_matrix):
    N = similarities_matrix.shape[0]
    # strict upper triangle mask (torch.triu(ones, 1).byte())
    s_inds = np.triu(np.ones((N, N), dtype=bool), 1)
    classes_eq = signs_matrix
    sel = classes_eq[s_inds]                     # [P] bool, P = N*(N-1)/2
    pos_inds = jnp.tile(sel, (TSIZE, 1))         # [TSIZE, P]
    neg_inds = jnp.tile(~sel, (TSIZE, 1))
    pos_size = sel.sum().astype(jnp.float32)
    neg_size = (~sel).sum().astype(jnp.float32)
    s = similarities_matrix[s_inds].reshape(1, -1)
    s_repeat = jnp.tile(s, (TSIZE, 1))           # [TSIZE, P]
    # torch uses s_repeat.data -> detached; comparisons are on detached bin ids
    delta_repeat = (jnp.floor((jax.lax.stop_gradient(s_repeat) + 1.0) / DELTA) * DELTA - 1.0).astype(jnp.float32)

    def histogram(inds, size):
        indsa = (delta_repeat == (T - DELTA)) & inds
        indsb = (delta_repeat == T) & inds
        sr = jnp.where(indsb | indsa, s_repeat, 0.0)   # zero out entries in neither bin edge
        sr = jnp.where(indsa, (sr - T + DELTA) / DELTA, sr)
        sr = jnp.where(indsb, (-sr + T + DELTA) / DELTA, sr)
        return sr.sum(axis=1) / size

    histogram_pos = histogram(pos_inds, pos_size)      # [TSIZE]
    histogram_neg = histogram(neg_inds, neg_size)      # [TSIZE]
    hp_rep = jnp.tile(histogram_pos.reshape(-1, 1), (1, TSIZE))
    tril_inds = jnp.tril(jnp.ones((TSIZE, TSIZE), dtype=bool), -1)
    hp_rep = jnp.where(tril_inds, 0.0, hp_rep)
    histogram_pos_cdf = hp_rep.sum(axis=0)             # [TSIZE]
    loss = jnp.sum(histogram_neg * histogram_pos_cdf)
    return loss

if __name__ == "__main__":
    import jax
    _d = setup_inputs()
    print(jax.jit(kernel)(*tuple(_d.values())))

</pallas_src>

<mosaic_0001>
#map = affine_map<(d0, d1) -> (0)>
module attributes {stable_mosaic.version = 14 : i64} {
  func.func @_sc_hist(%arg0: i32, %arg1: i32, %arg2: memref<262144xf32, #tpu.memory_space<hbm>>, %arg3: memref<5120xi32, #tpu.memory_space<hbm>>, %arg4: memref<32768xf32, #tpu.memory_space<hbm>>, %arg5: memref<8192xf32, #tpu.memory_space<vmem>>, %arg6: memref<5120xi32, #tpu.memory_space<vmem>>, %arg7: memref<1024xf32, #tpu.memory_space<vmem>>, %arg8: memref<!tpu.dma_semaphore, #tpu.memory_space<semaphore_mem>>, %arg9: memref<!tpu.dma_semaphore, #tpu.memory_space<semaphore_mem>>) attributes {dimension_semantics = [#tpu.dimension_semantics<core_parallel>, #tpu.dimension_semantics<subcore_parallel>], iteration_bounds = array<i64: 2, 16>, scalar_prefetch = 0 : i64, scratch_operands = 5 : i64, tpu.core_type = #tpu.core_type<sc_vector_subcore>, window_params = [{transform_indices = #map}, {transform_indices = #map}, {transform_indices = #map}]} {
    %mul3A = arith.constant 2 : i32
    %mul3A_0 = arith.muli %arg1, %mul3A : i32
    %add3A = arith.addi %mul3A_0, %arg0 : i32
    %mul3A_1 = arith.constant 8 : i32
    %mul3A_2 = arith.muli %mul3A_1, %add3A : i32
    %add3A_3 = arith.constant 1 : i32
    %add3A_4 = arith.addi %add3A, %add3A_3 : i32
    %mul3A_5 = arith.constant 8 : i32
    %mul3A_6 = arith.muli %mul3A_5, %add3A_4 : i32
    %sub3A = arith.constant 512 : i32
    %sub3A_7 = arith.subi %sub3A, %mul3A_6 : i32
    %mul3A_8 = arith.constant 512 : i32
    %mul3A_9 = arith.muli %mul3A_2, %mul3A_8 : i32
    %dma_start3A = arith.constant 0 : i32
    %dma_start3A_10 = tpu.memref_slice %arg5[%dma_start3A] : memref<8192xf32, #tpu.memory_space<vmem>> -> memref<4096xf32, #tpu.memory_space<vmem>>
    %dma_start3A_11 = tpu.memref_slice %arg2[%mul3A_9] : memref<262144xf32, #tpu.memory_space<hbm>> -> memref<4096xf32, #tpu.memory_space<hbm>>
    %dma_start3A_12 = arith.constant 0 : i32
    %dma_start3A_13 = tpu.memref_slice %arg5[%dma_start3A_12] : memref<8192xf32, #tpu.memory_space<vmem>> -> memref<4096xf32, #tpu.memory_space<vmem>>
    %dma_start3A_14 = tpu.memref_slice %arg2[%mul3A_9] : memref<262144xf32, #tpu.memory_space<hbm>> -> memref<4096xf32, #tpu.memory_space<hbm>>
    tpu.enqueue_dma source(%dma_start3A_14 : memref<4096xf32, #tpu.memory_space<hbm>>) target(%dma_start3A_13 : memref<4096xf32, #tpu.memory_space<vmem>>) target_semaphore(%arg8 : memref<!tpu.dma_semaphore, #tpu.memory_space<semaphore_mem>>)
    tpu.enqueue_dma source(%arg3 : memref<5120xi32, #tpu.memory_space<hbm>>) target(%arg6 : memref<5120xi32, #tpu.memory_space<vmem>>) target_semaphore(%arg8 : memref<!tpu.dma_semaphore, #tpu.memory_space<semaphore_mem>>)
    %mul3A_15 = arith.constant 512 : i32
    %mul3A_16 = arith.muli %sub3A_7, %mul3A_15 : i32
    %dma_start3A_17 = arith.constant 4096 : i32
    %dma_start3A_18 = tpu.memref_slice %arg5[%dma_start3A_17] : memref<8192xf32, #tpu.memory_space<vmem>> -> memref<4096xf32, #tpu.memory_space<vmem>>
    %dma_start3A_19 = tpu.memref_slice %arg2[%mul3A_16] : memref<262144xf32, #tpu.memory_space<hbm>> -> memref<4096xf32, #tpu.memory_space<hbm>>
    %dma_start3A_20 = arith.constant 4096 : i32
    %dma_start3A_21 = tpu.memref_slice %arg5[%dma_start3A_20] : memref<8192xf32, #tpu.memory_space<vmem>> -> memref<4096xf32, #tpu.memory_space<vmem>>
    %dma_start3A_22 = tpu.memref_slice %arg2[%mul3A_16] : memref<262144xf32, #tpu.memory_space<hbm>> -> memref<4096xf32, #tpu.memory_space<hbm>>
    tpu.enqueue_dma source(%dma_start3A_22 : memref<4096xf32, #tpu.memory_space<hbm>>) target(%dma_start3A_21 : memref<4096xf32, #tpu.memory_space<vmem>>) target_semaphore(%arg9 : memref<!tpu.dma_semaphore, #tpu.memory_space<semaphore_mem>>)
    %dma_wait3A = arith.constant 0 : i32
    %dma_wait3A_23 = tpu.memref_slice %arg5[%dma_wait3A] : memref<8192xf32, #tpu.memory_space<vmem>> -> memref<4096xf32, #tpu.memory_space<vmem>>
    %dma_wait3A_24 = tpu.memref_slice %arg2[%mul3A_9] : memref<262144xf32, #tpu.memory_space<hbm>> -> memref<4096xf32, #tpu.memory_space<hbm>>
    %dma_wait3A_25 = arith.constant 0 : i32
    %dma_wait3A_26 = tpu.memref_slice %arg5[%dma_wait3A_25] : memref<8192xf32, #tpu.memory_space<vmem>> -> memref<4096xf32, #tpu.memory_space<vmem>>
    %dma_wait3A_27 = tpu.memref_slice %arg2[%mul3A_9] : memref<262144xf32, #tpu.memory_space<hbm>> -> memref<4096xf32, #tpu.memory_space<hbm>>
    tpu.wait_dma2 semaphore(%arg8 : memref<!tpu.dma_semaphore, #tpu.memory_space<semaphore_mem>>) src(%dma_wait3A_27 : memref<4096xf32, #tpu.memory_space<hbm>>) dst(%dma_wait3A_26 : memref<4096xf32, #tpu.memory_space<vmem>>)
    tpu.wait_dma2 semaphore(%arg8 : memref<!tpu.dma_semaphore, #tpu.memory_space<semaphore_mem>>) src(%arg3 : memref<5120xi32, #tpu.memory_space<hbm>>) dst(%arg6 : memref<5120xi32, #tpu.memory_space<vmem>>)
    %broadcast_in_dim3A = arith.constant 0.000000e+00 : f32
    %broadcast_in_dim3A_28 = vector.broadcast %broadcast_in_dim3A : f32 to vector<16xf32>
    %iota3A = tpu.iota {dimensions = array<i32: 0>} : vector<16xi32>
    %mul3A_29 = arith.constant 320 : i32
    %mul3A_30 = vector.broadcast %mul3A_29 : i32 to vector<16xi32>
    %mul3A_31 = arith.muli %iota3A, %mul3A_30 : vector<16xi32>
    %jit3A = arith.constant 16 : i32
    %div3A = arith.divsi %mul3A_2, %jit3A : i32
    %sign3A = arith.constant 0 : i32
    %sign3A_32 = arith.cmpi sgt, %mul3A_2, %sign3A : i32
    %sign3A_33 = arith.extui %sign3A_32 : i1 to i32
    %sign3A_34 = arith.constant 0 : i32
    %sign3A_35 = arith.cmpi slt, %mul3A_2, %sign3A_34 : i32
    %sign3A_36 = arith.extui %sign3A_35 : i1 to i32
    %sign3A_37 = arith.subi %sign3A_33, %sign3A_36 : i32
    %sign3A_38 = arith.constant 0 : i32
    %sign3A_39 = arith.cmpi sgt, %jit3A, %sign3A_38 : i32
    %sign3A_40 = arith.extui %sign3A_39 : i1 to i32
    %sign3A_41 = arith.constant 0 : i32
    %sign3A_42 = arith.cmpi slt, %jit3A, %sign3A_41 : i32
    %sign3A_43 = arith.extui %sign3A_42 : i1 to i32
    %sign3A_44 = arith.subi %sign3A_40, %sign3A_43 : i32
    %ne3A = arith.cmpi ne, %sign3A_37, %sign3A_44 : i32
    %rem3A = arith.remsi %mul3A_2, %jit3A : i32
    %ne3A_45 = arith.constant 0 : i32
    %ne3A_46 = arith.cmpi ne, %rem3A, %ne3A_45 : i32
    %and3A = arith.andi %ne3A, %ne3A_46 : i1
    %sub3A_47 = arith.constant 1 : i32
    %sub3A_48 = arith.subi %div3A, %sub3A_47 : i32
    %select_n3A = arith.select %and3A, %sub3A_48, %div3A : i32
    %while3A = arith.constant 0 : i32
    %while3A_49 = arith.constant 32 : i32
    %while3A_50 = arith.subi %while3A_49, %select_n3A : i32
    %while3A_51 = arith.addi %select_n3A, %while3A_50 : i32
    %while3A_52 = arith.constant 1 : i32
    %while3A_53 = arith.divsi %while3A_50, %while3A_52 : i32
    %while3A_54 = arith.muli %while3A_53, %while3A_52 : i32
    %while3A_55 = arith.addi %select_n3A, %while3A_54 : i32
    %while3A_56 = arith.constant 1 : i32
    scf.for %while3A_232 = %select_n3A to %while3A_55 step %while3A_56  : i32 {
      %mul3A_233 = arith.constant 16 : i32
      %mul3A_234 = arith.muli %while3A_232, %mul3A_233 : i32
      %add3A_235 = vector.broadcast %mul3A_234 : i32 to vector<16xi32>
      %add3A_236 = arith.addi %iota3A, %add3A_235 : vector<16xi32>
      %mul3A_237 = arith.constant 16 : i32
      %mul3A_238 = arith.muli %while3A_232, %mul3A_237 : i32
      %add3A_239 = arith.constant 0 : i32
      %add3A_240 = arith.addi %add3A_239, %mul3A_238 : i32
      %get3A = arith.index_cast %add3A_240 : i32 to index
      %get3A_241 = tpu.vector_load %arg5[%get3A] {strides = array<i32>} : memref<8192xf32, #tpu.memory_space<vmem>>, vector<16xf32>,
      %add3A_242 = arith.constant 0 : i32
      %add3A_243 = arith.addi %mul3A_2, %add3A_242 : i32
      %gt3A = vector.broadcast %add3A_243 : i32 to vector<16xi32>
      %gt3A_244 = arith.cmpi sgt, %add3A_236, %gt3A : vector<16xi32>
      %bitcast3A = vector.bitcast %get3A_241 : vector<16xf32> to vector<16xi32>
      %shift_right_logical3A = arith.constant 31 : i32
      %shift_right_logical3A_245 = vector.broadcast %shift_right_logical3A : i32 to vector<16xi32>
      %shift_right_logical3A_246 = arith.shrui %bitcast3A, %shift_right_logical3A_245 : vector<16xi32>
      %abs3A = math.absf %get3A_241 : vector<16xf32>
      %sub3A_247 = arith.constant 3.000000e+00 : f32
      %sub3A_248 = vector.broadcast %sub3A_247 : f32 to vector<16xf32>
      %sub3A_249 = arith.subf %abs3A, %sub3A_248 : vector<16xf32>
      %mul3A_250 = arith.constant 7.500000e+01 : f32
      %mul3A_251 = vector.broadcast %mul3A_250 : f32 to vector<16xf32>
      %mul3A_252 = arith.mulf %sub3A_249, %mul3A_251 : vector<16xf32>
      %add3A_253 = arith.constant 7.500000e+01 : f32
      %add3A_254 = vector.broadcast %add3A_253 : f32 to vector<16xf32>
      %add3A_255 = arith.addf %mul3A_252, %add3A_254 : vector<16xf32>
      %convert_element_type3A = arith.fptosi %add3A_255 : vector<16xf32> to vector<16xi32>
      %jit3A_256 = arith.constant 0 : i32
      %jit3A_257 = arith.constant 159 : i32
      %max3A = vector.broadcast %jit3A_256 : i32 to vector<16xi32>
      %max3A_258 = arith.maxsi %max3A, %convert_element_type3A : vector<16xi32>
      %min3A = vector.broadcast %jit3A_257 : i32 to vector<16xi32>
      %min3A_259 = arith.minsi %min3A, %max3A_258 : vector<16xi32>
      %mul3A_260 = arith.constant 160 : i32
      %mul3A_261 = vector.broadcast %mul3A_260 : i32 to vector<16xi32>
      %mul3A_262 = arith.muli %shift_right_logical3A_246, %mul3A_261 : vector<16xi32>
      %add3A_263 = arith.addi %mul3A_31, %mul3A_262 : vector<16xi32>
      %add3A_264 = arith.addi %add3A_263, %min3A_259 : vector<16xi32>
      %mul3A_265 = arith.constant 4.096000e+03 : f32
      %mul3A_266 = vector.broadcast %mul3A_265 : f32 to vector<16xf32>
      %mul3A_267 = arith.mulf %sub3A_249, %mul3A_266 : vector<16xf32>
      %add3A_268 = arith.constant 4194304.5 : f32
      %add3A_269 = vector.broadcast %add3A_268 : f32 to vector<16xf32>
      %add3A_270 = arith.addf %mul3A_267, %add3A_269 : vector<16xf32>
      %convert_element_type3A_271 = arith.fptosi %add3A_270 : vector<16xf32> to vector<16xi32>
      tpu.vector_store_idx %arg6[%add3A_264], %convert_element_type3A_271 masked %gt3A_244 {add = true} : memref<5120xi32, #tpu.memory_space<vmem>>[vector<16xi32>], vector<16xi32>, vector<16xi1>
      %mul3A_272 = arith.constant 16 : i32
      %mul3A_273 = arith.muli %while3A_232, %mul3A_272 : i32
      %add3A_274 = arith.constant 512 : i32
      %add3A_275 = arith.addi %add3A_274, %mul3A_273 : i32
      %get3A_276 = arith.index_cast %add3A_275 : i32 to index
      %get3A_277 = tpu.vector_load %arg5[%get3A_276] {strides = array<i32>} : memref<8192xf32, #tpu.memory_space<vmem>>, vector<16xf32>,
      %add3A_278 = arith.constant 1 : i32
      %add3A_279 = arith.addi %mul3A_2, %add3A_278 : i32
      %gt3A_280 = vector.broadcast %add3A_279 : i32 to vector<16xi32>
      %gt3A_281 = arith.cmpi sgt, %add3A_236, %gt3A_280 : vector<16xi32>
      %bitcast3A_282 = vector.bitcast %get3A_277 : vector<16xf32> to vector<16xi32>
      %shift_right_logical3A_283 = arith.constant 31 : i32
      %shift_right_logical3A_284 = vector.broadcast %shift_right_logical3A_283 : i32 to vector<16xi32>
      %shift_right_logical3A_285 = arith.shrui %bitcast3A_282, %shift_right_logical3A_284 : vector<16xi32>
      %abs3A_286 = math.absf %get3A_277 : vector<16xf32>
      %sub3A_287 = arith.constant 3.000000e+00 : f32
      %sub3A_288 = vector.broadcast %sub3A_287 : f32 to vector<16xf32>
      %sub3A_289 = arith.subf %abs3A_286, %sub3A_288 : vector<16xf32>
      %mul3A_290 = arith.constant 7.500000e+01 : f32
      %mul3A_291 = vector.broadcast %mul3A_290 : f32 to vector<16xf32>
      %mul3A_292 = arith.mulf %sub3A_289, %mul3A_291 : vector<16xf32>
      %add3A_293 = arith.constant 7.500000e+01 : f32
      %add3A_294 = vector.broadcast %add3A_293 : f32 to vector<16xf32>
      %add3A_295 = arith.addf %mul3A_292, %add3A_294 : vector<16xf32>
      %convert_element_type3A_296 = arith.fptosi %add3A_295 : vector<16xf32> to vector<16xi32>
      %jit3A_297 = arith.constant 0 : i32
      %jit3A_298 = arith.constant 159 : i32
      %max3A_299 = vector.broadcast %jit3A_297 : i32 to vector<16xi32>
      %max3A_300 = arith.maxsi %max3A_299, %convert_element_type3A_296 : vector<16xi32>
      %min3A_301 = vector.broadcast %jit3A_298 : i32 to vector<16xi32>
      %min3A_302 = arith.minsi %min3A_301, %max3A_300 : vector<16xi32>
      %mul3A_303 = arith.constant 160 : i32
      %mul3A_304 = vector.broadcast %mul3A_303 : i32 to vector<16xi32>
      %mul3A_305 = arith.muli %shift_right_logical3A_285, %mul3A_304 : vector<16xi32>
      %add3A_306 = arith.addi %mul3A_31, %mul3A_305 : vector<16xi32>
      %add3A_307 = arith.addi %add3A_306, %min3A_302 : vector<16xi32>
      %mul3A_308 = arith.constant 4.096000e+03 : f32
      %mul3A_309 = vector.broadcast %mul3A_308 : f32 to vector<16xf32>
      %mul3A_310 = arith.mulf %sub3A_289, %mul3A_309 : vector<16xf32>
      %add3A_311 = arith.constant 4194304.5 : f32
      %add3A_312 = vector.broadcast %add3A_311 : f32 to vector<16xf32>
      %add3A_313 = arith.addf %mul3A_310, %add3A_312 : vector<16xf32>
      %convert_element_type3A_314 = arith.fptosi %add3A_313 : vector<16xf32> to vector<16xi32>
      tpu.vector_store_idx %arg6[%add3A_307], %convert_element_type3A_314 masked %gt3A_281 {add = true} : memref<5120xi32, #tpu.memory_space<vmem>>[vector<16xi32>], vector<16xi32>, vector<16xi1>
      %mul3A_315 = arith.constant 16 : i32
      %mul3A_316 = arith.muli %while3A_232, %mul3A_315 : i32
      %add3A_317 = arith.constant 1024 : i32
      %add3A_318 = arith.addi %add3A_317, %mul3A_316 : i32
      %get3A_319 = arith.index_cast %add3A_318 : i32 to index
      %get3A_320 = tpu.vector_load %arg5[%get3A_319] {strides = array<i32>} : memref<8192xf32, #tpu.memory_space<vmem>>, vector<16xf32>,
      %add3A_321 = arith.constant 2 : i32
      %add3A_322 = arith.addi %mul3A_2, %add3A_321 : i32
      %gt3A_323 = vector.broadcast %add3A_322 : i32 to vector<16xi32>
      %gt3A_324 = arith.cmpi sgt, %add3A_236, %gt3A_323 : vector<16xi32>
      %bitcast3A_325 = vector.bitcast %get3A_320 : vector<16xf32> to vector<16xi32>
      %shift_right_logical3A_326 = arith.constant 31 : i32
      %shift_right_logical3A_327 = vector.broadcast %shift_right_logical3A_326 : i32 to vector<16xi32>
      %shift_right_logical3A_328 = arith.shrui %bitcast3A_325, %shift_right_logical3A_327 : vector<16xi32>
      %abs3A_329 = math.absf %get3A_320 : vector<16xf32>
      %sub3A_330 = arith.constant 3.000000e+00 : f32
      %sub3A_331 = vector.broadcast %sub3A_330 : f32 to vector<16xf32>
      %sub3A_332 = arith.subf %abs3A_329, %sub3A_331 : vector<16xf32>
      %mul3A_333 = arith.constant 7.500000e+01 : f32
      %mul3A_334 = vector.broadcast %mul3A_333 : f32 to vector<16xf32>
      %mul3A_335 = arith.mulf %sub3A_332, %mul3A_334 : vector<16xf32>
      %add3A_336 = arith.constant 7.500000e+01 : f32
      %add3A_337 = vector.broadcast %add3A_336 : f32 to vector<16xf32>
      %add3A_338 = arith.addf %mul3A_335, %add3A_337 : vector<16xf32>
      %convert_element_type3A_339 = arith.fptosi %add3A_338 : vector<16xf32> to vector<16xi32>
      %jit3A_340 = arith.constant 0 : i32
      %jit3A_341 = arith.constant 159 : i32
      %max3A_342 = vector.broadcast %jit3A_340 : i32 to vector<16xi32>
      %max3A_343 = arith.maxsi %max3A_342, %convert_element_type3A_339 : vector<16xi32>
      %min3A_344 = vector.broadcast %jit3A_341 : i32 to vector<16xi32>
      %min3A_345 = arith.minsi %min3A_344, %max3A_343 : vector<16xi32>
      %mul3A_346 = arith.constant 160 : i32
      %mul3A_347 = vector.broadcast %mul3A_346 : i32 to vector<16xi32>
      %mul3A_348 = arith.muli %shift_right_logical3A_328, %mul3A_347 : vector<16xi32>
      %add3A_349 = arith.addi %mul3A_31, %mul3A_348 : vector<16xi32>
      %add3A_350 = arith.addi %add3A_349, %min3A_345 : vector<16xi32>
      %mul3A_351 = arith.constant 4.096000e+03 : f32
      %mul3A_352 = vector.broadcast %mul3A_351 : f32 to vector<16xf32>
      %mul3A_353 = arith.mulf %sub3A_332, %mul3A_352 : vector<16xf32>
      %add3A_354 = arith.constant 4194304.5 : f32
      %add3A_355 = vector.broadcast %add3A_354 : f32 to vector<16xf32>
      %add3A_356 = arith.addf %mul3A_353, %add3A_355 : vector<16xf32>
      %convert_element_type3A_357 = arith.fptosi %add3A_356 : vector<16xf32> to vector<16xi32>
      tpu.vector_store_idx %arg6[%add3A_350], %convert_element_type3A_357 masked %gt3A_324 {add = true} : memref<5120xi32, #tpu.memory_space<vmem>>[vector<16xi32>], vector<16xi32>, vector<16xi1>
      %mul3A_358 = arith.constant 16 : i32
      %mul3A_359 = arith.muli %while3A_232, %mul3A_358 : i32
      %add3A_360 = arith.constant 1536 : i32
      %add3A_361 = arith.addi %add3A_360, %mul3A_359 : i32
      %get3A_362 = arith.index_cast %add3A_361 : i32 to index
      %get3A_363 = tpu.vector_load %arg5[%get3A_362] {strides = array<i32>} : memref<8192xf32, #tpu.memory_space<vmem>>, vector<16xf32>,
      %add3A_364 = arith.constant 3 : i32
      %add3A_365 = arith.addi %mul3A_2, %add3A_364 : i32
      %gt3A_366 = vector.broadcast %add3A_365 : i32 to vector<16xi32>
      %gt3A_367 = arith.cmpi sgt, %add3A_236, %gt3A_366 : vector<16xi32>
      %bitcast3A_368 = vector.bitcast %get3A_363 : vector<16xf32> to vector<16xi32>
      %shift_right_logical3A_369 = arith.constant 31 : i32
      %shift_right_logical3A_370 = vector.broadcast %shift_right_logical3A_369 : i32 to vector<16xi32>
      %shift_right_logical3A_371 = arith.shrui %bitcast3A_368, %shift_right_logical3A_370 : vector<16xi32>
      %abs3A_372 = math.absf %get3A_363 : vector<16xf32>
      %sub3A_373 = arith.constant 3.000000e+00 : f32
      %sub3A_374 = vector.broadcast %sub3A_373 : f32 to vector<16xf32>
      %sub3A_375 = arith.subf %abs3A_372, %sub3A_374 : vector<16xf32>
      %mul3A_376 = arith.constant 7.500000e+01 : f32
      %mul3A_377 = vector.broadcast %mul3A_376 : f32 to vector<16xf32>
      %mul3A_378 = arith.mulf %sub3A_375, %mul3A_377 : vector<16xf32>
      %add3A_379 = arith.constant 7.500000e+01 : f32
      %add3A_380 = vector.broadcast %add3A_379 : f32 to vector<16xf32>
      %add3A_381 = arith.addf %mul3A_378, %add3A_380 : vector<16xf32>
      %convert_element_type3A_382 = arith.fptosi %add3A_381 : vector<16xf32> to vector<16xi32>
      %jit3A_383 = arith.constant 0 : i32
      %jit3A_384 = arith.constant 159 : i32
      %max3A_385 = vector.broadcast %jit3A_383 : i32 to vector<16xi32>
      %max3A_386 = arith.maxsi %max3A_385, %convert_element_type3A_382 : vector<16xi32>
      %min3A_387 = vector.broadcast %jit3A_384 : i32 to vector<16xi32>
      %min3A_388 = arith.minsi %min3A_387, %max3A_386 : vector<16xi32>
      %mul3A_389 = arith.constant 160 : i32
      %mul3A_390 = vector.broadcast %mul3A_389 : i32 to vector<16xi32>
      %mul3A_391 = arith.muli %shift_right_logical3A_371, %mul3A_390 : vector<16xi32>
      %add3A_392 = arith.addi %mul3A_31, %mul3A_391 : vector<16xi32>
      %add3A_393 = arith.addi %add3A_392, %min3A_388 : vector<16xi32>
      %mul3A_394 = arith.constant 4.096000e+03 : f32
      %mul3A_395 = vector.broadcast %mul3A_394 : f32 to vector<16xf32>
      %mul3A_396 = arith.mulf %sub3A_375, %mul3A_395 : vector<16xf32>
      %add3A_397 = arith.constant 4194304.5 : f32
      %add3A_398 = vector.broadcast %add3A_397 : f32 to vector<16xf32>
      %add3A_399 = arith.addf %mul3A_396, %add3A_398 : vector<16xf32>
      %convert_element_type3A_400 = arith.fptosi %add3A_399 : vector<16xf32> to vector<16xi32>
      tpu.vector_store_idx %arg6[%add3A_393], %convert_element_type3A_400 masked %gt3A_367 {add = true} : memref<5120xi32, #tpu.memory_space<vmem>>[vector<16xi32>], vector<16xi32>, vector<16xi1>
      %mul3A_401 = arith.constant 16 : i32
      %mul3A_402 = arith.muli %while3A_232, %mul3A_401 : i32
      %add3A_403 = arith.constant 2048 : i32
      %add3A_404 = arith.addi %add3A_403, %mul3A_402 : i32
      %get3A_405 = arith.index_cast %add3A_404 : i32 to index
      %get3A_406 = tpu.vector_load %arg5[%get3A_405] {strides = array<i32>} : memref<8192xf32, #tpu.memory_space<vmem>>, vector<16xf32>,
      %add3A_407 = arith.constant 4 : i32
      %add3A_408 = arith.addi %mul3A_2, %add3A_407 : i32
      %gt3A_409 = vector.broadcast %add3A_408 : i32 to vector<16xi32>
      %gt3A_410 = arith.cmpi sgt, %add3A_236, %gt3A_409 : vector<16xi32>
      %bitcast3A_411 = vector.bitcast %get3A_406 : vector<16xf32> to vector<16xi32>
      %shift_right_logical3A_412 = arith.constant 31 : i32
      %shift_right_logical3A_413 = vector.broadcast %shift_right_logical3A_412 : i32 to vector<16xi32>
      %shift_right_logical3A_414 = arith.shrui %bitcast3A_411, %shift_right_logical3A_413 : vector<16xi32>
      %abs3A_415 = math.absf %get3A_406 : vector<16xf32>
      %sub3A_416 = arith.constant 3.000000e+00 : f32
      %sub3A_417 = vector.broadcast %sub3A_416 : f32 to vector<16xf32>
      %sub3A_418 = arith.subf %abs3A_415, %sub3A_417 : vector<16xf32>
      %mul3A_419 = arith.constant 7.500000e+01 : f32
      %mul3A_420 = vector.broadcast %mul3A_419 : f32 to vector<16xf32>
      %mul3A_421 = arith.mulf %sub3A_418, %mul3A_420 : vector<16xf32>
      %add3A_422 = arith.constant 7.500000e+01 : f32
      %add3A_423 = vector.broadcast %add3A_422 : f32 to vector<16xf32>
      %add3A_424 = arith.addf %mul3A_421, %add3A_423 : vector<16xf32>
      %convert_element_type3A_425 = arith.fptosi %add3A_424 : vector<16xf32> to vector<16xi32>
      %jit3A_426 = arith.constant 0 : i32
      %jit3A_427 = arith.constant 159 : i32
      %max3A_428 = vector.broadcast %jit3A_426 : i32 to vector<16xi32>
      %max3A_429 = arith.maxsi %max3A_428, %convert_element_type3A_425 : vector<16xi32>
      %min3A_430 = vector.broadcast %jit3A_427 : i32 to vector<16xi32>
      %min3A_431 = arith.minsi %min3A_430, %max3A_429 : vector<16xi32>
      %mul3A_432 = arith.constant 160 : i32
      %mul3A_433 = vector.broadcast %mul3A_432 : i32 to vector<16xi32>
      %mul3A_434 = arith.muli %shift_right_logical3A_414, %mul3A_433 : vector<16xi32>
      %add3A_435 = arith.addi %mul3A_31, %mul3A_434 : vector<16xi32>
      %add3A_436 = arith.addi %add3A_435, %min3A_431 : vector<16xi32>
      %mul3A_437 = arith.constant 4.096000e+03 : f32
      %mul3A_438 = vector.broadcast %mul3A_437 : f32 to vector<16xf32>
      %mul3A_439 = arith.mulf %sub3A_418, %mul3A_438 : vector<16xf32>
      %add3A_440 = arith.constant 4194304.5 : f32
      %add3A_441 = vector.broadcast %add3A_440 : f32 to vector<16xf32>
      %add3A_442 = arith.addf %mul3A_439, %add3A_441 : vector<16xf32>
      %convert_element_type3A_443 = arith.fptosi %add3A_442 : vector<16xf32> to vector<16xi32>
      tpu.vector_store_idx %arg6[%add3A_436], %convert_element_type3A_443 masked %gt3A_410 {add = true} : memref<5120xi32, #tpu.memory_space<vmem>>[vector<16xi32>], vector<16xi32>, vector<16xi1>
      %mul3A_444 = arith.constant 16 : i32
      %mul3A_445 = arith.muli %while3A_232, %mul3A_444 : i32
      %add3A_446 = arith.constant 2560 : i32
      %add3A_447 = arith.addi %add3A_446, %mul3A_445 : i32
      %get3A_448 = arith.index_cast %add3A_447 : i32 to index
      %get3A_449 = tpu.vector_load %arg5[%get3A_448] {strides = array<i32>} : memref<8192xf32, #tpu.memory_space<vmem>>, vector<16xf32>,
      %add3A_450 = arith.constant 5 : i32
      %add3A_451 = arith.addi %mul3A_2, %add3A_450 : i32
      %gt3A_452 = vector.broadcast %add3A_451 : i32 to vector<16xi32>
      %gt3A_453 = arith.cmpi sgt, %add3A_236, %gt3A_452 : vector<16xi32>
      %bitcast3A_454 = vector.bitcast %get3A_449 : vector<16xf32> to vector<16xi32>
      %shift_right_logical3A_455 = arith.constant 31 : i32
      %shift_right_logical3A_456 = vector.broadcast %shift_right_logical3A_455 : i32 to vector<16xi32>
      %shift_right_logical3A_457 = arith.shrui %bitcast3A_454, %shift_right_logical3A_456 : vector<16xi32>
      %abs3A_458 = math.absf %get3A_449 : vector<16xf32>
      %sub3A_459 = arith.constant 3.000000e+00 : f32
      %sub3A_460 = vector.broadcast %sub3A_459 : f32 to vector<16xf32>
      %sub3A_461 = arith.subf %abs3A_458, %sub3A_460 : vector<16xf32>
      %mul3A_462 = arith.constant 7.500000e+01 : f32
      %mul3A_463 = vector.broadcast %mul3A_462 : f32 to vector<16xf32>
      %mul3A_464 = arith.mulf %sub3A_461, %mul3A_463 : vector<16xf32>
      %add3A_465 = arith.constant 7.500000e+01 : f32
      %add3A_466 = vector.broadcast %add3A_465 : f32 to vector<16xf32>
      %add3A_467 = arith.addf %mul3A_464, %add3A_466 : vector<16xf32>
      %convert_element_type3A_468 = arith.fptosi %add3A_467 : vector<16xf32> to vector<16xi32>
      %jit3A_469 = arith.constant 0 : i32
      %jit3A_470 = arith.constant 159 : i32
      %max3A_471 = vector.broadcast %jit3A_469 : i32 to vector<16xi32>
      %max3A_472 = arith.maxsi %max3A_471, %convert_element_type3A_468 : vector<16xi32>
      %min3A_473 = vector.broadcast %jit3A_470 : i32 to vector<16xi32>
      %min3A_474 = arith.minsi %min3A_473, %max3A_472 : vector<16xi32>
      %mul3A_475 = arith.constant 160 : i32
      %mul3A_476 = vector.broadcast %mul3A_475 : i32 to vector<16xi32>
      %mul3A_477 = arith.muli %shift_right_logical3A_457, %mul3A_476 : vector<16xi32>
      %add3A_478 = arith.addi %mul3A_31, %mul3A_477 : vector<16xi32>
      %add3A_479 = arith.addi %add3A_478, %min3A_474 : vector<16xi32>
      %mul3A_480 = arith.constant 4.096000e+03 : f32
      %mul3A_481 = vector.broadcast %mul3A_480 : f32 to vector<16xf32>
      %mul3A_482 = arith.mulf %sub3A_461, %mul3A_481 : vector<16xf32>
      %add3A_483 = arith.constant 4194304.5 : f32
      %add3A_484 = vector.broadcast %add3A_483 : f32 to vector<16xf32>
      %add3A_485 = arith.addf %mul3A_482, %add3A_484 : vector<16xf32>
      %convert_element_type3A_486 = arith.fptosi %add3A_485 : vector<16xf32> to vector<16xi32>
      tpu.vector_store_idx %arg6[%add3A_479], %convert_element_type3A_486 masked %gt3A_453 {add = true} : memref<5120xi32, #tpu.memory_space<vmem>>[vector<16xi32>], vector<16xi32>, vector<16xi1>
      %mul3A_487 = arith.constant 16 : i32
      %mul3A_488 = arith.muli %while3A_232, %mul3A_487 : i32
      %add3A_489 = arith.constant 3072 : i32
      %add3A_490 = arith.addi %add3A_489, %mul3A_488 : i32
      %get3A_491 = arith.index_cast %add3A_490 : i32 to index
      %get3A_492 = tpu.vector_load %arg5[%get3A_491] {strides = array<i32>} : memref<8192xf32, #tpu.memory_space<vmem>>, vector<16xf32>,
      %add3A_493 = arith.constant 6 : i32
      %add3A_494 = arith.addi %mul3A_2, %add3A_493 : i32
      %gt3A_495 = vector.broadcast %add3A_494 : i32 to vector<16xi32>
      %gt3A_496 = arith.cmpi sgt, %add3A_236, %gt3A_495 : vector<16xi32>
      %bitcast3A_497 = vector.bitcast %get3A_492 : vector<16xf32> to vector<16xi32>
      %shift_right_logical3A_498 = arith.constant 31 : i32
      %shift_right_logical3A_499 = vector.broadcast %shift_right_logical3A_498 : i32 to vector<16xi32>
      %shift_right_logical3A_500 = arith.shrui %bitcast3A_497, %shift_right_logical3A_499 : vector<16xi32>
      %abs3A_501 = math.absf %get3A_492 : vector<16xf32>
      %sub3A_502 = arith.constant 3.000000e+00 : f32
      %sub3A_503 = vector.broadcast %sub3A_502 : f32 to vector<16xf32>
      %sub3A_504 = arith.subf %abs3A_501, %sub3A_503 : vector<16xf32>
      %mul3A_505 = arith.constant 7.500000e+01 : f32
      %mul3A_506 = vector.broadcast %mul3A_505 : f32 to vector<16xf32>
      %mul3A_507 = arith.mulf %sub3A_504, %mul3A_506 : vector<16xf32>
      %add3A_508 = arith.constant 7.500000e+01 : f32
      %add3A_509 = vector.broadcast %add3A_508 : f32 to vector<16xf32>
      %add3A_510 = arith.addf %mul3A_507, %add3A_509 : vector<16xf32>
      %convert_element_type3A_511 = arith.fptosi %add3A_510 : vector<16xf32> to vector<16xi32>
      %jit3A_512 = arith.constant 0 : i32
      %jit3A_513 = arith.constant 159 : i32
      %max3A_514 = vector.broadcast %jit3A_512 : i32 to vector<16xi32>
      %max3A_515 = arith.maxsi %max3A_514, %convert_element_type3A_511 : vector<16xi32>
      %min3A_516 = vector.broadcast %jit3A_513 : i32 to vector<16xi32>
      %min3A_517 = arith.minsi %min3A_516, %max3A_515 : vector<16xi32>
      %mul3A_518 = arith.constant 160 : i32
      %mul3A_519 = vector.broadcast %mul3A_518 : i32 to vector<16xi32>
      %mul3A_520 = arith.muli %shift_right_logical3A_500, %mul3A_519 : vector<16xi32>
      %add3A_521 = arith.addi %mul3A_31, %mul3A_520 : vector<16xi32>
      %add3A_522 = arith.addi %add3A_521, %min3A_517 : vector<16xi32>
      %mul3A_523 = arith.constant 4.096000e+03 : f32
      %mul3A_524 = vector.broadcast %mul3A_523 : f32 to vector<16xf32>
      %mul3A_525 = arith.mulf %sub3A_504, %mul3A_524 : vector<16xf32>
      %add3A_526 = arith.constant 4194304.5 : f32
      %add3A_527 = vector.broadcast %add3A_526 : f32 to vector<16xf32>
      %add3A_528 = arith.addf %mul3A_525, %add3A_527 : vector<16xf32>
      %convert_element_type3A_529 = arith.fptosi %add3A_528 : vector<16xf32> to vector<16xi32>
      tpu.vector_store_idx %arg6[%add3A_522], %convert_element_type3A_529 masked %gt3A_496 {add = true} : memref<5120xi32, #tpu.memory_space<vmem>>[vector<16xi32>], vector<16xi32>, vector<16xi1>
      %mul3A_530 = arith.constant 16 : i32
      %mul3A_531 = arith.muli %while3A_232, %mul3A_530 : i32
      %add3A_532 = arith.constant 3584 : i32
      %add3A_533 = arith.addi %add3A_532, %mul3A_531 : i32
      %get3A_534 = arith.index_cast %add3A_533 : i32 to index
      %get3A_535 = tpu.vector_load %arg5[%get3A_534] {strides = array<i32>} : memref<8192xf32, #tpu.memory_space<vmem>>, vector<16xf32>,
      %add3A_536 = arith.constant 7 : i32
      %add3A_537 = arith.addi %mul3A_2, %add3A_536 : i32
      %gt3A_538 = vector.broadcast %add3A_537 : i32 to vector<16xi32>
      %gt3A_539 = arith.cmpi sgt, %add3A_236, %gt3A_538 : vector<16xi32>
      %bitcast3A_540 = vector.bitcast %get3A_535 : vector<16xf32> to vector<16xi32>
      %shift_right_logical3A_541 = arith.constant 31 : i32
      %shift_right_logical3A_542 = vector.broadcast %shift_right_logical3A_541 : i32 to vector<16xi32>
      %shift_right_logical3A_543 = arith.shrui %bitcast3A_540, %shift_right_logical3A_542 : vector<16xi32>
      %abs3A_544 = math.absf %get3A_535 : vector<16xf32>
      %sub3A_545 = arith.constant 3.000000e+00 : f32
      %sub3A_546 = vector.broadcast %sub3A_545 : f32 to vector<16xf32>
      %sub3A_547 = arith.subf %abs3A_544, %sub3A_546 : vector<16xf32>
      %mul3A_548 = arith.constant 7.500000e+01 : f32
      %mul3A_549 = vector.broadcast %mul3A_548 : f32 to vector<16xf32>
      %mul3A_550 = arith.mulf %sub3A_547, %mul3A_549 : vector<16xf32>
      %add3A_551 = arith.constant 7.500000e+01 : f32
      %add3A_552 = vector.broadcast %add3A_551 : f32 to vector<16xf32>
      %add3A_553 = arith.addf %mul3A_550, %add3A_552 : vector<16xf32>
      %convert_element_type3A_554 = arith.fptosi %add3A_553 : vector<16xf32> to vector<16xi32>
      %jit3A_555 = arith.constant 0 : i32
      %jit3A_556 = arith.constant 159 : i32
      %max3A_557 = vector.broadcast %jit3A_555 : i32 to vector<16xi32>
      %max3A_558 = arith.maxsi %max3A_557, %convert_element_type3A_554 : vector<16xi32>
      %min3A_559 = vector.broadcast %jit3A_556 : i32 to vector<16xi32>
      %min3A_560 = arith.minsi %min3A_559, %max3A_558 : vector<16xi32>
      %mul3A_561 = arith.constant 160 : i32
      %mul3A_562 = vector.broadcast %mul3A_561 : i32 to vector<16xi32>
      %mul3A_563 = arith.muli %shift_right_logical3A_543, %mul3A_562 : vector<16xi32>
      %add3A_564 = arith.addi %mul3A_31, %mul3A_563 : vector<16xi32>
      %add3A_565 = arith.addi %add3A_564, %min3A_560 : vector<16xi32>
      %mul3A_566 = arith.constant 4.096000e+03 : f32
      %mul3A_567 = vector.broadcast %mul3A_566 : f32 to vector<16xf32>
      %mul3A_568 = arith.mulf %sub3A_547, %mul3A_567 : vector<16xf32>
      %add3A_569 = arith.constant 4194304.5 : f32
      %add3A_570 = vector.broadcast %add3A_569 : f32 to vector<16xf32>
      %add3A_571 = arith.addf %mul3A_568, %add3A_570 : vector<16xf32>
      %convert_element_type3A_572 = arith.fptosi %add3A_571 : vector<16xf32> to vector<16xi32>
      tpu.vector_store_idx %arg6[%add3A_565], %convert_element_type3A_572 masked %gt3A_539 {add = true} : memref<5120xi32, #tpu.memory_space<vmem>>[vector<16xi32>], vector<16xi32>, vector<16xi1>
    }
    %while3A_57 = arith.constant 1 : i32
    scf.for %while3A_232 = %while3A_55 to %while3A_51 step %while3A_57  : i32 {
      %mul3A_233 = arith.constant 16 : i32
      %mul3A_234 = arith.muli %while3A_232, %mul3A_233 : i32
      %add3A_235 = vector.broadcast %mul3A_234 : i32 to vector<16xi32>
      %add3A_236 = arith.addi %iota3A, %add3A_235 : vector<16xi32>
      %mul3A_237 = arith.constant 16 : i32
      %mul3A_238 = arith.muli %while3A_232, %mul3A_237 : i32
      %add3A_239 = arith.constant 0 : i32
      %add3A_240 = arith.addi %add3A_239, %mul3A_238 : i32
      %get3A = arith.index_cast %add3A_240 : i32 to index
      %get3A_241 = tpu.vector_load %arg5[%get3A] {strides = array<i32>} : memref<8192xf32, #tpu.memory_space<vmem>>, vector<16xf32>,
      %add3A_242 = arith.constant 0 : i32
      %add3A_243 = arith.addi %mul3A_2, %add3A_242 : i32
      %gt3A = vector.broadcast %add3A_243 : i32 to vector<16xi32>
      %gt3A_244 = arith.cmpi sgt, %add3A_236, %gt3A : vector<16xi32>
      %bitcast3A = vector.bitcast %get3A_241 : vector<16xf32> to vector<16xi32>
      %shift_right_logical3A = arith.constant 31 : i32
      %shift_right_logical3A_245 = vector.broadcast %shift_right_logical3A : i32 to vector<16xi32>
      %shift_right_logical3A_246 = arith.shrui %bitcast3A, %shift_right_logical3A_245 : vector<16xi32>
      %abs3A = math.absf %get3A_241 : vector<16xf32>
      %sub3A_247 = arith.constant 3.000000e+00 : f32
      %sub3A_248 = vector.broadcast %sub3A_247 : f32 to vector<16xf32>
      %sub3A_249 = arith.subf %abs3A, %sub3A_248 : vector<16xf32>
      %mul3A_250 = arith.constant 7.500000e+01 : f32
      %mul3A_251 = vector.broadcast %mul3A_250 : f32 to vector<16xf32>
      %mul3A_252 = arith.mulf %sub3A_249, %mul3A_251 : vector<16xf32>
      %add3A_253 = arith.constant 7.500000e+01 : f32
      %add3A_254 = vector.broadcast %add3A_253 : f32 to vector<16xf32>
      %add3A_255 = arith.addf %mul3A_252, %add3A_254 : vector<16xf32>
      %convert_element_type3A = arith.fptosi %add3A_255 : vector<16xf32> to vector<16xi32>
      %jit3A_256 = arith.constant 0 : i32
      %jit3A_257 = arith.constant 159 : i32
      %max3A = vector.broadcast %jit3A_256 : i32 to vector<16xi32>
      %max3A_258 = arith.maxsi %max3A, %convert_element_type3A : vector<16xi32>
      %min3A = vector.broadcast %jit3A_257 : i32 to vector<16xi32>
      %min3A_259 = arith.minsi %min3A, %max3A_258 : vector<16xi32>
      %mul3A_260 = arith.constant 160 : i32
      %mul3A_261 = vector.broadcast %mul3A_260 : i32 to vector<16xi32>
      %mul3A_262 = arith.muli %shift_right_logical3A_246, %mul3A_261 : vector<16xi32>
      %add3A_263 = arith.addi %mul3A_31, %mul3A_262 : vector<16xi32>
      %add3A_264 = arith.addi %add3A_263, %min3A_259 : vector<16xi32>
      %mul3A_265 = arith.constant 4.096000e+03 : f32
      %mul3A_266 = vector.broadcast %mul3A_265 : f32 to vector<16xf32>
      %mul3A_267 = arith.mulf %sub3A_249, %mul3A_266 : vector<16xf32>
      %add3A_268 = arith.constant 4194304.5 : f32
      %add3A_269 = vector.broadcast %add3A_268 : f32 to vector<16xf32>
      %add3A_270 = arith.addf %mul3A_267, %add3A_269 : vector<16xf32>
      %convert_element_type3A_271 = arith.fptosi %add3A_270 : vector<16xf32> to vector<16xi32>
      tpu.vector_store_idx %arg6[%add3A_264], %convert_element_type3A_271 masked %gt3A_244 {add = true} : memref<5120xi32, #tpu.memory_space<vmem>>[vector<16xi32>], vector<16xi32>, vector<16xi1>
      %mul3A_272 = arith.constant 16 : i32
      %mul3A_273 = arith.muli %while3A_232, %mul3A_272 : i32
      %add3A_274 = arith.constant 512 : i32
      %add3A_275 = arith.addi %add3A_274, %mul3A_273 : i32
      %get3A_276 = arith.index_cast %add3A_275 : i32 to index
      %get3A_277 = tpu.vector_load %arg5[%get3A_276] {strides = array<i32>} : memref<8192xf32, #tpu.memory_space<vmem>>, vector<16xf32>,
      %add3A_278 = arith.constant 1 : i32
      %add3A_279 = arith.addi %mul3A_2, %add3A_278 : i32
      %gt3A_280 = vector.broadcast %add3A_279 : i32 to vector<16xi32>
      %gt3A_281 = arith.cmpi sgt, %add3A_236, %gt3A_280 : vector<16xi32>
      %bitcast3A_282 = vector.bitcast %get3A_277 : vector<16xf32> to vector<16xi32>
      %shift_right_logical3A_283 = arith.constant 31 : i32
      %shift_right_logical3A_284 = vector.broadcast %shift_right_logical3A_283 : i32 to vector<16xi32>
      %shift_right_logical3A_285 = arith.shrui %bitcast3A_282, %shift_right_logical3A_284 : vector<16xi32>
      %abs3A_286 = math.absf %get3A_277 : vector<16xf32>
      %sub3A_287 = arith.constant 3.000000e+00 : f32
      %sub3A_288 = vector.broadcast %sub3A_287 : f32 to vector<16xf32>
      %sub3A_289 = arith.subf %abs3A_286, %sub3A_288 : vector<16xf32>
      %mul3A_290 = arith.constant 7.500000e+01 : f32
      %mul3A_291 = vector.broadcast %mul3A_290 : f32 to vector<16xf32>
      %mul3A_292 = arith.mulf %sub3A_289, %mul3A_291 : vector<16xf32>
      %add3A_293 = arith.constant 7.500000e+01 : f32
      %add3A_294 = vector.broadcast %add3A_293 : f32 to vector<16xf32>
      %add3A_295 = arith.addf %mul3A_292, %add3A_294 : vector<16xf32>
      %convert_element_type3A_296 = arith.fptosi %add3A_295 : vector<16xf32> to vector<16xi32>
      %jit3A_297 = arith.constant 0 : i32
      %jit3A_298 = arith.constant 159 : i32
      %max3A_299 = vector.broadcast %jit3A_297 : i32 to vector<16xi32>
      %max3A_300 = arith.maxsi %max3A_299, %convert_element_type3A_296 : vector<16xi32>
      %min3A_301 = vector.broadcast %jit3A_298 : i32 to vector<16xi32>
      %min3A_302 = arith.minsi %min3A_301, %max3A_300 : vector<16xi32>
      %mul3A_303 = arith.constant 160 : i32
      %mul3A_304 = vector.broadcast %mul3A_303 : i32 to vector<16xi32>
      %mul3A_305 = arith.muli %shift_right_logical3A_285, %mul3A_304 : vector<16xi32>
      %add3A_306 = arith.addi %mul3A_31, %mul3A_305 : vector<16xi32>
      %add3A_307 = arith.addi %add3A_306, %min3A_302 : vector<16xi32>
      %mul3A_308 = arith.constant 4.096000e+03 : f32
      %mul3A_309 = vector.broadcast %mul3A_308 : f32 to vector<16xf32>
      %mul3A_310 = arith.mulf %sub3A_289, %mul3A_309 : vector<16xf32>
      %add3A_311 = arith.constant 4194304.5 : f32
      %add3A_312 = vector.broadcast %add3A_311 : f32 to vector<16xf32>
      %add3A_313 = arith.addf %mul3A_310, %add3A_312 : vector<16xf32>
      %convert_element_type3A_314 = arith.fptosi %add3A_313 : vector<16xf32> to vector<16xi32>
      tpu.vector_store_idx %arg6[%add3A_307], %convert_element_type3A_314 masked %gt3A_281 {add = true} : memref<5120xi32, #tpu.memory_space<vmem>>[vector<16xi32>], vector<16xi32>, vector<16xi1>
      %mul3A_315 = arith.constant 16 : i32
      %mul3A_316 = arith.muli %while3A_232, %mul3A_315 : i32
      %add3A_317 = arith.constant 1024 : i32
      %add3A_318 = arith.addi %add3A_317, %mul3A_316 : i32
      %get3A_319 = arith.index_cast %add3A_318 : i32 to index
      %get3A_320 = tpu.vector_load %arg5[%get3A_319] {strides = array<i32>} : memref<8192xf32, #tpu.memory_space<vmem>>, vector<16xf32>,
      %add3A_321 = arith.constant 2 : i32
      %add3A_322 = arith.addi %mul3A_2, %add3A_321 : i32
      %gt3A_323 = vector.broadcast %add3A_322 : i32 to vector<16xi32>
      %gt3A_324 = arith.cmpi sgt, %add3A_236, %gt3A_323 : vector<16xi32>
      %bitcast3A_325 = vector.bitcast %get3A_320 : vector<16xf32> to vector<16xi32>
      %shift_right_logical3A_326 = arith.constant 31 : i32
      %shift_right_logical3A_327 = vector.broadcast %shift_right_logical3A_326 : i32 to vector<16xi32>
      %shift_right_logical3A_328 = arith.shrui %bitcast3A_325, %shift_right_logical3A_327 : vector<16xi32>
      %abs3A_329 = math.absf %get3A_320 : vector<16xf32>
      %sub3A_330 = arith.constant 3.000000e+00 : f32
      %sub3A_331 = vector.broadcast %sub3A_330 : f32 to vector<16xf32>
      %sub3A_332 = arith.subf %abs3A_329, %sub3A_331 : vector<16xf32>
      %mul3A_333 = arith.constant 7.500000e+01 : f32
      %mul3A_334 = vector.broadcast %mul3A_333 : f32 to vector<16xf32>
      %mul3A_335 = arith.mulf %sub3A_332, %mul3A_334 : vector<16xf32>
      %add3A_336 = arith.constant 7.500000e+01 : f32
      %add3A_337 = vector.broadcast %add3A_336 : f32 to vector<16xf32>
      %add3A_338 = arith.addf %mul3A_335, %add3A_337 : vector<16xf32>
      %convert_element_type3A_339 = arith.fptosi %add3A_338 : vector<16xf32> to vector<16xi32>
      %jit3A_340 = arith.constant 0 : i32
      %jit3A_341 = arith.constant 159 : i32
      %max3A_342 = vector.broadcast %jit3A_340 : i32 to vector<16xi32>
      %max3A_343 = arith.maxsi %max3A_342, %convert_element_type3A_339 : vector<16xi32>
      %min3A_344 = vector.broadcast %jit3A_341 : i32 to vector<16xi32>
      %min3A_345 = arith.minsi %min3A_344, %max3A_343 : vector<16xi32>
      %mul3A_346 = arith.constant 160 : i32
      %mul3A_347 = vector.broadcast %mul3A_346 : i32 to vector<16xi32>
      %mul3A_348 = arith.muli %shift_right_logical3A_328, %mul3A_347 : vector<16xi32>
      %add3A_349 = arith.addi %mul3A_31, %mul3A_348 : vector<16xi32>
      %add3A_350 = arith.addi %add3A_349, %min3A_345 : vector<16xi32>
      %mul3A_351 = arith.constant 4.096000e+03 : f32
      %mul3A_352 = vector.broadcast %mul3A_351 : f32 to vector<16xf32>
      %mul3A_353 = arith.mulf %sub3A_332, %mul3A_352 : vector<16xf32>
      %add3A_354 = arith.constant 4194304.5 : f32
      %add3A_355 = vector.broadcast %add3A_354 : f32 to vector<16xf32>
      %add3A_356 = arith.addf %mul3A_353, %add3A_355 : vector<16xf32>
      %convert_element_type3A_357 = arith.fptosi %add3A_356 : vector<16xf32> to vector<16xi32>
      tpu.vector_store_idx %arg6[%add3A_350], %convert_element_type3A_357 masked %gt3A_324 {add = true} : memref<5120xi32, #tpu.memory_space<vmem>>[vector<16xi32>], vector<16xi32>, vector<16xi1>
      %mul3A_358 = arith.constant 16 : i32
      %mul3A_359 = arith.muli %while3A_232, %mul3A_358 : i32
      %add3A_360 = arith.constant 1536 : i32
      %add3A_361 = arith.addi %add3A_360, %mul3A_359 : i32
      %get3A_362 = arith.index_cast %add3A_361 : i32 to index
      %get3A_363 = tpu.vector_load %arg5[%get3A_362] {strides = array<i32>} : memref<8192xf32, #tpu.memory_space<vmem>>, vector<16xf32>,
      %add3A_364 = arith.constant 3 : i32
      %add3A_365 = arith.addi %mul3A_2, %add3A_364 : i32
      %gt3A_366 = vector.broadcast %add3A_365 : i32 to vector<16xi32>
      %gt3A_367 = arith.cmpi sgt, %add3A_236, %gt3A_366 : vector<16xi32>
      %bitcast3A_368 = vector.bitcast %get3A_363 : vector<16xf32> to vector<16xi32>
      %shift_right_logical3A_369 = arith.constant 31 : i32
      %shift_right_logical3A_370 = vector.broadcast %shift_right_logical3A_369 : i32 to vector<16xi32>
      %shift_right_logical3A_371 = arith.shrui %bitcast3A_368, %shift_right_logical3A_370 : vector<16xi32>
      %abs3A_372 = math.absf %get3A_363 : vector<16xf32>
      %sub3A_373 = arith.constant 3.000000e+00 : f32
      %sub3A_374 = vector.broadcast %sub3A_373 : f32 to vector<16xf32>
      %sub3A_375 = arith.subf %abs3A_372, %sub3A_374 : vector<16xf32>
      %mul3A_376 = arith.constant 7.500000e+01 : f32
      %mul3A_377 = vector.broadcast %mul3A_376 : f32 to vector<16xf32>
      %mul3A_378 = arith.mulf %sub3A_375, %mul3A_377 : vector<16xf32>
      %add3A_379 = arith.constant 7.500000e+01 : f32
      %add3A_380 = vector.broadcast %add3A_379 : f32 to vector<16xf32>
      %add3A_381 = arith.addf %mul3A_378, %add3A_380 : vector<16xf32>
      %convert_element_type3A_382 = arith.fptosi %add3A_381 : vector<16xf32> to vector<16xi32>
      %jit3A_383 = arith.constant 0 : i32
      %jit3A_384 = arith.constant 159 : i32
      %max3A_385 = vector.broadcast %jit3A_383 : i32 to vector<16xi32>
      %max3A_386 = arith.maxsi %max3A_385, %convert_element_type3A_382 : vector<16xi32>
      %min3A_387 = vector.broadcast %jit3A_384 : i32 to vector<16xi32>
      %min3A_388 = arith.minsi %min3A_387, %max3A_386 : vector<16xi32>
      %mul3A_389 = arith.constant 160 : i32
      %mul3A_390 = vector.broadcast %mul3A_389 : i32 to vector<16xi32>
      %mul3A_391 = arith.muli %shift_right_logical3A_371, %mul3A_390 : vector<16xi32>
      %add3A_392 = arith.addi %mul3A_31, %mul3A_391 : vector<16xi32>
      %add3A_393 = arith.addi %add3A_392, %min3A_388 : vector<16xi32>
      %mul3A_394 = arith.constant 4.096000e+03 : f32
      %mul3A_395 = vector.broadcast %mul3A_394 : f32 to vector<16xf32>
      %mul3A_396 = arith.mulf %sub3A_375, %mul3A_395 : vector<16xf32>
      %add3A_397 = arith.constant 4194304.5 : f32
      %add3A_398 = vector.broadcast %add3A_397 : f32 to vector<16xf32>
      %add3A_399 = arith.addf %mul3A_396, %add3A_398 : vector<16xf32>
      %convert_element_type3A_400 = arith.fptosi %add3A_399 : vector<16xf32> to vector<16xi32>
      tpu.vector_store_idx %arg6[%add3A_393], %convert_element_type3A_400 masked %gt3A_367 {add = true} : memref<5120xi32, #tpu.memory_space<vmem>>[vector<16xi32>], vector<16xi32>, vector<16xi1>
      %mul3A_401 = arith.constant 16 : i32
      %mul3A_402 = arith.muli %while3A_232, %mul3A_401 : i32
      %add3A_403 = arith.constant 2048 : i32
      %add3A_404 = arith.addi %add3A_403, %mul3A_402 : i32
      %get3A_405 = arith.index_cast %add3A_404 : i32 to index
      %get3A_406 = tpu.vector_load %arg5[%get3A_405] {strides = array<i32>} : memref<8192xf32, #tpu.memory_space<vmem>>, vector<16xf32>,
      %add3A_407 = arith.constant 4 : i32
      %add3A_408 = arith.addi %mul3A_2, %add3A_407 : i32
      %gt3A_409 = vector.broadcast %add3A_408 : i32 to vector<16xi32>
      %gt3A_410 = arith.cmpi sgt, %add3A_236, %gt3A_409 : vector<16xi32>
      %bitcast3A_411 = vector.bitcast %get3A_406 : vector<16xf32> to vector<16xi32>
      %shift_right_logical3A_412 = arith.constant 31 : i32
      %shift_right_logical3A_413 = vector.broadcast %shift_right_logical3A_412 : i32 to vector<16xi32>
      %shift_right_logical3A_414 = arith.shrui %bitcast3A_411, %shift_right_logical3A_413 : vector<16xi32>
      %abs3A_415 = math.absf %get3A_406 : vector<16xf32>
      %sub3A_416 = arith.constant 3.000000e+00 : f32
      %sub3A_417 = vector.broadcast %sub3A_416 : f32 to vector<16xf32>
      %sub3A_418 = arith.subf %abs3A_415, %sub3A_417 : vector<16xf32>
      %mul3A_419 = arith.constant 7.500000e+01 : f32
      %mul3A_420 = vector.broadcast %mul3A_419 : f32 to vector<16xf32>
      %mul3A_421 = arith.mulf %sub3A_418, %mul3A_420 : vector<16xf32>
      %add3A_422 = arith.constant 7.500000e+01 : f32
      %add3A_423 = vector.broadcast %add3A_422 : f32 to vector<16xf32>
      %add3A_424 = arith.addf %mul3A_421, %add3A_423 : vector<16xf32>
      %convert_element_type3A_425 = arith.fptosi %add3A_424 : vector<16xf32> to vector<16xi32>
      %jit3A_426 = arith.constant 0 : i32
      %jit3A_427 = arith.constant 159 : i32
      %max3A_428 = vector.broadcast %jit3A_426 : i32 to vector<16xi32>
      %max3A_429 = arith.maxsi %max3A_428, %convert_element_type3A_425 : vector<16xi32>
      %min3A_430 = vector.broadcast %jit3A_427 : i32 to vector<16xi32>
      %min3A_431 = arith.minsi %min3A_430, %max3A_429 : vector<16xi32>
      %mul3A_432 = arith.constant 160 : i32
      %mul3A_433 = vector.broadcast %mul3A_432 : i32 to vector<16xi32>
      %mul3A_434 = arith.muli %shift_right_logical3A_414, %mul3A_433 : vector<16xi32>
      %add3A_435 = arith.addi %mul3A_31, %mul3A_434 : vector<16xi32>
      %add3A_436 = arith.addi %add3A_435, %min3A_431 : vector<16xi32>
      %mul3A_437 = arith.constant 4.096000e+03 : f32
      %mul3A_438 = vector.broadcast %mul3A_437 : f32 to vector<16xf32>
      %mul3A_439 = arith.mulf %sub3A_418, %mul3A_438 : vector<16xf32>
      %add3A_440 = arith.constant 4194304.5 : f32
      %add3A_441 = vector.broadcast %add3A_440 : f32 to vector<16xf32>
      %add3A_442 = arith.addf %mul3A_439, %add3A_441 : vector<16xf32>
      %convert_element_type3A_443 = arith.fptosi %add3A_442 : vector<16xf32> to vector<16xi32>
      tpu.vector_store_idx %arg6[%add3A_436], %convert_element_type3A_443 masked %gt3A_410 {add = true} : memref<5120xi32, #tpu.memory_space<vmem>>[vector<16xi32>], vector<16xi32>, vector<16xi1>
      %mul3A_444 = arith.constant 16 : i32
      %mul3A_445 = arith.muli %while3A_232, %mul3A_444 : i32
      %add3A_446 = arith.constant 2560 : i32
      %add3A_447 = arith.addi %add3A_446, %mul3A_445 : i32
      %get3A_448 = arith.index_cast %add3A_447 : i32 to index
      %get3A_449 = tpu.vector_load %arg5[%get3A_448] {strides = array<i32>} : memref<8192xf32, #tpu.memory_space<vmem>>, vector<16xf32>,
      %add3A_450 = arith.constant 5 : i32
      %add3A_451 = arith.addi %mul3A_2, %add3A_450 : i32
      %gt3A_452 = vector.broadcast %add3A_451 : i32 to vector<16xi32>
      %gt3A_453 = arith.cmpi sgt, %add3A_236, %gt3A_452 : vector<16xi32>
      %bitcast3A_454 = vector.bitcast %get3A_449 : vector<16xf32> to vector<16xi32>
      %shift_right_logical3A_455 = arith.constant 31 : i32
      %shift_right_logical3A_456 = vector.broadcast %shift_right_logical3A_455 : i32 to vector<16xi32>
      %shift_right_logical3A_457 = arith.shrui %bitcast3A_454, %shift_right_logical3A_456 : vector<16xi32>
      %abs3A_458 = math.absf %get3A_449 : vector<16xf32>
      %sub3A_459 = arith.constant 3.000000e+00 : f32
      %sub3A_460 = vector.broadcast %sub3A_459 : f32 to vector<16xf32>
      %sub3A_461 = arith.subf %abs3A_458, %sub3A_460 : vector<16xf32>
      %mul3A_462 = arith.constant 7.500000e+01 : f32
      %mul3A_463 = vector.broadcast %mul3A_462 : f32 to vector<16xf32>
      %mul3A_464 = arith.mulf %sub3A_461, %mul3A_463 : vector<16xf32>
      %add3A_465 = arith.constant 7.500000e+01 : f32
      %add3A_466 = vector.broadcast %add3A_465 : f32 to vector<16xf32>
      %add3A_467 = arith.addf %mul3A_464, %add3A_466 : vector<16xf32>
      %convert_element_type3A_468 = arith.fptosi %add3A_467 : vector<16xf32> to vector<16xi32>
      %jit3A_469 = arith.constant 0 : i32
      %jit3A_470 = arith.constant 159 : i32
      %max3A_471 = vector.broadcast %jit3A_469 : i32 to vector<16xi32>
      %max3A_472 = arith.maxsi %max3A_471, %convert_element_type3A_468 : vector<16xi32>
      %min3A_473 = vector.broadcast %jit3A_470 : i32 to vector<16xi32>
      %min3A_474 = arith.minsi %min3A_473, %max3A_472 : vector<16xi32>
      %mul3A_475 = arith.constant 160 : i32
      %mul3A_476 = vector.broadcast %mul3A_475 : i32 to vector<16xi32>
      %mul3A_477 = arith.muli %shift_right_logical3A_457, %mul3A_476 : vector<16xi32>
      %add3A_478 = arith.addi %mul3A_31, %mul3A_477 : vector<16xi32>
      %add3A_479 = arith.addi %add3A_478, %min3A_474 : vector<16xi32>
      %mul3A_480 = arith.constant 4.096000e+03 : f32
      %mul3A_481 = vector.broadcast %mul3A_480 : f32 to vector<16xf32>
      %mul3A_482 = arith.mulf %sub3A_461, %mul3A_481 : vector<16xf32>
      %add3A_483 = arith.constant 4194304.5 : f32
      %add3A_484 = vector.broadcast %add3A_483 : f32 to vector<16xf32>
      %add3A_485 = arith.addf %mul3A_482, %add3A_484 : vector<16xf32>
      %convert_element_type3A_486 = arith.fptosi %add3A_485 : vector<16xf32> to vector<16xi32>
      tpu.vector_store_idx %arg6[%add3A_479], %convert_element_type3A_486 masked %gt3A_453 {add = true} : memref<5120xi32, #tpu.memory_space<vmem>>[vector<16xi32>], vector<16xi32>, vector<16xi1>
      %mul3A_487 = arith.constant 16 : i32
      %mul3A_488 = arith.muli %while3A_232, %mul3A_487 : i32
      %add3A_489 = arith.constant 3072 : i32
      %add3A_490 = arith.addi %add3A_489, %mul3A_488 : i32
      %get3A_491 = arith.index_cast %add3A_490 : i32 to index
      %get3A_492 = tpu.vector_load %arg5[%get3A_491] {strides = array<i32>} : memref<8192xf32, #tpu.memory_space<vmem>>, vector<16xf32>,
      %add3A_493 = arith.constant 6 : i32
      %add3A_494 = arith.addi %mul3A_2, %add3A_493 : i32
      %gt3A_495 = vector.broadcast %add3A_494 : i32 to vector<16xi32>
      %gt3A_496 = arith.cmpi sgt, %add3A_236, %gt3A_495 : vector<16xi32>
      %bitcast3A_497 = vector.bitcast %get3A_492 : vector<16xf32> to vector<16xi32>
      %shift_right_logical3A_498 = arith.constant 31 : i32
      %shift_right_logical3A_499 = vector.broadcast %shift_right_logical3A_498 : i32 to vector<16xi32>
      %shift_right_logical3A_500 = arith.shrui %bitcast3A_497, %shift_right_logical3A_499 : vector<16xi32>
      %abs3A_501 = math.absf %get3A_492 : vector<16xf32>
      %sub3A_502 = arith.constant 3.000000e+00 : f32
      %sub3A_503 = vector.broadcast %sub3A_502 : f32 to vector<16xf32>
      %sub3A_504 = arith.subf %abs3A_501, %sub3A_503 : vector<16xf32>
      %mul3A_505 = arith.constant 7.500000e+01 : f32
      %mul3A_506 = vector.broadcast %mul3A_505 : f32 to vector<16xf32>
      %mul3A_507 = arith.mulf %sub3A_504, %mul3A_506 : vector<16xf32>
      %add3A_508 = arith.constant 7.500000e+01 : f32
      %add3A_509 = vector.broadcast %add3A_508 : f32 to vector<16xf32>
      %add3A_510 = arith.addf %mul3A_507, %add3A_509 : vector<16xf32>
      %convert_element_type3A_511 = arith.fptosi %add3A_510 : vector<16xf32> to vector<16xi32>
      %jit3A_512 = arith.constant 0 : i32
      %jit3A_513 = arith.constant 159 : i32
      %max3A_514 = vector.broadcast %jit3A_512 : i32 to vector<16xi32>
      %max3A_515 = arith.maxsi %max3A_514, %convert_element_type3A_511 : vector<16xi32>
      %min3A_516 = vector.broadcast %jit3A_513 : i32 to vector<16xi32>
      %min3A_517 = arith.minsi %min3A_516, %max3A_515 : vector<16xi32>
      %mul3A_518 = arith.constant 160 : i32
      %mul3A_519 = vector.broadcast %mul3A_518 : i32 to vector<16xi32>
      %mul3A_520 = arith.muli %shift_right_logical3A_500, %mul3A_519 : vector<16xi32>
      %add3A_521 = arith.addi %mul3A_31, %mul3A_520 : vector<16xi32>
      %add3A_522 = arith.addi %add3A_521, %min3A_517 : vector<16xi32>
      %mul3A_523 = arith.constant 4.096000e+03 : f32
      %mul3A_524 = vector.broadcast %mul3A_523 : f32 to vector<16xf32>
      %mul3A_525 = arith.mulf %sub3A_504, %mul3A_524 : vector<16xf32>
      %add3A_526 = arith.constant 4194304.5 : f32
      %add3A_527 = vector.broadcast %add3A_526 : f32 to vector<16xf32>
      %add3A_528 = arith.addf %mul3A_525, %add3A_527 : vector<16xf32>
      %convert_element_type3A_529 = arith.fptosi %add3A_528 : vector<16xf32> to vector<16xi32>
      tpu.vector_store_idx %arg6[%add3A_522], %convert_element_type3A_529 masked %gt3A_496 {add = true} : memref<5120xi32, #tpu.memory_space<vmem>>[vector<16xi32>], vector<16xi32>, vector<16xi1>
      %mul3A_530 = arith.constant 16 : i32
      %mul3A_531 = arith.muli %while3A_232, %mul3A_530 : i32
      %add3A_532 = arith.constant 3584 : i32
      %add3A_533 = arith.addi %add3A_532, %mul3A_531 : i32
      %get3A_534 = arith.index_cast %add3A_533 : i32 to index
      %get3A_535 = tpu.vector_load %arg5[%get3A_534] {strides = array<i32>} : memref<8192xf32, #tpu.memory_space<vmem>>, vector<16xf32>,
      %add3A_536 = arith.constant 7 : i32
      %add3A_537 = arith.addi %mul3A_2, %add3A_536 : i32
      %gt3A_538 = vector.broadcast %add3A_537 : i32 to vector<16xi32>
      %gt3A_539 = arith.cmpi sgt, %add3A_236, %gt3A_538 : vector<16xi32>
      %bitcast3A_540 = vector.bitcast %get3A_535 : vector<16xf32> to vector<16xi32>
      %shift_right_logical3A_541 = arith.constant 31 : i32
      %shift_right_logical3A_542 = vector.broadcast %shift_right_logical3A_541 : i32 to vector<16xi32>
      %shift_right_logical3A_543 = arith.shrui %bitcast3A_540, %shift_right_logical3A_542 : vector<16xi32>
      %abs3A_544 = math.absf %get3A_535 : vector<16xf32>
      %sub3A_545 = arith.constant 3.000000e+00 : f32
      %sub3A_546 = vector.broadcast %sub3A_545 : f32 to vector<16xf32>
      %sub3A_547 = arith.subf %abs3A_544, %sub3A_546 : vector<16xf32>
      %mul3A_548 = arith.constant 7.500000e+01 : f32
      %mul3A_549 = vector.broadcast %mul3A_548 : f32 to vector<16xf32>
      %mul3A_550 = arith.mulf %sub3A_547, %mul3A_549 : vector<16xf32>
      %add3A_551 = arith.constant 7.500000e+01 : f32
      %add3A_552 = vector.broadcast %add3A_551 : f32 to vector<16xf32>
      %add3A_553 = arith.addf %mul3A_550, %add3A_552 : vector<16xf32>
      %convert_element_type3A_554 = arith.fptosi %add3A_553 : vector<16xf32> to vector<16xi32>
      %jit3A_555 = arith.constant 0 : i32
      %jit3A_556 = arith.constant 159 : i32
      %max3A_557 = vector.broadcast %jit3A_555 : i32 to vector<16xi32>
      %max3A_558 = arith.maxsi %max3A_557, %convert_element_type3A_554 : vector<16xi32>
      %min3A_559 = vector.broadcast %jit3A_556 : i32 to vector<16xi32>
      %min3A_560 = arith.minsi %min3A_559, %max3A_558 : vector<16xi32>
      %mul3A_561 = arith.constant 160 : i32
      %mul3A_562 = vector.broadcast %mul3A_561 : i32 to vector<16xi32>
      %mul3A_563 = arith.muli %shift_right_logical3A_543, %mul3A_562 : vector<16xi32>
      %add3A_564 = arith.addi %mul3A_31, %mul3A_563 : vector<16xi32>
      %add3A_565 = arith.addi %add3A_564, %min3A_560 : vector<16xi32>
      %mul3A_566 = arith.constant 4.096000e+03 : f32
      %mul3A_567 = vector.broadcast %mul3A_566 : f32 to vector<16xf32>
      %mul3A_568 = arith.mulf %sub3A_547, %mul3A_567 : vector<16xf32>
      %add3A_569 = arith.constant 4194304.5 : f32
      %add3A_570 = vector.broadcast %add3A_569 : f32 to vector<16xf32>
      %add3A_571 = arith.addf %mul3A_568, %add3A_570 : vector<16xf32>
      %convert_element_type3A_572 = arith.fptosi %add3A_571 : vector<16xf32> to vector<16xi32>
      tpu.vector_store_idx %arg6[%add3A_565], %convert_element_type3A_572 masked %gt3A_539 {add = true} : memref<5120xi32, #tpu.memory_space<vmem>>[vector<16xi32>], vector<16xi32>, vector<16xi1>
    }
    %dma_wait3A_58 = arith.constant 4096 : i32
    %dma_wait3A_59 = tpu.memref_slice %arg5[%dma_wait3A_58] : memref<8192xf32, #tpu.memory_space<vmem>> -> memref<4096xf32, #tpu.memory_space<vmem>>
    %dma_wait3A_60 = tpu.memref_slice %arg2[%mul3A_16] : memref<262144xf32, #tpu.memory_space<hbm>> -> memref<4096xf32, #tpu.memory_space<hbm>>
    %dma_wait3A_61 = arith.constant 4096 : i32
    %dma_wait3A_62 = tpu.memref_slice %arg5[%dma_wait3A_61] : memref<8192xf32, #tpu.memory_space<vmem>> -> memref<4096xf32, #tpu.memory_space<vmem>>
    %dma_wait3A_63 = tpu.memref_slice %arg2[%mul3A_16] : memref<262144xf32, #tpu.memory_space<hbm>> -> memref<4096xf32, #tpu.memory_space<hbm>>
    tpu.wait_dma2 semaphore(%arg9 : memref<!tpu.dma_semaphore, #tpu.memory_space<semaphore_mem>>) src(%dma_wait3A_63 : memref<4096xf32, #tpu.memory_space<hbm>>) dst(%dma_wait3A_62 : memref<4096xf32, #tpu.memory_space<vmem>>)
    %jit3A_64 = arith.constant 16 : i32
    %div3A_65 = arith.divsi %sub3A_7, %jit3A_64 : i32
    %sign3A_66 = arith.constant 0 : i32
    %sign3A_67 = arith.cmpi sgt, %sub3A_7, %sign3A_66 : i32
    %sign3A_68 = arith.extui %sign3A_67 : i1 to i32
    %sign3A_69 = arith.constant 0 : i32
    %sign3A_70 = arith.cmpi slt, %sub3A_7, %sign3A_69 : i32
    %sign3A_71 = arith.extui %sign3A_70 : i1 to i32
    %sign3A_72 = arith.subi %sign3A_68, %sign3A_71 : i32
    %sign3A_73 = arith.constant 0 : i32
    %sign3A_74 = arith.cmpi sgt, %jit3A_64, %sign3A_73 : i32
    %sign3A_75 = arith.extui %sign3A_74 : i1 to i32
    %sign3A_76 = arith.constant 0 : i32
    %sign3A_77 = arith.cmpi slt, %jit3A_64, %sign3A_76 : i32
    %sign3A_78 = arith.extui %sign3A_77 : i1 to i32
    %sign3A_79 = arith.subi %sign3A_75, %sign3A_78 : i32
    %ne3A_80 = arith.cmpi ne, %sign3A_72, %sign3A_79 : i32
    %rem3A_81 = arith.remsi %sub3A_7, %jit3A_64 : i32
    %ne3A_82 = arith.constant 0 : i32
    %ne3A_83 = arith.cmpi ne, %rem3A_81, %ne3A_82 : i32
    %and3A_84 = arith.andi %ne3A_80, %ne3A_83 : i1
    %sub3A_85 = arith.constant 1 : i32
    %sub3A_86 = arith.subi %div3A_65, %sub3A_85 : i32
    %select_n3A_87 = arith.select %and3A_84, %sub3A_86, %div3A_65 : i32
    %while3A_88 = arith.constant 0 : i32
    %while3A_89 = arith.constant 32 : i32
    %while3A_90 = arith.subi %while3A_89, %select_n3A_87 : i32
    %while3A_91 = arith.addi %select_n3A_87, %while3A_90 : i32
    %while3A_92 = arith.constant 1 : i32
    %while3A_93 = arith.divsi %while3A_90, %while3A_92 : i32
    %while3A_94 = arith.muli %while3A_93, %while3A_92 : i32
    %while3A_95 = arith.addi %select_n3A_87, %while3A_94 : i32
    %while3A_96 = arith.constant 1 : i32
    scf.for %while3A_232 = %select_n3A_87 to %while3A_95 step %while3A_96  : i32 {
      %mul3A_233 = arith.constant 16 : i32
      %mul3A_234 = arith.muli %while3A_232, %mul3A_233 : i32
      %add3A_235 = vector.broadcast %mul3A_234 : i32 to vector<16xi32>
      %add3A_236 = arith.addi %iota3A, %add3A_235 : vector<16xi32>
      %mul3A_237 = arith.constant 16 : i32
      %mul3A_238 = arith.muli %while3A_232, %mul3A_237 : i32
      %add3A_239 = arith.constant 4096 : i32
      %add3A_240 = arith.addi %add3A_239, %mul3A_238 : i32
      %get3A = arith.index_cast %add3A_240 : i32 to index
      %get3A_241 = tpu.vector_load %arg5[%get3A] {strides = array<i32>} : memref<8192xf32, #tpu.memory_space<vmem>>, vector<16xf32>,
      %add3A_242 = arith.constant 0 : i32
      %add3A_243 = arith.addi %sub3A_7, %add3A_242 : i32
      %gt3A = vector.broadcast %add3A_243 : i32 to vector<16xi32>
      %gt3A_244 = arith.cmpi sgt, %add3A_236, %gt3A : vector<16xi32>
      %bitcast3A = vector.bitcast %get3A_241 : vector<16xf32> to vector<16xi32>
      %shift_right_logical3A = arith.constant 31 : i32
      %shift_right_logical3A_245 = vector.broadcast %shift_right_logical3A : i32 to vector<16xi32>
      %shift_right_logical3A_246 = arith.shrui %bitcast3A, %shift_right_logical3A_245 : vector<16xi32>
      %abs3A = math.absf %get3A_241 : vector<16xf32>
      %sub3A_247 = arith.constant 3.000000e+00 : f32
      %sub3A_248 = vector.broadcast %sub3A_247 : f32 to vector<16xf32>
      %sub3A_249 = arith.subf %abs3A, %sub3A_248 : vector<16xf32>
      %mul3A_250 = arith.constant 7.500000e+01 : f32
      %mul3A_251 = vector.broadcast %mul3A_250 : f32 to vector<16xf32>
      %mul3A_252 = arith.mulf %sub3A_249, %mul3A_251 : vector<16xf32>
      %add3A_253 = arith.constant 7.500000e+01 : f32
      %add3A_254 = vector.broadcast %add3A_253 : f32 to vector<16xf32>
      %add3A_255 = arith.addf %mul3A_252, %add3A_254 : vector<16xf32>
      %convert_element_type3A = arith.fptosi %add3A_255 : vector<16xf32> to vector<16xi32>
      %jit3A_256 = arith.constant 0 : i32
      %jit3A_257 = arith.constant 159 : i32
      %max3A = vector.broadcast %jit3A_256 : i32 to vector<16xi32>
      %max3A_258 = arith.maxsi %max3A, %convert_element_type3A : vector<16xi32>
      %min3A = vector.broadcast %jit3A_257 : i32 to vector<16xi32>
      %min3A_259 = arith.minsi %min3A, %max3A_258 : vector<16xi32>
      %mul3A_260 = arith.constant 160 : i32
      %mul3A_261 = vector.broadcast %mul3A_260 : i32 to vector<16xi32>
      %mul3A_262 = arith.muli %shift_right_logical3A_246, %mul3A_261 : vector<16xi32>
      %add3A_263 = arith.addi %mul3A_31, %mul3A_262 : vector<16xi32>
      %add3A_264 = arith.addi %add3A_263, %min3A_259 : vector<16xi32>
      %mul3A_265 = arith.constant 4.096000e+03 : f32
      %mul3A_266 = vector.broadcast %mul3A_265 : f32 to vector<16xf32>
      %mul3A_267 = arith.mulf %sub3A_249, %mul3A_266 : vector<16xf32>
      %add3A_268 = arith.constant 4194304.5 : f32
      %add3A_269 = vector.broadcast %add3A_268 : f32 to vector<16xf32>
      %add3A_270 = arith.addf %mul3A_267, %add3A_269 : vector<16xf32>
      %convert_element_type3A_271 = arith.fptosi %add3A_270 : vector<16xf32> to vector<16xi32>
      tpu.vector_store_idx %arg6[%add3A_264], %convert_element_type3A_271 masked %gt3A_244 {add = true} : memref<5120xi32, #tpu.memory_space<vmem>>[vector<16xi32>], vector<16xi32>, vector<16xi1>
      %mul3A_272 = arith.constant 16 : i32
      %mul3A_273 = arith.muli %while3A_232, %mul3A_272 : i32
      %add3A_274 = arith.constant 4608 : i32
      %add3A_275 = arith.addi %add3A_274, %mul3A_273 : i32
      %get3A_276 = arith.index_cast %add3A_275 : i32 to index
      %get3A_277 = tpu.vector_load %arg5[%get3A_276] {strides = array<i32>} : memref<8192xf32, #tpu.memory_space<vmem>>, vector<16xf32>,
      %add3A_278 = arith.constant 1 : i32
      %add3A_279 = arith.addi %sub3A_7, %add3A_278 : i32
      %gt3A_280 = vector.broadcast %add3A_279 : i32 to vector<16xi32>
      %gt3A_281 = arith.cmpi sgt, %add3A_236, %gt3A_280 : vector<16xi32>
      %bitcast3A_282 = vector.bitcast %get3A_277 : vector<16xf32> to vector<16xi32>
      %shift_right_logical3A_283 = arith.constant 31 : i32
      %shift_right_logical3A_284 = vector.broadcast %shift_right_logical3A_283 : i32 to vector<16xi32>
      %shift_right_logical3A_285 = arith.shrui %bitcast3A_282, %shift_right_logical3A_284 : vector<16xi32>
      %abs3A_286 = math.absf %get3A_277 : vector<16xf32>
      %sub3A_287 = arith.constant 3.000000e+00 : f32
      %sub3A_288 = vector.broadcast %sub3A_287 : f32 to vector<16xf32>
      %sub3A_289 = arith.subf %abs3A_286, %sub3A_288 : vector<16xf32>
      %mul3A_290 = arith.constant 7.500000e+01 : f32
      %mul3A_291 = vector.broadcast %mul3A_290 : f32 to vector<16xf32>
      %mul3A_292 = arith.mulf %sub3A_289, %mul3A_291 : vector<16xf32>
      %add3A_293 = arith.constant 7.500000e+01 : f32
      %add3A_294 = vector.broadcast %add3A_293 : f32 to vector<16xf32>
      %add3A_295 = arith.addf %mul3A_292, %add3A_294 : vector<16xf32>
      %convert_element_type3A_296 = arith.fptosi %add3A_295 : vector<16xf32> to vector<16xi32>
      %jit3A_297 = arith.constant 0 : i32
      %jit3A_298 = arith.constant 159 : i32
      %max3A_299 = vector.broadcast %jit3A_297 : i32 to vector<16xi32>
      %max3A_300 = arith.maxsi %max3A_299, %convert_element_type3A_296 : vector<16xi32>
      %min3A_301 = vector.broadcast %jit3A_298 : i32 to vector<16xi32>
      %min3A_302 = arith.minsi %min3A_301, %max3A_300 : vector<16xi32>
      %mul3A_303 = arith.constant 160 : i32
      %mul3A_304 = vector.broadcast %mul3A_303 : i32 to vector<16xi32>
      %mul3A_305 = arith.muli %shift_right_logical3A_285, %mul3A_304 : vector<16xi32>
      %add3A_306 = arith.addi %mul3A_31, %mul3A_305 : vector<16xi32>
      %add3A_307 = arith.addi %add3A_306, %min3A_302 : vector<16xi32>
      %mul3A_308 = arith.constant 4.096000e+03 : f32
      %mul3A_309 = vector.broadcast %mul3A_308 : f32 to vector<16xf32>
      %mul3A_310 = arith.mulf %sub3A_289, %mul3A_309 : vector<16xf32>
      %add3A_311 = arith.constant 4194304.5 : f32
      %add3A_312 = vector.broadcast %add3A_311 : f32 to vector<16xf32>
      %add3A_313 = arith.addf %mul3A_310, %add3A_312 : vector<16xf32>
      %convert_element_type3A_314 = arith.fptosi %add3A_313 : vector<16xf32> to vector<16xi32>
      tpu.vector_store_idx %arg6[%add3A_307], %convert_element_type3A_314 masked %gt3A_281 {add = true} : memref<5120xi32, #tpu.memory_space<vmem>>[vector<16xi32>], vector<16xi32>, vector<16xi1>
      %mul3A_315 = arith.constant 16 : i32
      %mul3A_316 = arith.muli %while3A_232, %mul3A_315 : i32
      %add3A_317 = arith.constant 5120 : i32
      %add3A_318 = arith.addi %add3A_317, %mul3A_316 : i32
      %get3A_319 = arith.index_cast %add3A_318 : i32 to index
      %get3A_320 = tpu.vector_load %arg5[%get3A_319] {strides = array<i32>} : memref<8192xf32, #tpu.memory_space<vmem>>, vector<16xf32>,
      %add3A_321 = arith.constant 2 : i32
      %add3A_322 = arith.addi %sub3A_7, %add3A_321 : i32
      %gt3A_323 = vector.broadcast %add3A_322 : i32 to vector<16xi32>
      %gt3A_324 = arith.cmpi sgt, %add3A_236, %gt3A_323 : vector<16xi32>
      %bitcast3A_325 = vector.bitcast %get3A_320 : vector<16xf32> to vector<16xi32>
      %shift_right_logical3A_326 = arith.constant 31 : i32
      %shift_right_logical3A_327 = vector.broadcast %shift_right_logical3A_326 : i32 to vector<16xi32>
      %shift_right_logical3A_328 = arith.shrui %bitcast3A_325, %shift_right_logical3A_327 : vector<16xi32>
      %abs3A_329 = math.absf %get3A_320 : vector<16xf32>
      %sub3A_330 = arith.constant 3.000000e+00 : f32
      %sub3A_331 = vector.broadcast %sub3A_330 : f32 to vector<16xf32>
      %sub3A_332 = arith.subf %abs3A_329, %sub3A_331 : vector<16xf32>
      %mul3A_333 = arith.constant 7.500000e+01 : f32
      %mul3A_334 = vector.broadcast %mul3A_333 : f32 to vector<16xf32>
      %mul3A_335 = arith.mulf %sub3A_332, %mul3A_334 : vector<16xf32>
      %add3A_336 = arith.constant 7.500000e+01 : f32
      %add3A_337 = vector.broadcast %add3A_336 : f32 to vector<16xf32>
      %add3A_338 = arith.addf %mul3A_335, %add3A_337 : vector<16xf32>
      %convert_element_type3A_339 = arith.fptosi %add3A_338 : vector<16xf32> to vector<16xi32>
      %jit3A_340 = arith.constant 0 : i32
      %jit3A_341 = arith.constant 159 : i32
      %max3A_342 = vector.broadcast %jit3A_340 : i32 to vector<16xi32>
      %max3A_343 = arith.maxsi %max3A_342, %convert_element_type3A_339 : vector<16xi32>
      %min3A_344 = vector.broadcast %jit3A_341 : i32 to vector<16xi32>
      %min3A_345 = arith.minsi %min3A_344, %max3A_343 : vector<16xi32>
      %mul3A_346 = arith.constant 160 : i32
      %mul3A_347 = vector.broadcast %mul3A_346 : i32 to vector<16xi32>
      %mul3A_348 = arith.muli %shift_right_logical3A_328, %mul3A_347 : vector<16xi32>
      %add3A_349 = arith.addi %mul3A_31, %mul3A_348 : vector<16xi32>
      %add3A_350 = arith.addi %add3A_349, %min3A_345 : vector<16xi32>
      %mul3A_351 = arith.constant 4.096000e+03 : f32
      %mul3A_352 = vector.broadcast %mul3A_351 : f32 to vector<16xf32>
      %mul3A_353 = arith.mulf %sub3A_332, %mul3A_352 : vector<16xf32>
      %add3A_354 = arith.constant 4194304.5 : f32
      %add3A_355 = vector.broadcast %add3A_354 : f32 to vector<16xf32>
      %add3A_356 = arith.addf %mul3A_353, %add3A_355 : vector<16xf32>
      %convert_element_type3A_357 = arith.fptosi %add3A_356 : vector<16xf32> to vector<16xi32>
      tpu.vector_store_idx %arg6[%add3A_350], %convert_element_type3A_357 masked %gt3A_324 {add = true} : memref<5120xi32, #tpu.memory_space<vmem>>[vector<16xi32>], vector<16xi32>, vector<16xi1>
      %mul3A_358 = arith.constant 16 : i32
      %mul3A_359 = arith.muli %while3A_232, %mul3A_358 : i32
      %add3A_360 = arith.constant 5632 : i32
      %add3A_361 = arith.addi %add3A_360, %mul3A_359 : i32
      %get3A_362 = arith.index_cast %add3A_361 : i32 to index
      %get3A_363 = tpu.vector_load %arg5[%get3A_362] {strides = array<i32>} : memref<8192xf32, #tpu.memory_space<vmem>>, vector<16xf32>,
      %add3A_364 = arith.constant 3 : i32
      %add3A_365 = arith.addi %sub3A_7, %add3A_364 : i32
      %gt3A_366 = vector.broadcast %add3A_365 : i32 to vector<16xi32>
      %gt3A_367 = arith.cmpi sgt, %add3A_236, %gt3A_366 : vector<16xi32>
      %bitcast3A_368 = vector.bitcast %get3A_363 : vector<16xf32> to vector<16xi32>
      %shift_right_logical3A_369 = arith.constant 31 : i32
      %shift_right_logical3A_370 = vector.broadcast %shift_right_logical3A_369 : i32 to vector<16xi32>
      %shift_right_logical3A_371 = arith.shrui %bitcast3A_368, %shift_right_logical3A_370 : vector<16xi32>
      %abs3A_372 = math.absf %get3A_363 : vector<16xf32>
      %sub3A_373 = arith.constant 3.000000e+00 : f32
      %sub3A_374 = vector.broadcast %sub3A_373 : f32 to vector<16xf32>
      %sub3A_375 = arith.subf %abs3A_372, %sub3A_374 : vector<16xf32>
      %mul3A_376 = arith.constant 7.500000e+01 : f32
      %mul3A_377 = vector.broadcast %mul3A_376 : f32 to vector<16xf32>
      %mul3A_378 = arith.mulf %sub3A_375, %mul3A_377 : vector<16xf32>
      %add3A_379 = arith.constant 7.500000e+01 : f32
      %add3A_380 = vector.broadcast %add3A_379 : f32 to vector<16xf32>
      %add3A_381 = arith.addf %mul3A_378, %add3A_380 : vector<16xf32>
      %convert_element_type3A_382 = arith.fptosi %add3A_381 : vector<16xf32> to vector<16xi32>
      %jit3A_383 = arith.constant 0 : i32
      %jit3A_384 = arith.constant 159 : i32
      %max3A_385 = vector.broadcast %jit3A_383 : i32 to vector<16xi32>
      %max3A_386 = arith.maxsi %max3A_385, %convert_element_type3A_382 : vector<16xi32>
      %min3A_387 = vector.broadcast %jit3A_384 : i32 to vector<16xi32>
      %min3A_388 = arith.minsi %min3A_387, %max3A_386 : vector<16xi32>
      %mul3A_389 = arith.constant 160 : i32
      %mul3A_390 = vector.broadcast %mul3A_389 : i32 to vector<16xi32>
      %mul3A_391 = arith.muli %shift_right_logical3A_371, %mul3A_390 : vector<16xi32>
      %add3A_392 = arith.addi %mul3A_31, %mul3A_391 : vector<16xi32>
      %add3A_393 = arith.addi %add3A_392, %min3A_388 : vector<16xi32>
      %mul3A_394 = arith.constant 4.096000e+03 : f32
      %mul3A_395 = vector.broadcast %mul3A_394 : f32 to vector<16xf32>
      %mul3A_396 = arith.mulf %sub3A_375, %mul3A_395 : vector<16xf32>
      %add3A_397 = arith.constant 4194304.5 : f32
      %add3A_398 = vector.broadcast %add3A_397 : f32 to vector<16xf32>
      %add3A_399 = arith.addf %mul3A_396, %add3A_398 : vector<16xf32>
      %convert_element_type3A_400 = arith.fptosi %add3A_399 : vector<16xf32> to vector<16xi32>
      tpu.vector_store_idx %arg6[%add3A_393], %convert_element_type3A_400 masked %gt3A_367 {add = true} : memref<5120xi32, #tpu.memory_space<vmem>>[vector<16xi32>], vector<16xi32>, vector<16xi1>
      %mul3A_401 = arith.constant 16 : i32
      %mul3A_402 = arith.muli %while3A_232, %mul3A_401 : i32
      %add3A_403 = arith.constant 6144 : i32
      %add3A_404 = arith.addi %add3A_403, %mul3A_402 : i32
      %get3A_405 = arith.index_cast %add3A_404 : i32 to index
      %get3A_406 = tpu.vector_load %arg5[%get3A_405] {strides = array<i32>} : memref<8192xf32, #tpu.memory_space<vmem>>, vector<16xf32>,
      %add3A_407 = arith.constant 4 : i32
      %add3A_408 = arith.addi %sub3A_7, %add3A_407 : i32
      %gt3A_409 = vector.broadcast %add3A_408 : i32 to vector<16xi32>
      %gt3A_410 = arith.cmpi sgt, %add3A_236, %gt3A_409 : vector<16xi32>
      %bitcast3A_411 = vector.bitcast %get3A_406 : vector<16xf32> to vector<16xi32>
      %shift_right_logical3A_412 = arith.constant 31 : i32
      %shift_right_logical3A_413 = vector.broadcast %shift_right_logical3A_412 : i32 to vector<16xi32>
      %shift_right_logical3A_414 = arith.shrui %bitcast3A_411, %shift_right_logical3A_413 : vector<16xi32>
      %abs3A_415 = math.absf %get3A_406 : vector<16xf32>
      %sub3A_416 = arith.constant 3.000000e+00 : f32
      %sub3A_417 = vector.broadcast %sub3A_416 : f32 to vector<16xf32>
      %sub3A_418 = arith.subf %abs3A_415, %sub3A_417 : vector<16xf32>
      %mul3A_419 = arith.constant 7.500000e+01 : f32
      %mul3A_420 = vector.broadcast %mul3A_419 : f32 to vector<16xf32>
      %mul3A_421 = arith.mulf %sub3A_418, %mul3A_420 : vector<16xf32>
      %add3A_422 = arith.constant 7.500000e+01 : f32
      %add3A_423 = vector.broadcast %add3A_422 : f32 to vector<16xf32>
      %add3A_424 = arith.addf %mul3A_421, %add3A_423 : vector<16xf32>
      %convert_element_type3A_425 = arith.fptosi %add3A_424 : vector<16xf32> to vector<16xi32>
      %jit3A_426 = arith.constant 0 : i32
      %jit3A_427 = arith.constant 159 : i32
      %max3A_428 = vector.broadcast %jit3A_426 : i32 to vector<16xi32>
      %max3A_429 = arith.maxsi %max3A_428, %convert_element_type3A_425 : vector<16xi32>
      %min3A_430 = vector.broadcast %jit3A_427 : i32 to vector<16xi32>
      %min3A_431 = arith.minsi %min3A_430, %max3A_429 : vector<16xi32>
      %mul3A_432 = arith.constant 160 : i32
      %mul3A_433 = vector.broadcast %mul3A_432 : i32 to vector<16xi32>
      %mul3A_434 = arith.muli %shift_right_logical3A_414, %mul3A_433 : vector<16xi32>
      %add3A_435 = arith.addi %mul3A_31, %mul3A_434 : vector<16xi32>
      %add3A_436 = arith.addi %add3A_435, %min3A_431 : vector<16xi32>
      %mul3A_437 = arith.constant 4.096000e+03 : f32
      %mul3A_438 = vector.broadcast %mul3A_437 : f32 to vector<16xf32>
      %mul3A_439 = arith.mulf %sub3A_418, %mul3A_438 : vector<16xf32>
      %add3A_440 = arith.constant 4194304.5 : f32
      %add3A_441 = vector.broadcast %add3A_440 : f32 to vector<16xf32>
      %add3A_442 = arith.addf %mul3A_439, %add3A_441 : vector<16xf32>
      %convert_element_type3A_443 = arith.fptosi %add3A_442 : vector<16xf32> to vector<16xi32>
      tpu.vector_store_idx %arg6[%add3A_436], %convert_element_type3A_443 masked %gt3A_410 {add = true} : memref<5120xi32, #tpu.memory_space<vmem>>[vector<16xi32>], vector<16xi32>, vector<16xi1>
      %mul3A_444 = arith.constant 16 : i32
      %mul3A_445 = arith.muli %while3A_232, %mul3A_444 : i32
      %add3A_446 = arith.constant 6656 : i32
      %add3A_447 = arith.addi %add3A_446, %mul3A_445 : i32
      %get3A_448 = arith.index_cast %add3A_447 : i32 to index
      %get3A_449 = tpu.vector_load %arg5[%get3A_448] {strides = array<i32>} : memref<8192xf32, #tpu.memory_space<vmem>>, vector<16xf32>,
      %add3A_450 = arith.constant 5 : i32
      %add3A_451 = arith.addi %sub3A_7, %add3A_450 : i32
      %gt3A_452 = vector.broadcast %add3A_451 : i32 to vector<16xi32>
      %gt3A_453 = arith.cmpi sgt, %add3A_236, %gt3A_452 : vector<16xi32>
      %bitcast3A_454 = vector.bitcast %get3A_449 : vector<16xf32> to vector<16xi32>
      %shift_right_logical3A_455 = arith.constant 31 : i32
      %shift_right_logical3A_456 = vector.broadcast %shift_right_logical3A_455 : i32 to vector<16xi32>
      %shift_right_logical3A_457 = arith.shrui %bitcast3A_454, %shift_right_logical3A_456 : vector<16xi32>
      %abs3A_458 = math.absf %get3A_449 : vector<16xf32>
      %sub3A_459 = arith.constant 3.000000e+00 : f32
      %sub3A_460 = vector.broadcast %sub3A_459 : f32 to vector<16xf32>
      %sub3A_461 = arith.subf %abs3A_458, %sub3A_460 : vector<16xf32>
      %mul3A_462 = arith.constant 7.500000e+01 : f32
      %mul3A_463 = vector.broadcast %mul3A_462 : f32 to vector<16xf32>
      %mul3A_464 = arith.mulf %sub3A_461, %mul3A_463 : vector<16xf32>
      %add3A_465 = arith.constant 7.500000e+01 : f32
      %add3A_466 = vector.broadcast %add3A_465 : f32 to vector<16xf32>
      %add3A_467 = arith.addf %mul3A_464, %add3A_466 : vector<16xf32>
      %convert_element_type3A_468 = arith.fptosi %add3A_467 : vector<16xf32> to vector<16xi32>
      %jit3A_469 = arith.constant 0 : i32
      %jit3A_470 = arith.constant 159 : i32
      %max3A_471 = vector.broadcast %jit3A_469 : i32 to vector<16xi32>
      %max3A_472 = arith.maxsi %max3A_471, %convert_element_type3A_468 : vector<16xi32>
      %min3A_473 = vector.broadcast %jit3A_470 : i32 to vector<16xi32>
      %min3A_474 = arith.minsi %min3A_473, %max3A_472 : vector<16xi32>
      %mul3A_475 = arith.constant 160 : i32
      %mul3A_476 = vector.broadcast %mul3A_475 : i32 to vector<16xi32>
      %mul3A_477 = arith.muli %shift_right_logical3A_457, %mul3A_476 : vector<16xi32>
      %add3A_478 = arith.addi %mul3A_31, %mul3A_477 : vector<16xi32>
      %add3A_479 = arith.addi %add3A_478, %min3A_474 : vector<16xi32>
      %mul3A_480 = arith.constant 4.096000e+03 : f32
      %mul3A_481 = vector.broadcast %mul3A_480 : f32 to vector<16xf32>
      %mul3A_482 = arith.mulf %sub3A_461, %mul3A_481 : vector<16xf32>
      %add3A_483 = arith.constant 4194304.5 : f32
      %add3A_484 = vector.broadcast %add3A_483 : f32 to vector<16xf32>
      %add3A_485 = arith.addf %mul3A_482, %add3A_484 : vector<16xf32>
      %convert_element_type3A_486 = arith.fptosi %add3A_485 : vector<16xf32> to vector<16xi32>
      tpu.vector_store_idx %arg6[%add3A_479], %convert_element_type3A_486 masked %gt3A_453 {add = true} : memref<5120xi32, #tpu.memory_space<vmem>>[vector<16xi32>], vector<16xi32>, vector<16xi1>
      %mul3A_487 = arith.constant 16 : i32
      %mul3A_488 = arith.muli %while3A_232, %mul3A_487 : i32
      %add3A_489 = arith.constant 7168 : i32
      %add3A_490 = arith.addi %add3A_489, %mul3A_488 : i32
      %get3A_491 = arith.index_cast %add3A_490 : i32 to index
      %get3A_492 = tpu.vector_load %arg5[%get3A_491] {strides = array<i32>} : memref<8192xf32, #tpu.memory_space<vmem>>, vector<16xf32>,
      %add3A_493 = arith.constant 6 : i32
      %add3A_494 = arith.addi %sub3A_7, %add3A_493 : i32
      %gt3A_495 = vector.broadcast %add3A_494 : i32 to vector<16xi32>
      %gt3A_496 = arith.cmpi sgt, %add3A_236, %gt3A_495 : vector<16xi32>
      %bitcast3A_497 = vector.bitcast %get3A_492 : vector<16xf32> to vector<16xi32>
      %shift_right_logical3A_498 = arith.constant 31 : i32
      %shift_right_logical3A_499 = vector.broadcast %shift_right_logical3A_498 : i32 to vector<16xi32>
      %shift_right_logical3A_500 = arith.shrui %bitcast3A_497, %shift_right_logical3A_499 : vector<16xi32>
      %abs3A_501 = math.absf %get3A_492 : vector<16xf32>
      %sub3A_502 = arith.constant 3.000000e+00 : f32
      %sub3A_503 = vector.broadcast %sub3A_502 : f32 to vector<16xf32>
      %sub3A_504 = arith.subf %abs3A_501, %sub3A_503 : vector<16xf32>
      %mul3A_505 = arith.constant 7.500000e+01 : f32
      %mul3A_506 = vector.broadcast %mul3A_505 : f32 to vector<16xf32>
      %mul3A_507 = arith.mulf %sub3A_504, %mul3A_506 : vector<16xf32>
      %add3A_508 = arith.constant 7.500000e+01 : f32
      %add3A_509 = vector.broadcast %add3A_508 : f32 to vector<16xf32>
      %add3A_510 = arith.addf %mul3A_507, %add3A_509 : vector<16xf32>
      %convert_element_type3A_511 = arith.fptosi %add3A_510 : vector<16xf32> to vector<16xi32>
      %jit3A_512 = arith.constant 0 : i32
      %jit3A_513 = arith.constant 159 : i32
      %max3A_514 = vector.broadcast %jit3A_512 : i32 to vector<16xi32>
      %max3A_515 = arith.maxsi %max3A_514, %convert_element_type3A_511 : vector<16xi32>
      %min3A_516 = vector.broadcast %jit3A_513 : i32 to vector<16xi32>
      %min3A_517 = arith.minsi %min3A_516, %max3A_515 : vector<16xi32>
      %mul3A_518 = arith.constant 160 : i32
      %mul3A_519 = vector.broadcast %mul3A_518 : i32 to vector<16xi32>
      %mul3A_520 = arith.muli %shift_right_logical3A_500, %mul3A_519 : vector<16xi32>
      %add3A_521 = arith.addi %mul3A_31, %mul3A_520 : vector<16xi32>
      %add3A_522 = arith.addi %add3A_521, %min3A_517 : vector<16xi32>
      %mul3A_523 = arith.constant 4.096000e+03 : f32
      %mul3A_524 = vector.broadcast %mul3A_523 : f32 to vector<16xf32>
      %mul3A_525 = arith.mulf %sub3A_504, %mul3A_524 : vector<16xf32>
      %add3A_526 = arith.constant 4194304.5 : f32
      %add3A_527 = vector.broadcast %add3A_526 : f32 to vector<16xf32>
      %add3A_528 = arith.addf %mul3A_525, %add3A_527 : vector<16xf32>
      %convert_element_type3A_529 = arith.fptosi %add3A_528 : vector<16xf32> to vector<16xi32>
      tpu.vector_store_idx %arg6[%add3A_522], %convert_element_type3A_529 masked %gt3A_496 {add = true} : memref<5120xi32, #tpu.memory_space<vmem>>[vector<16xi32>], vector<16xi32>, vector<16xi1>
      %mul3A_530 = arith.constant 16 : i32
      %mul3A_531 = arith.muli %while3A_232, %mul3A_530 : i32
      %add3A_532 = arith.constant 7680 : i32
      %add3A_533 = arith.addi %add3A_532, %mul3A_531 : i32
      %get3A_534 = arith.index_cast %add3A_533 : i32 to index
      %get3A_535 = tpu.vector_load %arg5[%get3A_534] {strides = array<i32>} : memref<8192xf32, #tpu.memory_space<vmem>>, vector<16xf32>,
      %add3A_536 = arith.constant 7 : i32
      %add3A_537 = arith.addi %sub3A_7, %add3A_536 : i32
      %gt3A_538 = vector.broadcast %add3A_537 : i32 to vector<16xi32>
      %gt3A_539 = arith.cmpi sgt, %add3A_236, %gt3A_538 : vector<16xi32>
      %bitcast3A_540 = vector.bitcast %get3A_535 : vector<16xf32> to vector<16xi32>
      %shift_right_logical3A_541 = arith.constant 31 : i32
      %shift_right_logical3A_542 = vector.broadcast %shift_right_logical3A_541 : i32 to vector<16xi32>
      %shift_right_logical3A_543 = arith.shrui %bitcast3A_540, %shift_right_logical3A_542 : vector<16xi32>
      %abs3A_544 = math.absf %get3A_535 : vector<16xf32>
      %sub3A_545 = arith.constant 3.000000e+00 : f32
      %sub3A_546 = vector.broadcast %sub3A_545 : f32 to vector<16xf32>
      %sub3A_547 = arith.subf %abs3A_544, %sub3A_546 : vector<16xf32>
      %mul3A_548 = arith.constant 7.500000e+01 : f32
      %mul3A_549 = vector.broadcast %mul3A_548 : f32 to vector<16xf32>
      %mul3A_550 = arith.mulf %sub3A_547, %mul3A_549 : vector<16xf32>
      %add3A_551 = arith.constant 7.500000e+01 : f32
      %add3A_552 = vector.broadcast %add3A_551 : f32 to vector<16xf32>
      %add3A_553 = arith.addf %mul3A_550, %add3A_552 : vector<16xf32>
      %convert_element_type3A_554 = arith.fptosi %add3A_553 : vector<16xf32> to vector<16xi32>
      %jit3A_555 = arith.constant 0 : i32
      %jit3A_556 = arith.constant 159 : i32
      %max3A_557 = vector.broadcast %jit3A_555 : i32 to vector<16xi32>
      %max3A_558 = arith.maxsi %max3A_557, %convert_element_type3A_554 : vector<16xi32>
      %min3A_559 = vector.broadcast %jit3A_556 : i32 to vector<16xi32>
      %min3A_560 = arith.minsi %min3A_559, %max3A_558 : vector<16xi32>
      %mul3A_561 = arith.constant 160 : i32
      %mul3A_562 = vector.broadcast %mul3A_561 : i32 to vector<16xi32>
      %mul3A_563 = arith.muli %shift_right_logical3A_543, %mul3A_562 : vector<16xi32>
      %add3A_564 = arith.addi %mul3A_31, %mul3A_563 : vector<16xi32>
      %add3A_565 = arith.addi %add3A_564, %min3A_560 : vector<16xi32>
      %mul3A_566 = arith.constant 4.096000e+03 : f32
      %mul3A_567 = vector.broadcast %mul3A_566 : f32 to vector<16xf32>
      %mul3A_568 = arith.mulf %sub3A_547, %mul3A_567 : vector<16xf32>
      %add3A_569 = arith.constant 4194304.5 : f32
      %add3A_570 = vector.broadcast %add3A_569 : f32 to vector<16xf32>
      %add3A_571 = arith.addf %mul3A_568, %add3A_570 : vector<16xf32>
      %convert_element_type3A_572 = arith.fptosi %add3A_571 : vector<16xf32> to vector<16xi32>
      tpu.vector_store_idx %arg6[%add3A_565], %convert_element_type3A_572 masked %gt3A_539 {add = true} : memref<5120xi32, #tpu.memory_space<vmem>>[vector<16xi32>], vector<16xi32>, vector<16xi1>
    }
    %while3A_97 = arith.constant 1 : i32
    scf.for %while3A_232 = %while3A_95 to %while3A_91 step %while3A_97  : i32 {
      %mul3A_233 = arith.constant 16 : i32
      %mul3A_234 = arith.muli %while3A_232, %mul3A_233 : i32
      %add3A_235 = vector.broadcast %mul3A_234 : i32 to vector<16xi32>
      %add3A_236 = arith.addi %iota3A, %add3A_235 : vector<16xi32>
      %mul3A_237 = arith.constant 16 : i32
      %mul3A_238 = arith.muli %while3A_232, %mul3A_237 : i32
      %add3A_239 = arith.constant 4096 : i32
      %add3A_240 = arith.addi %add3A_239, %mul3A_238 : i32
      %get3A = arith.index_cast %add3A_240 : i32 to index
      %get3A_241 = tpu.vector_load %arg5[%get3A] {strides = array<i32>} : memref<8192xf32, #tpu.memory_space<vmem>>, vector<16xf32>,
      %add3A_242 = arith.constant 0 : i32
      %add3A_243 = arith.addi %sub3A_7, %add3A_242 : i32
      %gt3A = vector.broadcast %add3A_243 : i32 to vector<16xi32>
      %gt3A_244 = arith.cmpi sgt, %add3A_236, %gt3A : vector<16xi32>
      %bitcast3A = vector.bitcast %get3A_241 : vector<16xf32> to vector<16xi32>
      %shift_right_logical3A = arith.constant 31 : i32
      %shift_right_logical3A_245 = vector.broadcast %shift_right_logical3A : i32 to vector<16xi32>
      %shift_right_logical3A_246 = arith.shrui %bitcast3A, %shift_right_logical3A_245 : vector<16xi32>
      %abs3A = math.absf %get3A_241 : vector<16xf32>
      %sub3A_247 = arith.constant 3.000000e+00 : f32
      %sub3A_248 = vector.broadcast %sub3A_247 : f32 to vector<16xf32>
      %sub3A_249 = arith.subf %abs3A, %sub3A_248 : vector<16xf32>
      %mul3A_250 = arith.constant 7.500000e+01 : f32
      %mul3A_251 = vector.broadcast %mul3A_250 : f32 to vector<16xf32>
      %mul3A_252 = arith.mulf %sub3A_249, %mul3A_251 : vector<16xf32>
      %add3A_253 = arith.constant 7.500000e+01 : f32
      %add3A_254 = vector.broadcast %add3A_253 : f32 to vector<16xf32>
      %add3A_255 = arith.addf %mul3A_252, %add3A_254 : vector<16xf32>
      %convert_element_type3A = arith.fptosi %add3A_255 : vector<16xf32> to vector<16xi32>
      %jit3A_256 = arith.constant 0 : i32
      %jit3A_257 = arith.constant 159 : i32
      %max3A = vector.broadcast %jit3A_256 : i32 to vector<16xi32>
      %max3A_258 = arith.maxsi %max3A, %convert_element_type3A : vector<16xi32>
      %min3A = vector.broadcast %jit3A_257 : i32 to vector<16xi32>
      %min3A_259 = arith.minsi %min3A, %max3A_258 : vector<16xi32>
      %mul3A_260 = arith.constant 160 : i32
      %mul3A_261 = vector.broadcast %mul3A_260 : i32 to vector<16xi32>
      %mul3A_262 = arith.muli %shift_right_logical3A_246, %mul3A_261 : vector<16xi32>
      %add3A_263 = arith.addi %mul3A_31, %mul3A_262 : vector<16xi32>
      %add3A_264 = arith.addi %add3A_263, %min3A_259 : vector<16xi32>
      %mul3A_265 = arith.constant 4.096000e+03 : f32
      %mul3A_266 = vector.broadcast %mul3A_265 : f32 to vector<16xf32>
      %mul3A_267 = arith.mulf %sub3A_249, %mul3A_266 : vector<16xf32>
      %add3A_268 = arith.constant 4194304.5 : f32
      %add3A_269 = vector.broadcast %add3A_268 : f32 to vector<16xf32>
      %add3A_270 = arith.addf %mul3A_267, %add3A_269 : vector<16xf32>
      %convert_element_type3A_271 = arith.fptosi %add3A_270 : vector<16xf32> to vector<16xi32>
      tpu.vector_store_idx %arg6[%add3A_264], %convert_element_type3A_271 masked %gt3A_244 {add = true} : memref<5120xi32, #tpu.memory_space<vmem>>[vector<16xi32>], vector<16xi32>, vector<16xi1>
      %mul3A_272 = arith.constant 16 : i32
      %mul3A_273 = arith.muli %while3A_232, %mul3A_272 : i32
      %add3A_274 = arith.constant 4608 : i32
      %add3A_275 = arith.addi %add3A_274, %mul3A_273 : i32
      %get3A_276 = arith.index_cast %add3A_275 : i32 to index
      %get3A_277 = tpu.vector_load %arg5[%get3A_276] {strides = array<i32>} : memref<8192xf32, #tpu.memory_space<vmem>>, vector<16xf32>,
      %add3A_278 = arith.constant 1 : i32
      %add3A_279 = arith.addi %sub3A_7, %add3A_278 : i32
      %gt3A_280 = vector.broadcast %add3A_279 : i32 to vector<16xi32>
      %gt3A_281 = arith.cmpi sgt, %add3A_236, %gt3A_280 : vector<16xi32>
      %bitcast3A_282 = vector.bitcast %get3A_277 : vector<16xf32> to vector<16xi32>
      %shift_right_logical3A_283 = arith.constant 31 : i32
      %shift_right_logical3A_284 = vector.broadcast %shift_right_logical3A_283 : i32 to vector<16xi32>
      %shift_right_logical3A_285 = arith.shrui %bitcast3A_282, %shift_right_logical3A_284 : vector<16xi32>
      %abs3A_286 = math.absf %get3A_277 : vector<16xf32>
      %sub3A_287 = arith.constant 3.000000e+00 : f32
      %sub3A_288 = vector.broadcast %sub3A_287 : f32 to vector<16xf32>
      %sub3A_289 = arith.subf %abs3A_286, %sub3A_288 : vector<16xf32>
      %mul3A_290 = arith.constant 7.500000e+01 : f32
      %mul3A_291 = vector.broadcast %mul3A_290 : f32 to vector<16xf32>
      %mul3A_292 = arith.mulf %sub3A_289, %mul3A_291 : vector<16xf32>
      %add3A_293 = arith.constant 7.500000e+01 : f32
      %add3A_294 = vector.broadcast %add3A_293 : f32 to vector<16xf32>
      %add3A_295 = arith.addf %mul3A_292, %add3A_294 : vector<16xf32>
      %convert_element_type3A_296 = arith.fptosi %add3A_295 : vector<16xf32> to vector<16xi32>
      %jit3A_297 = arith.constant 0 : i32
      %jit3A_298 = arith.constant 159 : i32
      %max3A_299 = vector.broadcast %jit3A_297 : i32 to vector<16xi32>
      %max3A_300 = arith.maxsi %max3A_299, %convert_element_type3A_296 : vector<16xi32>
      %min3A_301 = vector.broadcast %jit3A_298 : i32 to vector<16xi32>
      %min3A_302 = arith.minsi %min3A_301, %max3A_300 : vector<16xi32>
      %mul3A_303 = arith.constant 160 : i32
      %mul3A_304 = vector.broadcast %mul3A_303 : i32 to vector<16xi32>
      %mul3A_305 = arith.muli %shift_right_logical3A_285, %mul3A_304 : vector<16xi32>
      %add3A_306 = arith.addi %mul3A_31, %mul3A_305 : vector<16xi32>
      %add3A_307 = arith.addi %add3A_306, %min3A_302 : vector<16xi32>
      %mul3A_308 = arith.constant 4.096000e+03 : f32
      %mul3A_309 = vector.broadcast %mul3A_308 : f32 to vector<16xf32>
      %mul3A_310 = arith.mulf %sub3A_289, %mul3A_309 : vector<16xf32>
      %add3A_311 = arith.constant 4194304.5 : f32
      %add3A_312 = vector.broadcast %add3A_311 : f32 to vector<16xf32>
      %add3A_313 = arith.addf %mul3A_310, %add3A_312 : vector<16xf32>
      %convert_element_type3A_314 = arith.fptosi %add3A_313 : vector<16xf32> to vector<16xi32>
      tpu.vector_store_idx %arg6[%add3A_307], %convert_element_type3A_314 masked %gt3A_281 {add = true} : memref<5120xi32, #tpu.memory_space<vmem>>[vector<16xi32>], vector<16xi32>, vector<16xi1>
      %mul3A_315 = arith.constant 16 : i32
      %mul3A_316 = arith.muli %while3A_232, %mul3A_315 : i32
      %add3A_317 = arith.constant 5120 : i32
      %add3A_318 = arith.addi %add3A_317, %mul3A_316 : i32
      %get3A_319 = arith.index_cast %add3A_318 : i32 to index
      %get3A_320 = tpu.vector_load %arg5[%get3A_319] {strides = array<i32>} : memref<8192xf32, #tpu.memory_space<vmem>>, vector<16xf32>,
      %add3A_321 = arith.constant 2 : i32
      %add3A_322 = arith.addi %sub3A_7, %add3A_321 : i32
      %gt3A_323 = vector.broadcast %add3A_322 : i32 to vector<16xi32>
      %gt3A_324 = arith.cmpi sgt, %add3A_236, %gt3A_323 : vector<16xi32>
      %bitcast3A_325 = vector.bitcast %get3A_320 : vector<16xf32> to vector<16xi32>
      %shift_right_logical3A_326 = arith.constant 31 : i32
      %shift_right_logical3A_327 = vector.broadcast %shift_right_logical3A_326 : i32 to vector<16xi32>
      %shift_right_logical3A_328 = arith.shrui %bitcast3A_325, %shift_right_logical3A_327 : vector<16xi32>
      %abs3A_329 = math.absf %get3A_320 : vector<16xf32>
      %sub3A_330 = arith.constant 3.000000e+00 : f32
      %sub3A_331 = vector.broadcast %sub3A_330 : f32 to vector<16xf32>
      %sub3A_332 = arith.subf %abs3A_329, %sub3A_331 : vector<16xf32>
      %mul3A_333 = arith.constant 7.500000e+01 : f32
      %mul3A_334 = vector.broadcast %mul3A_333 : f32 to vector<16xf32>
      %mul3A_335 = arith.mulf %sub3A_332, %mul3A_334 : vector<16xf32>
      %add3A_336 = arith.constant 7.500000e+01 : f32
      %add3A_337 = vector.broadcast %add3A_336 : f32 to vector<16xf32>
      %add3A_338 = arith.addf %mul3A_335, %add3A_337 : vector<16xf32>
      %convert_element_type3A_339 = arith.fptosi %add3A_338 : vector<16xf32> to vector<16xi32>
      %jit3A_340 = arith.constant 0 : i32
      %jit3A_341 = arith.constant 159 : i32
      %max3A_342 = vector.broadcast %jit3A_340 : i32 to vector<16xi32>
      %max3A_343 = arith.maxsi %max3A_342, %convert_element_type3A_339 : vector<16xi32>
      %min3A_344 = vector.broadcast %jit3A_341 : i32 to vector<16xi32>
      %min3A_345 = arith.minsi %min3A_344, %max3A_343 : vector<16xi32>
      %mul3A_346 = arith.constant 160 : i32
      %mul3A_347 = vector.broadcast %mul3A_346 : i32 to vector<16xi32>
      %mul3A_348 = arith.muli %shift_right_logical3A_328, %mul3A_347 : vector<16xi32>
      %add3A_349 = arith.addi %mul3A_31, %mul3A_348 : vector<16xi32>
      %add3A_350 = arith.addi %add3A_349, %min3A_345 : vector<16xi32>
      %mul3A_351 = arith.constant 4.096000e+03 : f32
      %mul3A_352 = vector.broadcast %mul3A_351 : f32 to vector<16xf32>
      %mul3A_353 = arith.mulf %sub3A_332, %mul3A_352 : vector<16xf32>
      %add3A_354 = arith.constant 4194304.5 : f32
      %add3A_355 = vector.broadcast %add3A_354 : f32 to vector<16xf32>
      %add3A_356 = arith.addf %mul3A_353, %add3A_355 : vector<16xf32>
      %convert_element_type3A_357 = arith.fptosi %add3A_356 : vector<16xf32> to vector<16xi32>
      tpu.vector_store_idx %arg6[%add3A_350], %convert_element_type3A_357 masked %gt3A_324 {add = true} : memref<5120xi32, #tpu.memory_space<vmem>>[vector<16xi32>], vector<16xi32>, vector<16xi1>
      %mul3A_358 = arith.constant 16 : i32
      %mul3A_359 = arith.muli %while3A_232, %mul3A_358 : i32
      %add3A_360 = arith.constant 5632 : i32
      %add3A_361 = arith.addi %add3A_360, %mul3A_359 : i32
      %get3A_362 = arith.index_cast %add3A_361 : i32 to index
      %get3A_363 = tpu.vector_load %arg5[%get3A_362] {strides = array<i32>} : memref<8192xf32, #tpu.memory_space<vmem>>, vector<16xf32>,
      %add3A_364 = arith.constant 3 : i32
      %add3A_365 = arith.addi %sub3A_7, %add3A_364 : i32
      %gt3A_366 = vector.broadcast %add3A_365 : i32 to vector<16xi32>
      %gt3A_367 = arith.cmpi sgt, %add3A_236, %gt3A_366 : vector<16xi32>
      %bitcast3A_368 = vector.bitcast %get3A_363 : vector<16xf32> to vector<16xi32>
      %shift_right_logical3A_369 = arith.constant 31 : i32
      %shift_right_logical3A_370 = vector.broadcast %shift_right_logical3A_369 : i32 to vector<16xi32>
      %shift_right_logical3A_371 = arith.shrui %bitcast3A_368, %shift_right_logical3A_370 : vector<16xi32>
      %abs3A_372 = math.absf %get3A_363 : vector<16xf32>
      %sub3A_373 = arith.constant 3.000000e+00 : f32
      %sub3A_374 = vector.broadcast %sub3A_373 : f32 to vector<16xf32>
      %sub3A_375 = arith.subf %abs3A_372, %sub3A_374 : vector<16xf32>
      %mul3A_376 = arith.constant 7.500000e+01 : f32
      %mul3A_377 = vector.broadcast %mul3A_376 : f32 to vector<16xf32>
      %mul3A_378 = arith.mulf %sub3A_375, %mul3A_377 : vector<16xf32>
      %add3A_379 = arith.constant 7.500000e+01 : f32
      %add3A_380 = vector.broadcast %add3A_379 : f32 to vector<16xf32>
      %add3A_381 = arith.addf %mul3A_378, %add3A_380 : vector<16xf32>
      %convert_element_type3A_382 = arith.fptosi %add3A_381 : vector<16xf32> to vector<16xi32>
      %jit3A_383 = arith.constant 0 : i32
      %jit3A_384 = arith.constant 159 : i32
      %max3A_385 = vector.broadcast %jit3A_383 : i32 to vector<16xi32>
      %max3A_386 = arith.maxsi %max3A_385, %convert_element_type3A_382 : vector<16xi32>
      %min3A_387 = vector.broadcast %jit3A_384 : i32 to vector<16xi32>
      %min3A_388 = arith.minsi %min3A_387, %max3A_386 : vector<16xi32>
      %mul3A_389 = arith.constant 160 : i32
      %mul3A_390 = vector.broadcast %mul3A_389 : i32 to vector<16xi32>
      %mul3A_391 = arith.muli %shift_right_logical3A_371, %mul3A_390 : vector<16xi32>
      %add3A_392 = arith.addi %mul3A_31, %mul3A_391 : vector<16xi32>
      %add3A_393 = arith.addi %add3A_392, %min3A_388 : vector<16xi32>
      %mul3A_394 = arith.constant 4.096000e+03 : f32
      %mul3A_395 = vector.broadcast %mul3A_394 : f32 to vector<16xf32>
      %mul3A_396 = arith.mulf %sub3A_375, %mul3A_395 : vector<16xf32>
      %add3A_397 = arith.constant 4194304.5 : f32
      %add3A_398 = vector.broadcast %add3A_397 : f32 to vector<16xf32>
      %add3A_399 = arith.addf %mul3A_396, %add3A_398 : vector<16xf32>
      %convert_element_type3A_400 = arith.fptosi %add3A_399 : vector<16xf32> to vector<16xi32>
      tpu.vector_store_idx %arg6[%add3A_393], %convert_element_type3A_400 masked %gt3A_367 {add = true} : memref<5120xi32, #tpu.memory_space<vmem>>[vector<16xi32>], vector<16xi32>, vector<16xi1>
      %mul3A_401 = arith.constant 16 : i32
      %mul3A_402 = arith.muli %while3A_232, %mul3A_401 : i32
      %add3A_403 = arith.constant 6144 : i32
      %add3A_404 = arith.addi %add3A_403, %mul3A_402 : i32
      %get3A_405 = arith.index_cast %add3A_404 : i32 to index
      %get3A_406 = tpu.vector_load %arg5[%get3A_405] {strides = array<i32>} : memref<8192xf32, #tpu.memory_space<vmem>>, vector<16xf32>,
      %add3A_407 = arith.constant 4 : i32
      %add3A_408 = arith.addi %sub3A_7, %add3A_407 : i32
      %gt3A_409 = vector.broadcast %add3A_408 : i32 to vector<16xi32>
      %gt3A_410 = arith.cmpi sgt, %add3A_236, %gt3A_409 : vector<16xi32>
      %bitcast3A_411 = vector.bitcast %get3A_406 : vector<16xf32> to vector<16xi32>
      %shift_right_logical3A_412 = arith.constant 31 : i32
      %shift_right_logical3A_413 = vector.broadcast %shift_right_logical3A_412 : i32 to vector<16xi32>
      %shift_right_logical3A_414 = arith.shrui %bitcast3A_411, %shift_right_logical3A_413 : vector<16xi32>
      %abs3A_415 = math.absf %get3A_406 : vector<16xf32>
      %sub3A_416 = arith.constant 3.000000e+00 : f32
      %sub3A_417 = vector.broadcast %sub3A_416 : f32 to vector<16xf32>
      %sub3A_418 = arith.subf %abs3A_415, %sub3A_417 : vector<16xf32>
      %mul3A_419 = arith.constant 7.500000e+01 : f32
      %mul3A_420 = vector.broadcast %mul3A_419 : f32 to vector<16xf32>
      %mul3A_421 = arith.mulf %sub3A_418, %mul3A_420 : vector<16xf32>
      %add3A_422 = arith.constant 7.500000e+01 : f32
      %add3A_423 = vector.broadcast %add3A_422 : f32 to vector<16xf32>
      %add3A_424 = arith.addf %mul3A_421, %add3A_423 : vector<16xf32>
      %convert_element_type3A_425 = arith.fptosi %add3A_424 : vector<16xf32> to vector<16xi32>
      %jit3A_426 = arith.constant 0 : i32
      %jit3A_427 = arith.constant 159 : i32
      %max3A_428 = vector.broadcast %jit3A_426 : i32 to vector<16xi32>
      %max3A_429 = arith.maxsi %max3A_428, %convert_element_type3A_425 : vector<16xi32>
      %min3A_430 = vector.broadcast %jit3A_427 : i32 to vector<16xi32>
      %min3A_431 = arith.minsi %min3A_430, %max3A_429 : vector<16xi32>
      %mul3A_432 = arith.constant 160 : i32
      %mul3A_433 = vector.broadcast %mul3A_432 : i32 to vector<16xi32>
      %mul3A_434 = arith.muli %shift_right_logical3A_414, %mul3A_433 : vector<16xi32>
      %add3A_435 = arith.addi %mul3A_31, %mul3A_434 : vector<16xi32>
      %add3A_436 = arith.addi %add3A_435, %min3A_431 : vector<16xi32>
      %mul3A_437 = arith.constant 4.096000e+03 : f32
      %mul3A_438 = vector.broadcast %mul3A_437 : f32 to vector<16xf32>
      %mul3A_439 = arith.mulf %sub3A_418, %mul3A_438 : vector<16xf32>
      %add3A_440 = arith.constant 4194304.5 : f32
      %add3A_441 = vector.broadcast %add3A_440 : f32 to vector<16xf32>
      %add3A_442 = arith.addf %mul3A_439, %add3A_441 : vector<16xf32>
      %convert_element_type3A_443 = arith.fptosi %add3A_442 : vector<16xf32> to vector<16xi32>
      tpu.vector_store_idx %arg6[%add3A_436], %convert_element_type3A_443 masked %gt3A_410 {add = true} : memref<5120xi32, #tpu.memory_space<vmem>>[vector<16xi32>], vector<16xi32>, vector<16xi1>
      %mul3A_444 = arith.constant 16 : i32
      %mul3A_445 = arith.muli %while3A_232, %mul3A_444 : i32
      %add3A_446 = arith.constant 6656 : i32
      %add3A_447 = arith.addi %add3A_446, %mul3A_445 : i32
      %get3A_448 = arith.index_cast %add3A_447 : i32 to index
      %get3A_449 = tpu.vector_load %arg5[%get3A_448] {strides = array<i32>} : memref<8192xf32, #tpu.memory_space<vmem>>, vector<16xf32>,
      %add3A_450 = arith.constant 5 : i32
      %add3A_451 = arith.addi %sub3A_7, %add3A_450 : i32
      %gt3A_452 = vector.broadcast %add3A_451 : i32 to vector<16xi32>
      %gt3A_453 = arith.cmpi sgt, %add3A_236, %gt3A_452 : vector<16xi32>
      %bitcast3A_454 = vector.bitcast %get3A_449 : vector<16xf32> to vector<16xi32>
      %shift_right_logical3A_455 = arith.constant 31 : i32
      %shift_right_logical3A_456 = vector.broadcast %shift_right_logical3A_455 : i32 to vector<16xi32>
      %shift_right_logical3A_457 = arith.shrui %bitcast3A_454, %shift_right_logical3A_456 : vector<16xi32>
      %abs3A_458 = math.absf %get3A_449 : vector<16xf32>
      %sub3A_459 = arith.constant 3.000000e+00 : f32
      %sub3A_460 = vector.broadcast %sub3A_459 : f32 to vector<16xf32>
      %sub3A_461 = arith.subf %abs3A_458, %sub3A_460 : vector<16xf32>
      %mul3A_462 = arith.constant 7.500000e+01 : f32
      %mul3A_463 = vector.broadcast %mul3A_462 : f32 to vector<16xf32>
      %mul3A_464 = arith.mulf %sub3A_461, %mul3A_463 : vector<16xf32>
      %add3A_465 = arith.constant 7.500000e+01 : f32
      %add3A_466 = vector.broadcast %add3A_465 : f32 to vector<16xf32>
      %add3A_467 = arith.addf %mul3A_464, %add3A_466 : vector<16xf32>
      %convert_element_type3A_468 = arith.fptosi %add3A_467 : vector<16xf32> to vector<16xi32>
      %jit3A_469 = arith.constant 0 : i32
      %jit3A_470 = arith.constant 159 : i32
      %max3A_471 = vector.broadcast %jit3A_469 : i32 to vector<16xi32>
      %max3A_472 = arith.maxsi %max3A_471, %convert_element_type3A_468 : vector<16xi32>
      %min3A_473 = vector.broadcast %jit3A_470 : i32 to vector<16xi32>
      %min3A_474 = arith.minsi %min3A_473, %max3A_472 : vector<16xi32>
      %mul3A_475 = arith.constant 160 : i32
      %mul3A_476 = vector.broadcast %mul3A_475 : i32 to vector<16xi32>
      %mul3A_477 = arith.muli %shift_right_logical3A_457, %mul3A_476 : vector<16xi32>
      %add3A_478 = arith.addi %mul3A_31, %mul3A_477 : vector<16xi32>
      %add3A_479 = arith.addi %add3A_478, %min3A_474 : vector<16xi32>
      %mul3A_480 = arith.constant 4.096000e+03 : f32
      %mul3A_481 = vector.broadcast %mul3A_480 : f32 to vector<16xf32>
      %mul3A_482 = arith.mulf %sub3A_461, %mul3A_481 : vector<16xf32>
      %add3A_483 = arith.constant 4194304.5 : f32
      %add3A_484 = vector.broadcast %add3A_483 : f32 to vector<16xf32>
      %add3A_485 = arith.addf %mul3A_482, %add3A_484 : vector<16xf32>
      %convert_element_type3A_486 = arith.fptosi %add3A_485 : vector<16xf32> to vector<16xi32>
      tpu.vector_store_idx %arg6[%add3A_479], %convert_element_type3A_486 masked %gt3A_453 {add = true} : memref<5120xi32, #tpu.memory_space<vmem>>[vector<16xi32>], vector<16xi32>, vector<16xi1>
      %mul3A_487 = arith.constant 16 : i32
      %mul3A_488 = arith.muli %while3A_232, %mul3A_487 : i32
      %add3A_489 = arith.constant 7168 : i32
      %add3A_490 = arith.addi %add3A_489, %mul3A_488 : i32
      %get3A_491 = arith.index_cast %add3A_490 : i32 to index
      %get3A_492 = tpu.vector_load %arg5[%get3A_491] {strides = array<i32>} : memref<8192xf32, #tpu.memory_space<vmem>>, vector<16xf32>,
      %add3A_493 = arith.constant 6 : i32
      %add3A_494 = arith.addi %sub3A_7, %add3A_493 : i32
      %gt3A_495 = vector.broadcast %add3A_494 : i32 to vector<16xi32>
      %gt3A_496 = arith.cmpi sgt, %add3A_236, %gt3A_495 : vector<16xi32>
      %bitcast3A_497 = vector.bitcast %get3A_492 : vector<16xf32> to vector<16xi32>
      %shift_right_logical3A_498 = arith.constant 31 : i32
      %shift_right_logical3A_499 = vector.broadcast %shift_right_logical3A_498 : i32 to vector<16xi32>
      %shift_right_logical3A_500 = arith.shrui %bitcast3A_497, %shift_right_logical3A_499 : vector<16xi32>
      %abs3A_501 = math.absf %get3A_492 : vector<16xf32>
      %sub3A_502 = arith.constant 3.000000e+00 : f32
      %sub3A_503 = vector.broadcast %sub3A_502 : f32 to vector<16xf32>
      %sub3A_504 = arith.subf %abs3A_501, %sub3A_503 : vector<16xf32>
      %mul3A_505 = arith.constant 7.500000e+01 : f32
      %mul3A_506 = vector.broadcast %mul3A_505 : f32 to vector<16xf32>
      %mul3A_507 = arith.mulf %sub3A_504, %mul3A_506 : vector<16xf32>
      %add3A_508 = arith.constant 7.500000e+01 : f32
      %add3A_509 = vector.broadcast %add3A_508 : f32 to vector<16xf32>
      %add3A_510 = arith.addf %mul3A_507, %add3A_509 : vector<16xf32>
      %convert_element_type3A_511 = arith.fptosi %add3A_510 : vector<16xf32> to vector<16xi32>
      %jit3A_512 = arith.constant 0 : i32
      %jit3A_513 = arith.constant 159 : i32
      %max3A_514 = vector.broadcast %jit3A_512 : i32 to vector<16xi32>
      %max3A_515 = arith.maxsi %max3A_514, %convert_element_type3A_511 : vector<16xi32>
      %min3A_516 = vector.broadcast %jit3A_513 : i32 to vector<16xi32>
      %min3A_517 = arith.minsi %min3A_516, %max3A_515 : vector<16xi32>
      %mul3A_518 = arith.constant 160 : i32
      %mul3A_519 = vector.broadcast %mul3A_518 : i32 to vector<16xi32>
      %mul3A_520 = arith.muli %shift_right_logical3A_500, %mul3A_519 : vector<16xi32>
      %add3A_521 = arith.addi %mul3A_31, %mul3A_520 : vector<16xi32>
      %add3A_522 = arith.addi %add3A_521, %min3A_517 : vector<16xi32>
      %mul3A_523 = arith.constant 4.096000e+03 : f32
      %mul3A_524 = vector.broadcast %mul3A_523 : f32 to vector<16xf32>
      %mul3A_525 = arith.mulf %sub3A_504, %mul3A_524 : vector<16xf32>
      %add3A_526 = arith.constant 4194304.5 : f32
      %add3A_527 = vector.broadcast %add3A_526 : f32 to vector<16xf32>
      %add3A_528 = arith.addf %mul3A_525, %add3A_527 : vector<16xf32>
      %convert_element_type3A_529 = arith.fptosi %add3A_528 : vector<16xf32> to vector<16xi32>
      tpu.vector_store_idx %arg6[%add3A_522], %convert_element_type3A_529 masked %gt3A_496 {add = true} : memref<5120xi32, #tpu.memory_space<vmem>>[vector<16xi32>], vector<16xi32>, vector<16xi1>
      %mul3A_530 = arith.constant 16 : i32
      %mul3A_531 = arith.muli %while3A_232, %mul3A_530 : i32
      %add3A_532 = arith.constant 7680 : i32
      %add3A_533 = arith.addi %add3A_532, %mul3A_531 : i32
      %get3A_534 = arith.index_cast %add3A_533 : i32 to index
      %get3A_535 = tpu.vector_load %arg5[%get3A_534] {strides = array<i32>} : memref<8192xf32, #tpu.memory_space<vmem>>, vector<16xf32>,
      %add3A_536 = arith.constant 7 : i32
      %add3A_537 = arith.addi %sub3A_7, %add3A_536 : i32
      %gt3A_538 = vector.broadcast %add3A_537 : i32 to vector<16xi32>
      %gt3A_539 = arith.cmpi sgt, %add3A_236, %gt3A_538 : vector<16xi32>
      %bitcast3A_540 = vector.bitcast %get3A_535 : vector<16xf32> to vector<16xi32>
      %shift_right_logical3A_541 = arith.constant 31 : i32
      %shift_right_logical3A_542 = vector.broadcast %shift_right_logical3A_541 : i32 to vector<16xi32>
      %shift_right_logical3A_543 = arith.shrui %bitcast3A_540, %shift_right_logical3A_542 : vector<16xi32>
      %abs3A_544 = math.absf %get3A_535 : vector<16xf32>
      %sub3A_545 = arith.constant 3.000000e+00 : f32
      %sub3A_546 = vector.broadcast %sub3A_545 : f32 to vector<16xf32>
      %sub3A_547 = arith.subf %abs3A_544, %sub3A_546 : vector<16xf32>
      %mul3A_548 = arith.constant 7.500000e+01 : f32
      %mul3A_549 = vector.broadcast %mul3A_548 : f32 to vector<16xf32>
      %mul3A_550 = arith.mulf %sub3A_547, %mul3A_549 : vector<16xf32>
      %add3A_551 = arith.constant 7.500000e+01 : f32
      %add3A_552 = vector.broadcast %add3A_551 : f32 to vector<16xf32>
      %add3A_553 = arith.addf %mul3A_550, %add3A_552 : vector<16xf32>
      %convert_element_type3A_554 = arith.fptosi %add3A_553 : vector<16xf32> to vector<16xi32>
      %jit3A_555 = arith.constant 0 : i32
      %jit3A_556 = arith.constant 159 : i32
      %max3A_557 = vector.broadcast %jit3A_555 : i32 to vector<16xi32>
      %max3A_558 = arith.maxsi %max3A_557, %convert_element_type3A_554 : vector<16xi32>
      %min3A_559 = vector.broadcast %jit3A_556 : i32 to vector<16xi32>
      %min3A_560 = arith.minsi %min3A_559, %max3A_558 : vector<16xi32>
      %mul3A_561 = arith.constant 160 : i32
      %mul3A_562 = vector.broadcast %mul3A_561 : i32 to vector<16xi32>
      %mul3A_563 = arith.muli %shift_right_logical3A_543, %mul3A_562 : vector<16xi32>
      %add3A_564 = arith.addi %mul3A_31, %mul3A_563 : vector<16xi32>
      %add3A_565 = arith.addi %add3A_564, %min3A_560 : vector<16xi32>
      %mul3A_566 = arith.constant 4.096000e+03 : f32
      %mul3A_567 = vector.broadcast %mul3A_566 : f32 to vector<16xf32>
      %mul3A_568 = arith.mulf %sub3A_547, %mul3A_567 : vector<16xf32>
      %add3A_569 = arith.constant 4194304.5 : f32
      %add3A_570 = vector.broadcast %add3A_569 : f32 to vector<16xf32>
      %add3A_571 = arith.addf %mul3A_568, %add3A_570 : vector<16xf32>
      %convert_element_type3A_572 = arith.fptosi %add3A_571 : vector<16xf32> to vector<16xi32>
      tpu.vector_store_idx %arg6[%add3A_565], %convert_element_type3A_572 masked %gt3A_539 {add = true} : memref<5120xi32, #tpu.memory_space<vmem>>[vector<16xi32>], vector<16xi32>, vector<16xi1>
    }
    %swap3A = arith.constant 0 : index
    %swap3A_98 = tpu.vector_load %arg7[%swap3A] {strides = array<i32>} : memref<1024xf32, #tpu.memory_space<vmem>>, vector<16xf32>,
    tpu.vector_store %arg7[%swap3A], %broadcast_in_dim3A_28 {strides = array<i32>} : memref<1024xf32, #tpu.memory_space<vmem>>, vector<16xf32>,
    %swap3A_99 = arith.constant 16 : index
    %swap3A_100 = tpu.vector_load %arg7[%swap3A_99] {strides = array<i32>} : memref<1024xf32, #tpu.memory_space<vmem>>, vector<16xf32>,
    tpu.vector_store %arg7[%swap3A_99], %broadcast_in_dim3A_28 {strides = array<i32>} : memref<1024xf32, #tpu.memory_space<vmem>>, vector<16xf32>,
    %swap3A_101 = arith.constant 32 : index
    %swap3A_102 = tpu.vector_load %arg7[%swap3A_101] {strides = array<i32>} : memref<1024xf32, #tpu.memory_space<vmem>>, vector<16xf32>,
    tpu.vector_store %arg7[%swap3A_101], %broadcast_in_dim3A_28 {strides = array<i32>} : memref<1024xf32, #tpu.memory_space<vmem>>, vector<16xf32>,
    %swap3A_103 = arith.constant 48 : index
    %swap3A_104 = tpu.vector_load %arg7[%swap3A_103] {strides = array<i32>} : memref<1024xf32, #tpu.memory_space<vmem>>, vector<16xf32>,
    tpu.vector_store %arg7[%swap3A_103], %broadcast_in_dim3A_28 {strides = array<i32>} : memref<1024xf32, #tpu.memory_space<vmem>>, vector<16xf32>,
    %swap3A_105 = arith.constant 64 : index
    %swap3A_106 = tpu.vector_load %arg7[%swap3A_105] {strides = array<i32>} : memref<1024xf32, #tpu.memory_space<vmem>>, vector<16xf32>,
    tpu.vector_store %arg7[%swap3A_105], %broadcast_in_dim3A_28 {strides = array<i32>} : memref<1024xf32, #tpu.memory_space<vmem>>, vector<16xf32>,
    %swap3A_107 = arith.constant 80 : index
    %swap3A_108 = tpu.vector_load %arg7[%swap3A_107] {strides = array<i32>} : memref<1024xf32, #tpu.memory_space<vmem>>, vector<16xf32>,
    tpu.vector_store %arg7[%swap3A_107], %broadcast_in_dim3A_28 {strides = array<i32>} : memref<1024xf32, #tpu.memory_space<vmem>>, vector<16xf32>,
    %swap3A_109 = arith.constant 96 : index
    %swap3A_110 = tpu.vector_load %arg7[%swap3A_109] {strides = array<i32>} : memref<1024xf32, #tpu.memory_space<vmem>>, vector<16xf32>,
    tpu.vector_store %arg7[%swap3A_109], %broadcast_in_dim3A_28 {strides = array<i32>} : memref<1024xf32, #tpu.memory_space<vmem>>, vector<16xf32>,
    %swap3A_111 = arith.constant 112 : index
    %swap3A_112 = tpu.vector_load %arg7[%swap3A_111] {strides = array<i32>} : memref<1024xf32, #tpu.memory_space<vmem>>, vector<16xf32>,
    tpu.vector_store %arg7[%swap3A_111], %broadcast_in_dim3A_28 {strides = array<i32>} : memref<1024xf32, #tpu.memory_space<vmem>>, vector<16xf32>,
    %swap3A_113 = arith.constant 128 : index
    %swap3A_114 = tpu.vector_load %arg7[%swap3A_113] {strides = array<i32>} : memref<1024xf32, #tpu.memory_space<vmem>>, vector<16xf32>,
    tpu.vector_store %arg7[%swap3A_113], %broadcast_in_dim3A_28 {strides = array<i32>} : memref<1024xf32, #tpu.memory_space<vmem>>, vector<16xf32>,
    %swap3A_115 = arith.constant 144 : index
    %swap3A_116 = tpu.vector_load %arg7[%swap3A_115] {strides = array<i32>} : memref<1024xf32, #tpu.memory_space<vmem>>, vector<16xf32>,
    tpu.vector_store %arg7[%swap3A_115], %broadcast_in_dim3A_28 {strides = array<i32>} : memref<1024xf32, #tpu.memory_space<vmem>>, vector<16xf32>,
    %swap3A_117 = arith.constant 160 : index
    %swap3A_118 = tpu.vector_load %arg7[%swap3A_117] {strides = array<i32>} : memref<1024xf32, #tpu.memory_space<vmem>>, vector<16xf32>,
    tpu.vector_store %arg7[%swap3A_117], %broadcast_in_dim3A_28 {strides = array<i32>} : memref<1024xf32, #tpu.memory_space<vmem>>, vector<16xf32>,
    %swap3A_119 = arith.constant 176 : index
    %swap3A_120 = tpu.vector_load %arg7[%swap3A_119] {strides = array<i32>} : memref<1024xf32, #tpu.memory_space<vmem>>, vector<16xf32>,
    tpu.vector_store %arg7[%swap3A_119], %broadcast_in_dim3A_28 {strides = array<i32>} : memref<1024xf32, #tpu.memory_space<vmem>>, vector<16xf32>,
    %swap3A_121 = arith.constant 192 : index
    %swap3A_122 = tpu.vector_load %arg7[%swap3A_121] {strides = array<i32>} : memref<1024xf32, #tpu.memory_space<vmem>>, vector<16xf32>,
    tpu.vector_store %arg7[%swap3A_121], %broadcast_in_dim3A_28 {strides = array<i32>} : memref<1024xf32, #tpu.memory_space<vmem>>, vector<16xf32>,
    %swap3A_123 = arith.constant 208 : index
    %swap3A_124 = tpu.vector_load %arg7[%swap3A_123] {strides = array<i32>} : memref<1024xf32, #tpu.memory_space<vmem>>, vector<16xf32>,
    tpu.vector_store %arg7[%swap3A_123], %broadcast_in_dim3A_28 {strides = array<i32>} : memref<1024xf32, #tpu.memory_space<vmem>>, vector<16xf32>,
    %swap3A_125 = arith.constant 224 : index
    %swap3A_126 = tpu.vector_load %arg7[%swap3A_125] {strides = array<i32>} : memref<1024xf32, #tpu.memory_space<vmem>>, vector<16xf32>,
    tpu.vector_store %arg7[%swap3A_125], %broadcast_in_dim3A_28 {strides = array<i32>} : memref<1024xf32, #tpu.memory_space<vmem>>, vector<16xf32>,
    %swap3A_127 = arith.constant 240 : index
    %swap3A_128 = tpu.vector_load %arg7[%swap3A_127] {strides = array<i32>} : memref<1024xf32, #tpu.memory_space<vmem>>, vector<16xf32>,
    tpu.vector_store %arg7[%swap3A_127], %broadcast_in_dim3A_28 {strides = array<i32>} : memref<1024xf32, #tpu.memory_space<vmem>>, vector<16xf32>,
    %swap3A_129 = arith.constant 256 : index
    %swap3A_130 = tpu.vector_load %arg7[%swap3A_129] {strides = array<i32>} : memref<1024xf32, #tpu.memory_space<vmem>>, vector<16xf32>,
    tpu.vector_store %arg7[%swap3A_129], %broadcast_in_dim3A_28 {strides = array<i32>} : memref<1024xf32, #tpu.memory_space<vmem>>, vector<16xf32>,
    %swap3A_131 = arith.constant 272 : index
    %swap3A_132 = tpu.vector_load %arg7[%swap3A_131] {strides = array<i32>} : memref<1024xf32, #tpu.memory_space<vmem>>, vector<16xf32>,
    tpu.vector_store %arg7[%swap3A_131], %broadcast_in_dim3A_28 {strides = array<i32>} : memref<1024xf32, #tpu.memory_space<vmem>>, vector<16xf32>,
    %swap3A_133 = arith.constant 288 : index
    %swap3A_134 = tpu.vector_load %arg7[%swap3A_133] {strides = array<i32>} : memref<1024xf32, #tpu.memory_space<vmem>>, vector<16xf32>,
    tpu.vector_store %arg7[%swap3A_133], %broadcast_in_dim3A_28 {strides = array<i32>} : memref<1024xf32, #tpu.memory_space<vmem>>, vector<16xf32>,
    %swap3A_135 = arith.constant 304 : index
    %swap3A_136 = tpu.vector_load %arg7[%swap3A_135] {strides = array<i32>} : memref<1024xf32, #tpu.memory_space<vmem>>, vector<16xf32>,
    tpu.vector_store %arg7[%swap3A_135], %broadcast_in_dim3A_28 {strides = array<i32>} : memref<1024xf32, #tpu.memory_space<vmem>>, vector<16xf32>,
    %swap3A_137 = arith.constant 320 : index
    %swap3A_138 = tpu.vector_load %arg7[%swap3A_137] {strides = array<i32>} : memref<1024xf32, #tpu.memory_space<vmem>>, vector<16xf32>,
    tpu.vector_store %arg7[%swap3A_137], %broadcast_in_dim3A_28 {strides = array<i32>} : memref<1024xf32, #tpu.memory_space<vmem>>, vector<16xf32>,
    %swap3A_139 = arith.constant 336 : index
    %swap3A_140 = tpu.vector_load %arg7[%swap3A_139] {strides = array<i32>} : memref<1024xf32, #tpu.memory_space<vmem>>, vector<16xf32>,
    tpu.vector_store %arg7[%swap3A_139], %broadcast_in_dim3A_28 {strides = array<i32>} : memref<1024xf32, #tpu.memory_space<vmem>>, vector<16xf32>,
    %swap3A_141 = arith.constant 352 : index
    %swap3A_142 = tpu.vector_load %arg7[%swap3A_141] {strides = array<i32>} : memref<1024xf32, #tpu.memory_space<vmem>>, vector<16xf32>,
    tpu.vector_store %arg7[%swap3A_141], %broadcast_in_dim3A_28 {strides = array<i32>} : memref<1024xf32, #tpu.memory_space<vmem>>, vector<16xf32>,
    %swap3A_143 = arith.constant 368 : index
    %swap3A_144 = tpu.vector_load %arg7[%swap3A_143] {strides = array<i32>} : memref<1024xf32, #tpu.memory_space<vmem>>, vector<16xf32>,
    tpu.vector_store %arg7[%swap3A_143], %broadcast_in_dim3A_28 {strides = array<i32>} : memref<1024xf32, #tpu.memory_space<vmem>>, vector<16xf32>,
    %swap3A_145 = arith.constant 384 : index
    %swap3A_146 = tpu.vector_load %arg7[%swap3A_145] {strides = array<i32>} : memref<1024xf32, #tpu.memory_space<vmem>>, vector<16xf32>,
    tpu.vector_store %arg7[%swap3A_145], %broadcast_in_dim3A_28 {strides = array<i32>} : memref<1024xf32, #tpu.memory_space<vmem>>, vector<16xf32>,
    %swap3A_147 = arith.constant 400 : index
    %swap3A_148 = tpu.vector_load %arg7[%swap3A_147] {strides = array<i32>} : memref<1024xf32, #tpu.memory_space<vmem>>, vector<16xf32>,
    tpu.vector_store %arg7[%swap3A_147], %broadcast_in_dim3A_28 {strides = array<i32>} : memref<1024xf32, #tpu.memory_space<vmem>>, vector<16xf32>,
    %swap3A_149 = arith.constant 416 : index
    %swap3A_150 = tpu.vector_load %arg7[%swap3A_149] {strides = array<i32>} : memref<1024xf32, #tpu.memory_space<vmem>>, vector<16xf32>,
    tpu.vector_store %arg7[%swap3A_149], %broadcast_in_dim3A_28 {strides = array<i32>} : memref<1024xf32, #tpu.memory_space<vmem>>, vector<16xf32>,
    %swap3A_151 = arith.constant 432 : index
    %swap3A_152 = tpu.vector_load %arg7[%swap3A_151] {strides = array<i32>} : memref<1024xf32, #tpu.memory_space<vmem>>, vector<16xf32>,
    tpu.vector_store %arg7[%swap3A_151], %broadcast_in_dim3A_28 {strides = array<i32>} : memref<1024xf32, #tpu.memory_space<vmem>>, vector<16xf32>,
    %swap3A_153 = arith.constant 448 : index
    %swap3A_154 = tpu.vector_load %arg7[%swap3A_153] {strides = array<i32>} : memref<1024xf32, #tpu.memory_space<vmem>>, vector<16xf32>,
    tpu.vector_store %arg7[%swap3A_153], %broadcast_in_dim3A_28 {strides = array<i32>} : memref<1024xf32, #tpu.memory_space<vmem>>, vector<16xf32>,
    %swap3A_155 = arith.constant 464 : index
    %swap3A_156 = tpu.vector_load %arg7[%swap3A_155] {strides = array<i32>} : memref<1024xf32, #tpu.memory_space<vmem>>, vector<16xf32>,
    tpu.vector_store %arg7[%swap3A_155], %broadcast_in_dim3A_28 {strides = array<i32>} : memref<1024xf32, #tpu.memory_space<vmem>>, vector<16xf32>,
    %swap3A_157 = arith.constant 480 : index
    %swap3A_158 = tpu.vector_load %arg7[%swap3A_157] {strides = array<i32>} : memref<1024xf32, #tpu.memory_space<vmem>>, vector<16xf32>,
    tpu.vector_store %arg7[%swap3A_157], %broadcast_in_dim3A_28 {strides = array<i32>} : memref<1024xf32, #tpu.memory_space<vmem>>, vector<16xf32>,
    %swap3A_159 = arith.constant 496 : index
    %swap3A_160 = tpu.vector_load %arg7[%swap3A_159] {strides = array<i32>} : memref<1024xf32, #tpu.memory_space<vmem>>, vector<16xf32>,
    tpu.vector_store %arg7[%swap3A_159], %broadcast_in_dim3A_28 {strides = array<i32>} : memref<1024xf32, #tpu.memory_space<vmem>>, vector<16xf32>,
    %swap3A_161 = arith.constant 512 : index
    %swap3A_162 = tpu.vector_load %arg7[%swap3A_161] {strides = array<i32>} : memref<1024xf32, #tpu.memory_space<vmem>>, vector<16xf32>,
    tpu.vector_store %arg7[%swap3A_161], %broadcast_in_dim3A_28 {strides = array<i32>} : memref<1024xf32, #tpu.memory_space<vmem>>, vector<16xf32>,
    %swap3A_163 = arith.constant 528 : index
    %swap3A_164 = tpu.vector_load %arg7[%swap3A_163] {strides = array<i32>} : memref<1024xf32, #tpu.memory_space<vmem>>, vector<16xf32>,
    tpu.vector_store %arg7[%swap3A_163], %broadcast_in_dim3A_28 {strides = array<i32>} : memref<1024xf32, #tpu.memory_space<vmem>>, vector<16xf32>,
    %swap3A_165 = arith.constant 544 : index
    %swap3A_166 = tpu.vector_load %arg7[%swap3A_165] {strides = array<i32>} : memref<1024xf32, #tpu.memory_space<vmem>>, vector<16xf32>,
    tpu.vector_store %arg7[%swap3A_165], %broadcast_in_dim3A_28 {strides = array<i32>} : memref<1024xf32, #tpu.memory_space<vmem>>, vector<16xf32>,
    %swap3A_167 = arith.constant 560 : index
    %swap3A_168 = tpu.vector_load %arg7[%swap3A_167] {strides = array<i32>} : memref<1024xf32, #tpu.memory_space<vmem>>, vector<16xf32>,
    tpu.vector_store %arg7[%swap3A_167], %broadcast_in_dim3A_28 {strides = array<i32>} : memref<1024xf32, #tpu.memory_space<vmem>>, vector<16xf32>,
    %swap3A_169 = arith.constant 576 : index
    %swap3A_170 = tpu.vector_load %arg7[%swap3A_169] {strides = array<i32>} : memref<1024xf32, #tpu.memory_space<vmem>>, vector<16xf32>,
    tpu.vector_store %arg7[%swap3A_169], %broadcast_in_dim3A_28 {strides = array<i32>} : memref<1024xf32, #tpu.memory_space<vmem>>, vector<16xf32>,
    %swap3A_171 = arith.constant 592 : index
    %swap3A_172 = tpu.vector_load %arg7[%swap3A_171] {strides = array<i32>} : memref<1024xf32, #tpu.memory_space<vmem>>, vector<16xf32>,
    tpu.vector_store %arg7[%swap3A_171], %broadcast_in_dim3A_28 {strides = array<i32>} : memref<1024xf32, #tpu.memory_space<vmem>>, vector<16xf32>,
    %swap3A_173 = arith.constant 608 : index
    %swap3A_174 = tpu.vector_load %arg7[%swap3A_173] {strides = array<i32>} : memref<1024xf32, #tpu.memory_space<vmem>>, vector<16xf32>,
    tpu.vector_store %arg7[%swap3A_173], %broadcast_in_dim3A_28 {strides = array<i32>} : memref<1024xf32, #tpu.memory_space<vmem>>, vector<16xf32>,
    %swap3A_175 = arith.constant 624 : index
    %swap3A_176 = tpu.vector_load %arg7[%swap3A_175] {strides = array<i32>} : memref<1024xf32, #tpu.memory_space<vmem>>, vector<16xf32>,
    tpu.vector_store %arg7[%swap3A_175], %broadcast_in_dim3A_28 {strides = array<i32>} : memref<1024xf32, #tpu.memory_space<vmem>>, vector<16xf32>,
    %swap3A_177 = arith.constant 640 : index
    %swap3A_178 = tpu.vector_load %arg7[%swap3A_177] {strides = array<i32>} : memref<1024xf32, #tpu.memory_space<vmem>>, vector<16xf32>,
    tpu.vector_store %arg7[%swap3A_177], %broadcast_in_dim3A_28 {strides = array<i32>} : memref<1024xf32, #tpu.memory_space<vmem>>, vector<16xf32>,
    %swap3A_179 = arith.constant 656 : index
    %swap3A_180 = tpu.vector_load %arg7[%swap3A_179] {strides = array<i32>} : memref<1024xf32, #tpu.memory_space<vmem>>, vector<16xf32>,
    tpu.vector_store %arg7[%swap3A_179], %broadcast_in_dim3A_28 {strides = array<i32>} : memref<1024xf32, #tpu.memory_space<vmem>>, vector<16xf32>,
    %swap3A_181 = arith.constant 672 : index
    %swap3A_182 = tpu.vector_load %arg7[%swap3A_181] {strides = array<i32>} : memref<1024xf32, #tpu.memory_space<vmem>>, vector<16xf32>,
    tpu.vector_store %arg7[%swap3A_181], %broadcast_in_dim3A_28 {strides = array<i32>} : memref<1024xf32, #tpu.memory_space<vmem>>, vector<16xf32>,
    %swap3A_183 = arith.constant 688 : index
    %swap3A_184 = tpu.vector_load %arg7[%swap3A_183] {strides = array<i32>} : memref<1024xf32, #tpu.memory_space<vmem>>, vector<16xf32>,
    tpu.vector_store %arg7[%swap3A_183], %broadcast_in_dim3A_28 {strides = array<i32>} : memref<1024xf32, #tpu.memory_space<vmem>>, vector<16xf32>,
    %swap3A_185 = arith.constant 704 : index
    %swap3A_186 = tpu.vector_load %arg7[%swap3A_185] {strides = array<i32>} : memref<1024xf32, #tpu.memory_space<vmem>>, vector<16xf32>,
    tpu.vector_store %arg7[%swap3A_185], %broadcast_in_dim3A_28 {strides = array<i32>} : memref<1024xf32, #tpu.memory_space<vmem>>, vector<16xf32>,
    %swap3A_187 = arith.constant 720 : index
    %swap3A_188 = tpu.vector_load %arg7[%swap3A_187] {strides = array<i32>} : memref<1024xf32, #tpu.memory_space<vmem>>, vector<16xf32>,
    tpu.vector_store %arg7[%swap3A_187], %broadcast_in_dim3A_28 {strides = array<i32>} : memref<1024xf32, #tpu.memory_space<vmem>>, vector<16xf32>,
    %swap3A_189 = arith.constant 736 : index
    %swap3A_190 = tpu.vector_load %arg7[%swap3A_189] {strides = array<i32>} : memref<1024xf32, #tpu.memory_space<vmem>>, vector<16xf32>,
    tpu.vector_store %arg7[%swap3A_189], %broadcast_in_dim3A_28 {strides = array<i32>} : memref<1024xf32, #tpu.memory_space<vmem>>, vector<16xf32>,
    %swap3A_191 = arith.constant 752 : index
    %swap3A_192 = tpu.vector_load %arg7[%swap3A_191] {strides = array<i32>} : memref<1024xf32, #tpu.memory_space<vmem>>, vector<16xf32>,
    tpu.vector_store %arg7[%swap3A_191], %broadcast_in_dim3A_28 {strides = array<i32>} : memref<1024xf32, #tpu.memory_space<vmem>>, vector<16xf32>,
    %swap3A_193 = arith.constant 768 : index
    %swap3A_194 = tpu.vector_load %arg7[%swap3A_193] {strides = array<i32>} : memref<1024xf32, #tpu.memory_space<vmem>>, vector<16xf32>,
    tpu.vector_store %arg7[%swap3A_193], %broadcast_in_dim3A_28 {strides = array<i32>} : memref<1024xf32, #tpu.memory_space<vmem>>, vector<16xf32>,
    %swap3A_195 = arith.constant 784 : index
    %swap3A_196 = tpu.vector_load %arg7[%swap3A_195] {strides = array<i32>} : memref<1024xf32, #tpu.memory_space<vmem>>, vector<16xf32>,
    tpu.vector_store %arg7[%swap3A_195], %broadcast_in_dim3A_28 {strides = array<i32>} : memref<1024xf32, #tpu.memory_space<vmem>>, vector<16xf32>,
    %swap3A_197 = arith.constant 800 : index
    %swap3A_198 = tpu.vector_load %arg7[%swap3A_197] {strides = array<i32>} : memref<1024xf32, #tpu.memory_space<vmem>>, vector<16xf32>,
    tpu.vector_store %arg7[%swap3A_197], %broadcast_in_dim3A_28 {strides = array<i32>} : memref<1024xf32, #tpu.memory_space<vmem>>, vector<16xf32>,
    %swap3A_199 = arith.constant 816 : index
    %swap3A_200 = tpu.vector_load %arg7[%swap3A_199] {strides = array<i32>} : memref<1024xf32, #tpu.memory_space<vmem>>, vector<16xf32>,
    tpu.vector_store %arg7[%swap3A_199], %broadcast_in_dim3A_28 {strides = array<i32>} : memref<1024xf32, #tpu.memory_space<vmem>>, vector<16xf32>,
    %swap3A_201 = arith.constant 832 : index
    %swap3A_202 = tpu.vector_load %arg7[%swap3A_201] {strides = array<i32>} : memref<1024xf32, #tpu.memory_space<vmem>>, vector<16xf32>,
    tpu.vector_store %arg7[%swap3A_201], %broadcast_in_dim3A_28 {strides = array<i32>} : memref<1024xf32, #tpu.memory_space<vmem>>, vector<16xf32>,
    %swap3A_203 = arith.constant 848 : index
    %swap3A_204 = tpu.vector_load %arg7[%swap3A_203] {strides = array<i32>} : memref<1024xf32, #tpu.memory_space<vmem>>, vector<16xf32>,
    tpu.vector_store %arg7[%swap3A_203], %broadcast_in_dim3A_28 {strides = array<i32>} : memref<1024xf32, #tpu.memory_space<vmem>>, vector<16xf32>,
    %swap3A_205 = arith.constant 864 : index
    %swap3A_206 = tpu.vector_load %arg7[%swap3A_205] {strides = array<i32>} : memref<1024xf32, #tpu.memory_space<vmem>>, vector<16xf32>,
    tpu.vector_store %arg7[%swap3A_205], %broadcast_in_dim3A_28 {strides = array<i32>} : memref<1024xf32, #tpu.memory_space<vmem>>, vector<16xf32>,
    %swap3A_207 = arith.constant 880 : index
    %swap3A_208 = tpu.vector_load %arg7[%swap3A_207] {strides = array<i32>} : memref<1024xf32, #tpu.memory_space<vmem>>, vector<16xf32>,
    tpu.vector_store %arg7[%swap3A_207], %broadcast_in_dim3A_28 {strides = array<i32>} : memref<1024xf32, #tpu.memory_space<vmem>>, vector<16xf32>,
    %swap3A_209 = arith.constant 896 : index
    %swap3A_210 = tpu.vector_load %arg7[%swap3A_209] {strides = array<i32>} : memref<1024xf32, #tpu.memory_space<vmem>>, vector<16xf32>,
    tpu.vector_store %arg7[%swap3A_209], %broadcast_in_dim3A_28 {strides = array<i32>} : memref<1024xf32, #tpu.memory_space<vmem>>, vector<16xf32>,
    %swap3A_211 = arith.constant 912 : index
    %swap3A_212 = tpu.vector_load %arg7[%swap3A_211] {strides = array<i32>} : memref<1024xf32, #tpu.memory_space<vmem>>, vector<16xf32>,
    tpu.vector_store %arg7[%swap3A_211], %broadcast_in_dim3A_28 {strides = array<i32>} : memref<1024xf32, #tpu.memory_space<vmem>>, vector<16xf32>,
    %swap3A_213 = arith.constant 928 : index
    %swap3A_214 = tpu.vector_load %arg7[%swap3A_213] {strides = array<i32>} : memref<1024xf32, #tpu.memory_space<vmem>>, vector<16xf32>,
    tpu.vector_store %arg7[%swap3A_213], %broadcast_in_dim3A_28 {strides = array<i32>} : memref<1024xf32, #tpu.memory_space<vmem>>, vector<16xf32>,
    %swap3A_215 = arith.constant 944 : index
    %swap3A_216 = tpu.vector_load %arg7[%swap3A_215] {strides = array<i32>} : memref<1024xf32, #tpu.memory_space<vmem>>, vector<16xf32>,
    tpu.vector_store %arg7[%swap3A_215], %broadcast_in_dim3A_28 {strides = array<i32>} : memref<1024xf32, #tpu.memory_space<vmem>>, vector<16xf32>,
    %swap3A_217 = arith.constant 960 : index
    %swap3A_218 = tpu.vector_load %arg7[%swap3A_217] {strides = array<i32>} : memref<1024xf32, #tpu.memory_space<vmem>>, vector<16xf32>,
    tpu.vector_store %arg7[%swap3A_217], %broadcast_in_dim3A_28 {strides = array<i32>} : memref<1024xf32, #tpu.memory_space<vmem>>, vector<16xf32>,
    %swap3A_219 = arith.constant 976 : index
    %swap3A_220 = tpu.vector_load %arg7[%swap3A_219] {strides = array<i32>} : memref<1024xf32, #tpu.memory_space<vmem>>, vector<16xf32>,
    tpu.vector_store %arg7[%swap3A_219], %broadcast_in_dim3A_28 {strides = array<i32>} : memref<1024xf32, #tpu.memory_space<vmem>>, vector<16xf32>,
    %swap3A_221 = arith.constant 992 : index
    %swap3A_222 = tpu.vector_load %arg7[%swap3A_221] {strides = array<i32>} : memref<1024xf32, #tpu.memory_space<vmem>>, vector<16xf32>,
    tpu.vector_store %arg7[%swap3A_221], %broadcast_in_dim3A_28 {strides = array<i32>} : memref<1024xf32, #tpu.memory_space<vmem>>, vector<16xf32>,
    %swap3A_223 = arith.constant 1008 : index
    %swap3A_224 = tpu.vector_load %arg7[%swap3A_223] {strides = array<i32>} : memref<1024xf32, #tpu.memory_space<vmem>>, vector<16xf32>,
    tpu.vector_store %arg7[%swap3A_223], %broadcast_in_dim3A_28 {strides = array<i32>} : memref<1024xf32, #tpu.memory_space<vmem>>, vector<16xf32>,
    %scan3A = arith.constant 0 : i32
    %scan3A_225 = arith.constant 0 : i32
    %scan3A_226 = arith.constant 20 : i32
    %scan3A_227 = arith.addi %scan3A_225, %scan3A_226 : i32
    %scan3A_228 = arith.constant 1 : i32
    scf.for %scan3A_232 = %scan3A_225 to %scan3A_227 step %scan3A_228  : i32 {
      %jit3A_233 = arith.constant 10 : i32
      %div3A_234 = arith.divsi %scan3A_232, %jit3A_233 : i32
      %sign3A_235 = arith.constant 0 : i32
      %sign3A_236 = arith.cmpi sgt, %scan3A_232, %sign3A_235 : i32
      %sign3A_237 = arith.extui %sign3A_236 : i1 to i32
      %sign3A_238 = arith.constant 0 : i32
      %sign3A_239 = arith.cmpi slt, %scan3A_232, %sign3A_238 : i32
      %sign3A_240 = arith.extui %sign3A_239 : i1 to i32
      %sign3A_241 = arith.subi %sign3A_237, %sign3A_240 : i32
      %sign3A_242 = arith.constant 0 : i32
      %sign3A_243 = arith.cmpi sgt, %jit3A_233, %sign3A_242 : i32
      %sign3A_244 = arith.extui %sign3A_243 : i1 to i32
      %sign3A_245 = arith.constant 0 : i32
      %sign3A_246 = arith.cmpi slt, %jit3A_233, %sign3A_245 : i32
      %sign3A_247 = arith.extui %sign3A_246 : i1 to i32
      %sign3A_248 = arith.subi %sign3A_244, %sign3A_247 : i32
      %ne3A_249 = arith.cmpi ne, %sign3A_241, %sign3A_248 : i32
      %rem3A_250 = arith.remsi %scan3A_232, %jit3A_233 : i32
      %ne3A_251 = arith.constant 0 : i32
      %ne3A_252 = arith.cmpi ne, %rem3A_250, %ne3A_251 : i32
      %and3A_253 = arith.andi %ne3A_249, %ne3A_252 : i1
      %sub3A_254 = arith.constant 1 : i32
      %sub3A_255 = arith.subi %div3A_234, %sub3A_254 : i32
      %select_n3A_256 = arith.select %and3A_253, %sub3A_255, %div3A_234 : i32
      %mul3A_257 = arith.constant 10 : i32
      %mul3A_258 = arith.muli %select_n3A_256, %mul3A_257 : i32
      %sub3A_259 = arith.subi %scan3A_232, %mul3A_258 : i32
      %mul3A_260 = arith.constant 160 : i32
      %mul3A_261 = arith.muli %select_n3A_256, %mul3A_260 : i32
      %add3A_262 = arith.constant 0 : i32
      %add3A_263 = arith.addi %add3A_262, %mul3A_261 : i32
      %mul3A_264 = arith.constant 16 : i32
      %mul3A_265 = arith.muli %sub3A_259, %mul3A_264 : i32
      %add3A_266 = arith.addi %add3A_263, %mul3A_265 : i32
      %get3A = arith.index_cast %add3A_266 : i32 to index
      %get3A_267 = tpu.vector_load %arg6[%get3A] {strides = array<i32>} : memref<5120xi32, #tpu.memory_space<vmem>>, vector<16xi32>,
      %add3A_268 = arith.constant 2097152 : i32
      %add3A_269 = vector.broadcast %add3A_268 : i32 to vector<16xi32>
      %add3A_270 = arith.addi %get3A_267, %add3A_269 : vector<16xi32>
      %shift_right_arithmetic3A = arith.constant 22 : i32
      %shift_right_arithmetic3A_271 = vector.broadcast %shift_right_arithmetic3A : i32 to vector<16xi32>
      %shift_right_arithmetic3A_272 = arith.shrsi %add3A_270, %shift_right_arithmetic3A_271 : vector<16xi32>
      %shift_left3A = arith.constant 22 : i32
      %shift_left3A_273 = vector.broadcast %shift_left3A : i32 to vector<16xi32>
      %shift_left3A_274 = arith.shli %shift_right_arithmetic3A_272, %shift_left3A_273 : vector<16xi32>
      %sub3A_275 = arith.subi %get3A_267, %shift_left3A_274 : vector<16xi32>
      %convert_element_type3A = arith.sitofp %shift_right_arithmetic3A_272 : vector<16xi32> to vector<16xf32>
      %add3A_276 = arith.addf %broadcast_in_dim3A_28, %convert_element_type3A : vector<16xf32>
      %convert_element_type3A_277 = arith.sitofp %sub3A_275 : vector<16xi32> to vector<16xf32>
      %add3A_278 = arith.addf %broadcast_in_dim3A_28, %convert_element_type3A_277 : vector<16xf32>
      %mul3A_279 = arith.constant 160 : i32
      %mul3A_280 = arith.muli %select_n3A_256, %mul3A_279 : i32
      %add3A_281 = arith.constant 320 : i32
      %add3A_282 = arith.addi %add3A_281, %mul3A_280 : i32
      %mul3A_283 = arith.constant 16 : i32
      %mul3A_284 = arith.muli %sub3A_259, %mul3A_283 : i32
      %add3A_285 = arith.addi %add3A_282, %mul3A_284 : i32
      %get3A_286 = arith.index_cast %add3A_285 : i32 to index
      %get3A_287 = tpu.vector_load %arg6[%get3A_286] {strides = array<i32>} : memref<5120xi32, #tpu.memory_space<vmem>>, vector<16xi32>,
      %add3A_288 = arith.constant 2097152 : i32
      %add3A_289 = vector.broadcast %add3A_288 : i32 to vector<16xi32>
      %add3A_290 = arith.addi %get3A_287, %add3A_289 : vector<16xi32>
      %shift_right_arithmetic3A_291 = arith.constant 22 : i32
      %shift_right_arithmetic3A_292 = vector.broadcast %shift_right_arithmetic3A_291 : i32 to vector<16xi32>
      %shift_right_arithmetic3A_293 = arith.shrsi %add3A_290, %shift_right_arithmetic3A_292 : vector<16xi32>
      %shift_left3A_294 = arith.constant 22 : i32
      %shift_left3A_295 = vector.broadcast %shift_left3A_294 : i32 to vector<16xi32>
      %shift_left3A_296 = arith.shli %shift_right_arithmetic3A_293, %shift_left3A_295 : vector<16xi32>
      %sub3A_297 = arith.subi %get3A_287, %shift_left3A_296 : vector<16xi32>
      %convert_element_type3A_298 = arith.sitofp %shift_right_arithmetic3A_293 : vector<16xi32> to vector<16xf32>
      %add3A_299 = arith.addf %add3A_276, %convert_element_type3A_298 : vector<16xf32>
      %convert_element_type3A_300 = arith.sitofp %sub3A_297 : vector<16xi32> to vector<16xf32>
      %add3A_301 = arith.addf %add3A_278, %convert_element_type3A_300 : vector<16xf32>
      %mul3A_302 = arith.constant 160 : i32
      %mul3A_303 = arith.muli %select_n3A_256, %mul3A_302 : i32
      %add3A_304 = arith.constant 640 : i32
      %add3A_305 = arith.addi %add3A_304, %mul3A_303 : i32
      %mul3A_306 = arith.constant 16 : i32
      %mul3A_307 = arith.muli %sub3A_259, %mul3A_306 : i32
      %add3A_308 = arith.addi %add3A_305, %mul3A_307 : i32
      %get3A_309 = arith.index_cast %add3A_308 : i32 to index
      %get3A_310 = tpu.vector_load %arg6[%get3A_309] {strides = array<i32>} : memref<5120xi32, #tpu.memory_space<vmem>>, vector<16xi32>,
      %add3A_311 = arith.constant 2097152 : i32
      %add3A_312 = vector.broadcast %add3A_311 : i32 to vector<16xi32>
      %add3A_313 = arith.addi %get3A_310, %add3A_312 : vector<16xi32>
      %shift_right_arithmetic3A_314 = arith.constant 22 : i32
      %shift_right_arithmetic3A_315 = vector.broadcast %shift_right_arithmetic3A_314 : i32 to vector<16xi32>
      %shift_right_arithmetic3A_316 = arith.shrsi %add3A_313, %shift_right_arithmetic3A_315 : vector<16xi32>
      %shift_left3A_317 = arith.constant 22 : i32
      %shift_left3A_318 = vector.broadcast %shift_left3A_317 : i32 to vector<16xi32>
      %shift_left3A_319 = arith.shli %shift_right_arithmetic3A_316, %shift_left3A_318 : vector<16xi32>
      %sub3A_320 = arith.subi %get3A_310, %shift_left3A_319 : vector<16xi32>
      %convert_element_type3A_321 = arith.sitofp %shift_right_arithmetic3A_316 : vector<16xi32> to vector<16xf32>
      %add3A_322 = arith.addf %add3A_299, %convert_element_type3A_321 : vector<16xf32>
      %convert_element_type3A_323 = arith.sitofp %sub3A_320 : vector<16xi32> to vector<16xf32>
      %add3A_324 = arith.addf %add3A_301, %convert_element_type3A_323 : vector<16xf32>
      %mul3A_325 = arith.constant 160 : i32
      %mul3A_326 = arith.muli %select_n3A_256, %mul3A_325 : i32
      %add3A_327 = arith.constant 960 : i32
      %add3A_328 = arith.addi %add3A_327, %mul3A_326 : i32
      %mul3A_329 = arith.constant 16 : i32
      %mul3A_330 = arith.muli %sub3A_259, %mul3A_329 : i32
      %add3A_331 = arith.addi %add3A_328, %mul3A_330 : i32
      %get3A_332 = arith.index_cast %add3A_331 : i32 to index
      %get3A_333 = tpu.vector_load %arg6[%get3A_332] {strides = array<i32>} : memref<5120xi32, #tpu.memory_space<vmem>>, vector<16xi32>,
      %add3A_334 = arith.constant 2097152 : i32
      %add3A_335 = vector.broadcast %add3A_334 : i32 to vector<16xi32>
      %add3A_336 = arith.addi %get3A_333, %add3A_335 : vector<16xi32>
      %shift_right_arithmetic3A_337 = arith.constant 22 : i32
      %shift_right_arithmetic3A_338 = vector.broadcast %shift_right_arithmetic3A_337 : i32 to vector<16xi32>
      %shift_right_arithmetic3A_339 = arith.shrsi %add3A_336, %shift_right_arithmetic3A_338 : vector<16xi32>
      %shift_left3A_340 = arith.constant 22 : i32
      %shift_left3A_341 = vector.broadcast %shift_left3A_340 : i32 to vector<16xi32>
      %shift_left3A_342 = arith.shli %shift_right_arithmetic3A_339, %shift_left3A_341 : vector<16xi32>
      %sub3A_343 = arith.subi %get3A_333, %shift_left3A_342 : vector<16xi32>
      %convert_element_type3A_344 = arith.sitofp %shift_right_arithmetic3A_339 : vector<16xi32> to vector<16xf32>
      %add3A_345 = arith.addf %add3A_322, %convert_element_type3A_344 : vector<16xf32>
      %convert_element_type3A_346 = arith.sitofp %sub3A_343 : vector<16xi32> to vector<16xf32>
      %add3A_347 = arith.addf %add3A_324, %convert_element_type3A_346 : vector<16xf32>
      %mul3A_348 = arith.constant 160 : i32
      %mul3A_349 = arith.muli %select_n3A_256, %mul3A_348 : i32
      %add3A_350 = arith.constant 1280 : i32
      %add3A_351 = arith.addi %add3A_350, %mul3A_349 : i32
      %mul3A_352 = arith.constant 16 : i32
      %mul3A_353 = arith.muli %sub3A_259, %mul3A_352 : i32
      %add3A_354 = arith.addi %add3A_351, %mul3A_353 : i32
      %get3A_355 = arith.index_cast %add3A_354 : i32 to index
      %get3A_356 = tpu.vector_load %arg6[%get3A_355] {strides = array<i32>} : memref<5120xi32, #tpu.memory_space<vmem>>, vector<16xi32>,
      %add3A_357 = arith.constant 2097152 : i32
      %add3A_358 = vector.broadcast %add3A_357 : i32 to vector<16xi32>
      %add3A_359 = arith.addi %get3A_356, %add3A_358 : vector<16xi32>
      %shift_right_arithmetic3A_360 = arith.constant 22 : i32
      %shift_right_arithmetic3A_361 = vector.broadcast %shift_right_arithmetic3A_360 : i32 to vector<16xi32>
      %shift_right_arithmetic3A_362 = arith.shrsi %add3A_359, %shift_right_arithmetic3A_361 : vector<16xi32>
      %shift_left3A_363 = arith.constant 22 : i32
      %shift_left3A_364 = vector.broadcast %shift_left3A_363 : i32 to vector<16xi32>
      %shift_left3A_365 = arith.shli %shift_right_arithmetic3A_362, %shift_left3A_364 : vector<16xi32>
      %sub3A_366 = arith.subi %get3A_356, %shift_left3A_365 : vector<16xi32>
      %convert_element_type3A_367 = arith.sitofp %shift_right_arithmetic3A_362 : vector<16xi32> to vector<16xf32>
      %add3A_368 = arith.addf %add3A_345, %convert_element_type3A_367 : vector<16xf32>
      %convert_element_type3A_369 = arith.sitofp %sub3A_366 : vector<16xi32> to vector<16xf32>
      %add3A_370 = arith.addf %add3A_347, %convert_element_type3A_369 : vector<16xf32>
      %mul3A_371 = arith.constant 160 : i32
      %mul3A_372 = arith.muli %select_n3A_256, %mul3A_371 : i32
      %add3A_373 = arith.constant 1600 : i32
      %add3A_374 = arith.addi %add3A_373, %mul3A_372 : i32
      %mul3A_375 = arith.constant 16 : i32
      %mul3A_376 = arith.muli %sub3A_259, %mul3A_375 : i32
      %add3A_377 = arith.addi %add3A_374, %mul3A_376 : i32
      %get3A_378 = arith.index_cast %add3A_377 : i32 to index
      %get3A_379 = tpu.vector_load %arg6[%get3A_378] {strides = array<i32>} : memref<5120xi32, #tpu.memory_space<vmem>>, vector<16xi32>,
      %add3A_380 = arith.constant 2097152 : i32
      %add3A_381 = vector.broadcast %add3A_380 : i32 to vector<16xi32>
      %add3A_382 = arith.addi %get3A_379, %add3A_381 : vector<16xi32>
      %shift_right_arithmetic3A_383 = arith.constant 22 : i32
      %shift_right_arithmetic3A_384 = vector.broadcast %shift_right_arithmetic3A_383 : i32 to vector<16xi32>
      %shift_right_arithmetic3A_385 = arith.shrsi %add3A_382, %shift_right_arithmetic3A_384 : vector<16xi32>
      %shift_left3A_386 = arith.constant 22 : i32
      %shift_left3A_387 = vector.broadcast %shift_left3A_386 : i32 to vector<16xi32>
      %shift_left3A_388 = arith.shli %shift_right_arithmetic3A_385, %shift_left3A_387 : vector<16xi32>
      %sub3A_389 = arith.subi %get3A_379, %shift_left3A_388 : vector<16xi32>
      %convert_element_type3A_390 = arith.sitofp %shift_right_arithmetic3A_385 : vector<16xi32> to vector<16xf32>
      %add3A_391 = arith.addf %add3A_368, %convert_element_type3A_390 : vector<16xf32>
      %convert_element_type3A_392 = arith.sitofp %sub3A_389 : vector<16xi32> to vector<16xf32>
      %add3A_393 = arith.addf %add3A_370, %convert_element_type3A_392 : vector<16xf32>
      %mul3A_394 = arith.constant 160 : i32
      %mul3A_395 = arith.muli %select_n3A_256, %mul3A_394 : i32
      %add3A_396 = arith.constant 1920 : i32
      %add3A_397 = arith.addi %add3A_396, %mul3A_395 : i32
      %mul3A_398 = arith.constant 16 : i32
      %mul3A_399 = arith.muli %sub3A_259, %mul3A_398 : i32
      %add3A_400 = arith.addi %add3A_397, %mul3A_399 : i32
      %get3A_401 = arith.index_cast %add3A_400 : i32 to index
      %get3A_402 = tpu.vector_load %arg6[%get3A_401] {strides = array<i32>} : memref<5120xi32, #tpu.memory_space<vmem>>, vector<16xi32>,
      %add3A_403 = arith.constant 2097152 : i32
      %add3A_404 = vector.broadcast %add3A_403 : i32 to vector<16xi32>
      %add3A_405 = arith.addi %get3A_402, %add3A_404 : vector<16xi32>
      %shift_right_arithmetic3A_406 = arith.constant 22 : i32
      %shift_right_arithmetic3A_407 = vector.broadcast %shift_right_arithmetic3A_406 : i32 to vector<16xi32>
      %shift_right_arithmetic3A_408 = arith.shrsi %add3A_405, %shift_right_arithmetic3A_407 : vector<16xi32>
      %shift_left3A_409 = arith.constant 22 : i32
      %shift_left3A_410 = vector.broadcast %shift_left3A_409 : i32 to vector<16xi32>
      %shift_left3A_411 = arith.shli %shift_right_arithmetic3A_408, %shift_left3A_410 : vector<16xi32>
      %sub3A_412 = arith.subi %get3A_402, %shift_left3A_411 : vector<16xi32>
      %convert_element_type3A_413 = arith.sitofp %shift_right_arithmetic3A_408 : vector<16xi32> to vector<16xf32>
      %add3A_414 = arith.addf %add3A_391, %convert_element_type3A_413 : vector<16xf32>
      %convert_element_type3A_415 = arith.sitofp %sub3A_412 : vector<16xi32> to vector<16xf32>
      %add3A_416 = arith.addf %add3A_393, %convert_element_type3A_415 : vector<16xf32>
      %mul3A_417 = arith.constant 160 : i32
      %mul3A_418 = arith.muli %select_n3A_256, %mul3A_417 : i32
      %add3A_419 = arith.constant 2240 : i32
      %add3A_420 = arith.addi %add3A_419, %mul3A_418 : i32
      %mul3A_421 = arith.constant 16 : i32
      %mul3A_422 = arith.muli %sub3A_259, %mul3A_421 : i32
      %add3A_423 = arith.addi %add3A_420, %mul3A_422 : i32
      %get3A_424 = arith.index_cast %add3A_423 : i32 to index
      %get3A_425 = tpu.vector_load %arg6[%get3A_424] {strides = array<i32>} : memref<5120xi32, #tpu.memory_space<vmem>>, vector<16xi32>,
      %add3A_426 = arith.constant 2097152 : i32
      %add3A_427 = vector.broadcast %add3A_426 : i32 to vector<16xi32>
      %add3A_428 = arith.addi %get3A_425, %add3A_427 : vector<16xi32>
      %shift_right_arithmetic3A_429 = arith.constant 22 : i32
      %shift_right_arithmetic3A_430 = vector.broadcast %shift_right_arithmetic3A_429 : i32 to vector<16xi32>
      %shift_right_arithmetic3A_431 = arith.shrsi %add3A_428, %shift_right_arithmetic3A_430 : vector<16xi32>
      %shift_left3A_432 = arith.constant 22 : i32
      %shift_left3A_433 = vector.broadcast %shift_left3A_432 : i32 to vector<16xi32>
      %shift_left3A_434 = arith.shli %shift_right_arithmetic3A_431, %shift_left3A_433 : vector<16xi32>
      %sub3A_435 = arith.subi %get3A_425, %shift_left3A_434 : vector<16xi32>
      %convert_element_type3A_436 = arith.sitofp %shift_right_arithmetic3A_431 : vector<16xi32> to vector<16xf32>
      %add3A_437 = arith.addf %add3A_414, %convert_element_type3A_436 : vector<16xf32>
      %convert_element_type3A_438 = arith.sitofp %sub3A_435 : vector<16xi32> to vector<16xf32>
      %add3A_439 = arith.addf %add3A_416, %convert_element_type3A_438 : vector<16xf32>
      %mul3A_440 = arith.constant 160 : i32
      %mul3A_441 = arith.muli %select_n3A_256, %mul3A_440 : i32
      %add3A_442 = arith.constant 2560 : i32
      %add3A_443 = arith.addi %add3A_442, %mul3A_441 : i32
      %mul3A_444 = arith.constant 16 : i32
      %mul3A_445 = arith.muli %sub3A_259, %mul3A_444 : i32
      %add3A_446 = arith.addi %add3A_443, %mul3A_445 : i32
      %get3A_447 = arith.index_cast %add3A_446 : i32 to index
      %get3A_448 = tpu.vector_load %arg6[%get3A_447] {strides = array<i32>} : memref<5120xi32, #tpu.memory_space<vmem>>, vector<16xi32>,
      %add3A_449 = arith.constant 2097152 : i32
      %add3A_450 = vector.broadcast %add3A_449 : i32 to vector<16xi32>
      %add3A_451 = arith.addi %get3A_448, %add3A_450 : vector<16xi32>
      %shift_right_arithmetic3A_452 = arith.constant 22 : i32
      %shift_right_arithmetic3A_453 = vector.broadcast %shift_right_arithmetic3A_452 : i32 to vector<16xi32>
      %shift_right_arithmetic3A_454 = arith.shrsi %add3A_451, %shift_right_arithmetic3A_453 : vector<16xi32>
      %shift_left3A_455 = arith.constant 22 : i32
      %shift_left3A_456 = vector.broadcast %shift_left3A_455 : i32 to vector<16xi32>
      %shift_left3A_457 = arith.shli %shift_right_arithmetic3A_454, %shift_left3A_456 : vector<16xi32>
      %sub3A_458 = arith.subi %get3A_448, %shift_left3A_457 : vector<16xi32>
      %convert_element_type3A_459 = arith.sitofp %shift_right_arithmetic3A_454 : vector<16xi32> to vector<16xf32>
      %add3A_460 = arith.addf %add3A_437, %convert_element_type3A_459 : vector<16xf32>
      %convert_element_type3A_461 = arith.sitofp %sub3A_458 : vector<16xi32> to vector<16xf32>
      %add3A_462 = arith.addf %add3A_439, %convert_element_type3A_461 : vector<16xf32>
      %mul3A_463 = arith.constant 160 : i32
      %mul3A_464 = arith.muli %select_n3A_256, %mul3A_463 : i32
      %add3A_465 = arith.constant 2880 : i32
      %add3A_466 = arith.addi %add3A_465, %mul3A_464 : i32
      %mul3A_467 = arith.constant 16 : i32
      %mul3A_468 = arith.muli %sub3A_259, %mul3A_467 : i32
      %add3A_469 = arith.addi %add3A_466, %mul3A_468 : i32
      %get3A_470 = arith.index_cast %add3A_469 : i32 to index
      %get3A_471 = tpu.vector_load %arg6[%get3A_470] {strides = array<i32>} : memref<5120xi32, #tpu.memory_space<vmem>>, vector<16xi32>,
      %add3A_472 = arith.constant 2097152 : i32
      %add3A_473 = vector.broadcast %add3A_472 : i32 to vector<16xi32>
      %add3A_474 = arith.addi %get3A_471, %add3A_473 : vector<16xi32>
      %shift_right_arithmetic3A_475 = arith.constant 22 : i32
      %shift_right_arithmetic3A_476 = vector.broadcast %shift_right_arithmetic3A_475 : i32 to vector<16xi32>
      %shift_right_arithmetic3A_477 = arith.shrsi %add3A_474, %shift_right_arithmetic3A_476 : vector<16xi32>
      %shift_left3A_478 = arith.constant 22 : i32
      %shift_left3A_479 = vector.broadcast %shift_left3A_478 : i32 to vector<16xi32>
      %shift_left3A_480 = arith.shli %shift_right_arithmetic3A_477, %shift_left3A_479 : vector<16xi32>
      %sub3A_481 = arith.subi %get3A_471, %shift_left3A_480 : vector<16xi32>
      %convert_element_type3A_482 = arith.sitofp %shift_right_arithmetic3A_477 : vector<16xi32> to vector<16xf32>
      %add3A_483 = arith.addf %add3A_460, %convert_element_type3A_482 : vector<16xf32>
      %convert_element_type3A_484 = arith.sitofp %sub3A_481 : vector<16xi32> to vector<16xf32>
      %add3A_485 = arith.addf %add3A_462, %convert_element_type3A_484 : vector<16xf32>
      %mul3A_486 = arith.constant 160 : i32
      %mul3A_487 = arith.muli %select_n3A_256, %mul3A_486 : i32
      %add3A_488 = arith.constant 3200 : i32
      %add3A_489 = arith.addi %add3A_488, %mul3A_487 : i32
      %mul3A_490 = arith.constant 16 : i32
      %mul3A_491 = arith.muli %sub3A_259, %mul3A_490 : i32
      %add3A_492 = arith.addi %add3A_489, %mul3A_491 : i32
      %get3A_493 = arith.index_cast %add3A_492 : i32 to index
      %get3A_494 = tpu.vector_load %arg6[%get3A_493] {strides = array<i32>} : memref<5120xi32, #tpu.memory_space<vmem>>, vector<16xi32>,
      %add3A_495 = arith.constant 2097152 : i32
      %add3A_496 = vector.broadcast %add3A_495 : i32 to vector<16xi32>
      %add3A_497 = arith.addi %get3A_494, %add3A_496 : vector<16xi32>
      %shift_right_arithmetic3A_498 = arith.constant 22 : i32
      %shift_right_arithmetic3A_499 = vector.broadcast %shift_right_arithmetic3A_498 : i32 to vector<16xi32>
      %shift_right_arithmetic3A_500 = arith.shrsi %add3A_497, %shift_right_arithmetic3A_499 : vector<16xi32>
      %shift_left3A_501 = arith.constant 22 : i32
      %shift_left3A_502 = vector.broadcast %shift_left3A_501 : i32 to vector<16xi32>
      %shift_left3A_503 = arith.shli %shift_right_arithmetic3A_500, %shift_left3A_502 : vector<16xi32>
      %sub3A_504 = arith.subi %get3A_494, %shift_left3A_503 : vector<16xi32>
      %convert_element_type3A_505 = arith.sitofp %shift_right_arithmetic3A_500 : vector<16xi32> to vector<16xf32>
      %add3A_506 = arith.addf %add3A_483, %convert_element_type3A_505 : vector<16xf32>
      %convert_element_type3A_507 = arith.sitofp %sub3A_504 : vector<16xi32> to vector<16xf32>
      %add3A_508 = arith.addf %add3A_485, %convert_element_type3A_507 : vector<16xf32>
      %mul3A_509 = arith.constant 160 : i32
      %mul3A_510 = arith.muli %select_n3A_256, %mul3A_509 : i32
      %add3A_511 = arith.constant 3520 : i32
      %add3A_512 = arith.addi %add3A_511, %mul3A_510 : i32
      %mul3A_513 = arith.constant 16 : i32
      %mul3A_514 = arith.muli %sub3A_259, %mul3A_513 : i32
      %add3A_515 = arith.addi %add3A_512, %mul3A_514 : i32
      %get3A_516 = arith.index_cast %add3A_515 : i32 to index
      %get3A_517 = tpu.vector_load %arg6[%get3A_516] {strides = array<i32>} : memref<5120xi32, #tpu.memory_space<vmem>>, vector<16xi32>,
      %add3A_518 = arith.constant 2097152 : i32
      %add3A_519 = vector.broadcast %add3A_518 : i32 to vector<16xi32>
      %add3A_520 = arith.addi %get3A_517, %add3A_519 : vector<16xi32>
      %shift_right_arithmetic3A_521 = arith.constant 22 : i32
      %shift_right_arithmetic3A_522 = vector.broadcast %shift_right_arithmetic3A_521 : i32 to vector<16xi32>
      %shift_right_arithmetic3A_523 = arith.shrsi %add3A_520, %shift_right_arithmetic3A_522 : vector<16xi32>
      %shift_left3A_524 = arith.constant 22 : i32
      %shift_left3A_525 = vector.broadcast %shift_left3A_524 : i32 to vector<16xi32>
      %shift_left3A_526 = arith.shli %shift_right_arithmetic3A_523, %shift_left3A_525 : vector<16xi32>
      %sub3A_527 = arith.subi %get3A_517, %shift_left3A_526 : vector<16xi32>
      %convert_element_type3A_528 = arith.sitofp %shift_right_arithmetic3A_523 : vector<16xi32> to vector<16xf32>
      %add3A_529 = arith.addf %add3A_506, %convert_element_type3A_528 : vector<16xf32>
      %convert_element_type3A_530 = arith.sitofp %sub3A_527 : vector<16xi32> to vector<16xf32>
      %add3A_531 = arith.addf %add3A_508, %convert_element_type3A_530 : vector<16xf32>
      %mul3A_532 = arith.constant 160 : i32
      %mul3A_533 = arith.muli %select_n3A_256, %mul3A_532 : i32
      %add3A_534 = arith.constant 3840 : i32
      %add3A_535 = arith.addi %add3A_534, %mul3A_533 : i32
      %mul3A_536 = arith.constant 16 : i32
      %mul3A_537 = arith.muli %sub3A_259, %mul3A_536 : i32
      %add3A_538 = arith.addi %add3A_535, %mul3A_537 : i32
      %get3A_539 = arith.index_cast %add3A_538 : i32 to index
      %get3A_540 = tpu.vector_load %arg6[%get3A_539] {strides = array<i32>} : memref<5120xi32, #tpu.memory_space<vmem>>, vector<16xi32>,
      %add3A_541 = arith.constant 2097152 : i32
      %add3A_542 = vector.broadcast %add3A_541 : i32 to vector<16xi32>
      %add3A_543 = arith.addi %get3A_540, %add3A_542 : vector<16xi32>
      %shift_right_arithmetic3A_544 = arith.constant 22 : i32
      %shift_right_arithmetic3A_545 = vector.broadcast %shift_right_arithmetic3A_544 : i32 to vector<16xi32>
      %shift_right_arithmetic3A_546 = arith.shrsi %add3A_543, %shift_right_arithmetic3A_545 : vector<16xi32>
      %shift_left3A_547 = arith.constant 22 : i32
      %shift_left3A_548 = vector.broadcast %shift_left3A_547 : i32 to vector<16xi32>
      %shift_left3A_549 = arith.shli %shift_right_arithmetic3A_546, %shift_left3A_548 : vector<16xi32>
      %sub3A_550 = arith.subi %get3A_540, %shift_left3A_549 : vector<16xi32>
      %convert_element_type3A_551 = arith.sitofp %shift_right_arithmetic3A_546 : vector<16xi32> to vector<16xf32>
      %add3A_552 = arith.addf %add3A_529, %convert_element_type3A_551 : vector<16xf32>
      %convert_element_type3A_553 = arith.sitofp %sub3A_550 : vector<16xi32> to vector<16xf32>
      %add3A_554 = arith.addf %add3A_531, %convert_element_type3A_553 : vector<16xf32>
      %mul3A_555 = arith.constant 160 : i32
      %mul3A_556 = arith.muli %select_n3A_256, %mul3A_555 : i32
      %add3A_557 = arith.constant 4160 : i32
      %add3A_558 = arith.addi %add3A_557, %mul3A_556 : i32
      %mul3A_559 = arith.constant 16 : i32
      %mul3A_560 = arith.muli %sub3A_259, %mul3A_559 : i32
      %add3A_561 = arith.addi %add3A_558, %mul3A_560 : i32
      %get3A_562 = arith.index_cast %add3A_561 : i32 to index
      %get3A_563 = tpu.vector_load %arg6[%get3A_562] {strides = array<i32>} : memref<5120xi32, #tpu.memory_space<vmem>>, vector<16xi32>,
      %add3A_564 = arith.constant 2097152 : i32
      %add3A_565 = vector.broadcast %add3A_564 : i32 to vector<16xi32>
      %add3A_566 = arith.addi %get3A_563, %add3A_565 : vector<16xi32>
      %shift_right_arithmetic3A_567 = arith.constant 22 : i32
      %shift_right_arithmetic3A_568 = vector.broadcast %shift_right_arithmetic3A_567 : i32 to vector<16xi32>
      %shift_right_arithmetic3A_569 = arith.shrsi %add3A_566, %shift_right_arithmetic3A_568 : vector<16xi32>
      %shift_left3A_570 = arith.constant 22 : i32
      %shift_left3A_571 = vector.broadcast %shift_left3A_570 : i32 to vector<16xi32>
      %shift_left3A_572 = arith.shli %shift_right_arithmetic3A_569, %shift_left3A_571 : vector<16xi32>
      %sub3A_573 = arith.subi %get3A_563, %shift_left3A_572 : vector<16xi32>
      %convert_element_type3A_574 = arith.sitofp %shift_right_arithmetic3A_569 : vector<16xi32> to vector<16xf32>
      %add3A_575 = arith.addf %add3A_552, %convert_element_type3A_574 : vector<16xf32>
      %convert_element_type3A_576 = arith.sitofp %sub3A_573 : vector<16xi32> to vector<16xf32>
      %add3A_577 = arith.addf %add3A_554, %convert_element_type3A_576 : vector<16xf32>
      %mul3A_578 = arith.constant 160 : i32
      %mul3A_579 = arith.muli %select_n3A_256, %mul3A_578 : i32
      %add3A_580 = arith.constant 4480 : i32
      %add3A_581 = arith.addi %add3A_580, %mul3A_579 : i32
      %mul3A_582 = arith.constant 16 : i32
      %mul3A_583 = arith.muli %sub3A_259, %mul3A_582 : i32
      %add3A_584 = arith.addi %add3A_581, %mul3A_583 : i32
      %get3A_585 = arith.index_cast %add3A_584 : i32 to index
      %get3A_586 = tpu.vector_load %arg6[%get3A_585] {strides = array<i32>} : memref<5120xi32, #tpu.memory_space<vmem>>, vector<16xi32>,
      %add3A_587 = arith.constant 2097152 : i32
      %add3A_588 = vector.broadcast %add3A_587 : i32 to vector<16xi32>
      %add3A_589 = arith.addi %get3A_586, %add3A_588 : vector<16xi32>
      %shift_right_arithmetic3A_590 = arith.constant 22 : i32
      %shift_right_arithmetic3A_591 = vector.broadcast %shift_right_arithmetic3A_590 : i32 to vector<16xi32>
      %shift_right_arithmetic3A_592 = arith.shrsi %add3A_589, %shift_right_arithmetic3A_591 : vector<16xi32>
      %shift_left3A_593 = arith.constant 22 : i32
      %shift_left3A_594 = vector.broadcast %shift_left3A_593 : i32 to vector<16xi32>
      %shift_left3A_595 = arith.shli %shift_right_arithmetic3A_592, %shift_left3A_594 : vector<16xi32>
      %sub3A_596 = arith.subi %get3A_586, %shift_left3A_595 : vector<16xi32>
      %convert_element_type3A_597 = arith.sitofp %shift_right_arithmetic3A_592 : vector<16xi32> to vector<16xf32>
      %add3A_598 = arith.addf %add3A_575, %convert_element_type3A_597 : vector<16xf32>
      %convert_element_type3A_599 = arith.sitofp %sub3A_596 : vector<16xi32> to vector<16xf32>
      %add3A_600 = arith.addf %add3A_577, %convert_element_type3A_599 : vector<16xf32>
      %mul3A_601 = arith.constant 160 : i32
      %mul3A_602 = arith.muli %select_n3A_256, %mul3A_601 : i32
      %add3A_603 = arith.constant 4800 : i32
      %add3A_604 = arith.addi %add3A_603, %mul3A_602 : i32
      %mul3A_605 = arith.constant 16 : i32
      %mul3A_606 = arith.muli %sub3A_259, %mul3A_605 : i32
      %add3A_607 = arith.addi %add3A_604, %mul3A_606 : i32
      %get3A_608 = arith.index_cast %add3A_607 : i32 to index
      %get3A_609 = tpu.vector_load %arg6[%get3A_608] {strides = array<i32>} : memref<5120xi32, #tpu.memory_space<vmem>>, vector<16xi32>,
      %add3A_610 = arith.constant 2097152 : i32
      %add3A_611 = vector.broadcast %add3A_610 : i32 to vector<16xi32>
      %add3A_612 = arith.addi %get3A_609, %add3A_611 : vector<16xi32>
      %shift_right_arithmetic3A_613 = arith.constant 22 : i32
      %shift_right_arithmetic3A_614 = vector.broadcast %shift_right_arithmetic3A_613 : i32 to vector<16xi32>
      %shift_right_arithmetic3A_615 = arith.shrsi %add3A_612, %shift_right_arithmetic3A_614 : vector<16xi32>
      %shift_left3A_616 = arith.constant 22 : i32
      %shift_left3A_617 = vector.broadcast %shift_left3A_616 : i32 to vector<16xi32>
      %shift_left3A_618 = arith.shli %shift_right_arithmetic3A_615, %shift_left3A_617 : vector<16xi32>
      %sub3A_619 = arith.subi %get3A_609, %shift_left3A_618 : vector<16xi32>
      %convert_element_type3A_620 = arith.sitofp %shift_right_arithmetic3A_615 : vector<16xi32> to vector<16xf32>
      %add3A_621 = arith.addf %add3A_598, %convert_element_type3A_620 : vector<16xf32>
      %convert_element_type3A_622 = arith.sitofp %sub3A_619 : vector<16xi32> to vector<16xf32>
      %add3A_623 = arith.addf %add3A_600, %convert_element_type3A_622 : vector<16xf32>
      %mul3A_624 = arith.constant 512 : i32
      %mul3A_625 = arith.muli %select_n3A_256, %mul3A_624 : i32
      %mul3A_626 = arith.constant 16 : i32
      %mul3A_627 = arith.muli %sub3A_259, %mul3A_626 : i32
      %add3A_628 = arith.addi %mul3A_625, %mul3A_627 : i32
      %swap3A_629 = arith.index_cast %add3A_628 : i32 to index
      %swap3A_630 = tpu.vector_load %arg7[%swap3A_629] {strides = array<i32>} : memref<1024xf32, #tpu.memory_space<vmem>>, vector<16xf32>,
      tpu.vector_store %arg7[%swap3A_629], %add3A_621 {strides = array<i32>} : memref<1024xf32, #tpu.memory_space<vmem>>, vector<16xf32>,
      %mul3A_631 = arith.constant 2.44140625E-4 : f32
      %mul3A_632 = vector.broadcast %mul3A_631 : f32 to vector<16xf32>
      %mul3A_633 = arith.mulf %add3A_623, %mul3A_632 : vector<16xf32>
      %mul3A_634 = arith.constant 4.58447248E-5 : f32
      %mul3A_635 = vector.broadcast %mul3A_634 : f32 to vector<16xf32>
      %mul3A_636 = arith.mulf %add3A_621, %mul3A_635 : vector<16xf32>
      %sub3A_637 = arith.subf %mul3A_633, %mul3A_636 : vector<16xf32>
      %mul3A_638 = arith.constant 512 : i32
      %mul3A_639 = arith.muli %select_n3A_256, %mul3A_638 : i32
      %add3A_640 = arith.constant 256 : i32
      %add3A_641 = arith.addi %mul3A_639, %add3A_640 : i32
      %mul3A_642 = arith.constant 16 : i32
      %mul3A_643 = arith.muli %sub3A_259, %mul3A_642 : i32
      %add3A_644 = arith.addi %add3A_641, %mul3A_643 : i32
      %swap3A_645 = arith.index_cast %add3A_644 : i32 to index
      %swap3A_646 = tpu.vector_load %arg7[%swap3A_645] {strides = array<i32>} : memref<1024xf32, #tpu.memory_space<vmem>>, vector<16xf32>,
      tpu.vector_store %arg7[%swap3A_645], %sub3A_637 {strides = array<i32>} : memref<1024xf32, #tpu.memory_space<vmem>>, vector<16xf32>,
    }
    %scan3A_229 = arith.constant 20 : i32
    %mul3A_230 = arith.constant 1024 : i32
    %mul3A_231 = arith.muli %add3A, %mul3A_230 : i32
    "tpu.region"() ({
      %run_scoped3A = tpu.sem_alloc : memref<!tpu.dma_semaphore, #tpu.memory_space<semaphore_mem>>
      %dma_start3A_232 = tpu.memref_slice %arg4[%mul3A_231] : memref<32768xf32, #tpu.memory_space<hbm>> -> memref<1024xf32, #tpu.memory_space<hbm>>
      %dma_start3A_233 = tpu.memref_slice %arg4[%mul3A_231] : memref<32768xf32, #tpu.memory_space<hbm>> -> memref<1024xf32, #tpu.memory_space<hbm>>
      tpu.enqueue_dma source(%arg7 : memref<1024xf32, #tpu.memory_space<vmem>>) target(%dma_start3A_233 : memref<1024xf32, #tpu.memory_space<hbm>>) target_semaphore(%run_scoped3A : memref<!tpu.dma_semaphore, #tpu.memory_space<semaphore_mem>>)
      %dma_wait3A_234 = tpu.memref_slice %arg4[%mul3A_231] : memref<32768xf32, #tpu.memory_space<hbm>> -> memref<1024xf32, #tpu.memory_space<hbm>>
      %dma_wait3A_235 = tpu.memref_slice %arg4[%mul3A_231] : memref<32768xf32, #tpu.memory_space<hbm>> -> memref<1024xf32, #tpu.memory_space<hbm>>
      tpu.wait_dma2 semaphore(%run_scoped3A : memref<!tpu.dma_semaphore, #tpu.memory_space<semaphore_mem>>) src(%arg7 : memref<1024xf32, #tpu.memory_space<vmem>>) dst(%dma_wait3A_235 : memref<1024xf32, #tpu.memory_space<hbm>>)
      tpu.yield
    }) : () -> ()
    return
  }
}

module attributes {stable_mosaic.version = 14 : i64} {
  func.func @_tc_body(%arg0: memref<32768xf32, #tpu.memory_space<vmem>>, %arg1: memref<512x160xf32, #tpu.memory_space<vmem>>, %arg2: memref<1x1xf32, #tpu.memory_space<vmem>>) attributes {dimension_semantics = [], scalar_prefetch = 0 : i64, scratch_operands = 0 : i64, tpu.core_type = #tpu.core_type<tc>} {
    %get3A = arith.constant 0 : index
    %get3A_0 = vector.load %arg0[%get3A] : memref<32768xf32, #tpu.memory_space<vmem>>, vector<32768xf32>
    %reshape3A = vector.shape_cast %get3A_0 : vector<32768xf32> to vector<32x1024xf32>
    %reduce_sum3A = arith.constant dense<0.000000e+00> : vector<1024xf32>
    %reduce_sum3A_1 = vector.multi_reduction <add>, %reshape3A, %reduce_sum3A [0] : vector<32x1024xf32> to vector<1024xf32>
    %slice3A = vector.extract_strided_slice %reduce_sum3A_1 {offsets = [0], sizes = [512], strides = [1]} : vector<1024xf32> to vector<512xf32>
    %reshape3A_2 = vector.shape_cast %slice3A : vector<512xf32> to vector<1x512xf32>
    %slice3A_3 = vector.extract_strided_slice %reduce_sum3A_1 {offsets = [512], sizes = [512], strides = [1]} : vector<1024xf32> to vector<512xf32>
    %reshape3A_4 = vector.shape_cast %slice3A_3 : vector<512xf32> to vector<1x512xf32>
    %slice3A_5 = vector.extract_strided_slice %reduce_sum3A_1 {offsets = [0], sizes = [256], strides = [1]} : vector<1024xf32> to vector<256xf32>
    %reduce_sum3A_6 = vector.shape_cast %slice3A_5 : vector<256xf32> to vector<1x256xf32>
    %reduce_sum3A_7 = arith.constant dense<0.000000e+00> : vector<1xf32>
    %reduce_sum3A_8 = vector.multi_reduction <add>, %reduce_sum3A_6, %reduce_sum3A_7 [1] : vector<1x256xf32> to vector<1xf32>
    %reduce_sum3A_9 = vector.shape_cast %reduce_sum3A_8 : vector<1xf32> to vector<1x1xf32>
    %reduce_sum3A_10 = vector.extract %reduce_sum3A_9[0, 0] : f32 from vector<1x1xf32>
    %slice3A_11 = vector.extract_strided_slice %reduce_sum3A_1 {offsets = [512], sizes = [256], strides = [1]} : vector<1024xf32> to vector<256xf32>
    %reduce_sum3A_12 = vector.shape_cast %slice3A_11 : vector<256xf32> to vector<1x256xf32>
    %reduce_sum3A_13 = arith.constant dense<0.000000e+00> : vector<1xf32>
    %reduce_sum3A_14 = vector.multi_reduction <add>, %reduce_sum3A_12, %reduce_sum3A_13 [1] : vector<1x256xf32> to vector<1xf32>
    %reduce_sum3A_15 = vector.shape_cast %reduce_sum3A_14 : vector<1xf32> to vector<1x1xf32>
    %reduce_sum3A_16 = vector.extract %reduce_sum3A_15[0, 0] : f32 from vector<1x1xf32>
    %get3A_17 = arith.constant 0 : index
    %get3A_18 = arith.constant 0 : index
    %get3A_19 = vector.load %arg1[%get3A_17, %get3A_18] : memref<512x160xf32, #tpu.memory_space<vmem>>, vector<512x160xf32>
    %broadcast_in_dim3A = vector.shape_cast %reshape3A_2 : vector<1x512xf32> to vector<1x512xf32>
    %broadcast_in_dim3A_20 = vector.broadcast %broadcast_in_dim3A : vector<1x512xf32> to vector<8x512xf32>
    %dot_general3A = arith.constant dense<0.000000e+00> : vector<8x160xf32>
    %dot_general3A_21 = tpu.matmul %broadcast_in_dim3A_20, %get3A_19, %dot_general3A {dimension_numbers = #tpu.dot_dimension_numbers<[1], [0], [0], [1], [0, 0, 1, 1], [], []>, precision = #tpu.contract_precision<fp32>, transpose_lhs_hint = false} : vector<8x512xf32>, vector<512x160xf32>, vector<8x160xf32> -> vector<8x160xf32>
    %broadcast_in_dim3A_22 = vector.shape_cast %reshape3A_4 : vector<1x512xf32> to vector<1x512xf32>
    %broadcast_in_dim3A_23 = vector.broadcast %broadcast_in_dim3A_22 : vector<1x512xf32> to vector<8x512xf32>
    %dot_general3A_24 = arith.constant dense<0.000000e+00> : vector<8x160xf32>
    %dot_general3A_25 = tpu.matmul %broadcast_in_dim3A_23, %get3A_19, %dot_general3A_24 {dimension_numbers = #tpu.dot_dimension_numbers<[1], [0], [0], [1], [0, 0, 1, 1], [], []>, precision = #tpu.contract_precision<fp32>, transpose_lhs_hint = false} : vector<8x512xf32>, vector<512x160xf32>, vector<8x160xf32> -> vector<8x160xf32>
    %iota3A = tpu.iota {dimensions = array<i32: 0>} : vector<160x160xi32>
    %iota3A_26 = tpu.iota {dimensions = array<i32: 1>} : vector<160x160xi32>
    %le3A = arith.cmpi sle, %iota3A, %iota3A_26 : vector<160x160xi32>
    %convert_element_type3A = arith.extui %le3A : vector<160x160xi1> to vector<160x160xi32>
    %convert_element_type3A_27 = arith.sitofp %convert_element_type3A : vector<160x160xi32> to vector<160x160xf32>
    %dot_general3A_28 = arith.constant dense<0.000000e+00> : vector<8x160xf32>
    %dot_general3A_29 = tpu.matmul %dot_general3A_25, %convert_element_type3A_27, %dot_general3A_28 {dimension_numbers = #tpu.dot_dimension_numbers<[1], [0], [0], [1], [0, 0, 1, 1], [], []>, precision = #tpu.contract_precision<fp32>, transpose_lhs_hint = false} : vector<8x160xf32>, vector<160x160xf32>, vector<8x160xf32> -> vector<8x160xf32>
    %mul3A = arith.mulf %dot_general3A_21, %dot_general3A_29 : vector<8x160xf32>
    %reduce_sum3A_30 = vector.shape_cast %mul3A : vector<8x160xf32> to vector<1x8x160xf32>
    %reduce_sum3A_31 = arith.constant dense<0.000000e+00> : vector<1xf32>
    %reduce_sum3A_32 = vector.multi_reduction <add>, %reduce_sum3A_30, %reduce_sum3A_31 [1, 2] : vector<1x8x160xf32> to vector<1xf32>
    %reduce_sum3A_33 = vector.shape_cast %reduce_sum3A_32 : vector<1xf32> to vector<1x1x1xf32>
    %reduce_sum3A_34 = vector.extract %reduce_sum3A_33[0, 0, 0] : f32 from vector<1x1x1xf32>
    %mul3A_35 = arith.constant 1.250000e-01 : f32
    %mul3A_36 = arith.mulf %reduce_sum3A_34, %mul3A_35 : f32
    %mul3A_37 = arith.mulf %reduce_sum3A_16, %reduce_sum3A_10 : f32
    %div3A = arith.divf %mul3A_36, %mul3A_37 : f32
    %reshape3A_38 = vector.broadcast %div3A : f32 to vector<1x1xf32>
    %swap3A = arith.constant 0 : index
    %swap3A_39 = arith.constant 0 : index
    %swap3A_40 = vector.load %arg2[%swap3A, %swap3A_39] : memref<1x1xf32, #tpu.memory_space<vmem>>, vector<1x1xf32>
    tpu.vector_store %arg2[%swap3A, %swap3A_39], %reshape3A_38 {strides = array<i32>} : memref<1x1xf32, #tpu.memory_space<vmem>>, vector<1x1xf32>,
    return
  }
}

</mosaic_0001>

<sc_bundles>
// kernel: kernel.4.cloned.1.call-start
scs
__scs_entry_jumppad:
0x0: {  	(pc) =	sbr.rel $0x88, $3  }
0x1: {  	(tag) =	ssettag $0x0;
	lr =	simm.s32 $0x1  }
0x2: {  	[smem:$0x3F9F] =	sst lr;
	_ =	strace $0xD0000000  }
0x3: {  	_ = 	snop  }
0x4: {  	_ = 	snop  }
0x5: {  	_ = 	snop  }
0x6: {  	_ = 	snop  }
0x7: {  	_ = 	snop  }
__scs_overlays_trampoline_lowered:
0x8: {  	[smem:$0x3FAE] =	sst s0  }
0x9: {  	[smem:$0x3FAF] =	sst s1  }
0xa: {  	[smem:$0x3FB0] =	sst s2  }
0xb: {  	[smem:$0x3FB1] =	sst s3  }
0xc: {  	[smem:$0x3FB2] =	sst s4  }
0xd: {  	[smem:$0x3FB3] =	sst s5  }
0xe: {  	[smem:$0x3FB4] =	sst s6  }
0xf: {  	[smem:$0x3FB5] =	sst s7  }
0x10: {  	[smem:$0x3FB6] =	sst s8  }
0x11: {  	[smem:$0x3FB7] =	sst s9;
	s0 =	simm.s32 @!p0 $0x0  }
0x12: {  	s1 =	sld [smem:$0x3F9D];
	s0 =	simm.s32 @p0 $0x1  }
0x13: {  	[smem:$0x3FB8] =	sst s0;
	s0 =	simm.s32 @!p1 $0x0  }
0x14: {  	s2 =	sld [smem:$0x3F9C];
	s0 =	simm.s32 @p1 $0x1  }
0x15: {  	[smem:$0x3FB9] =	sst s0;
	s0 =	simm.s32 @!p2 $0x0  }
0x16: {  	s3 =	sld [smem:$0x3FDB];
	s0 =	simm.s32 @p2 $0x1  }
0x17: {  	s4 =	simm.s32 $0x1BF5;
	[smem:$0x3FBB] =	sst s0  }
0x18: {  	s0 =	sld [smem:$0x3F9E];
	_ =	swait.ge [sflag:s4], $0x0  }
0x19: {  	s7 =	sld [smem:$0x3F9F]  }
0x1a: {  	s8 =	sadd.s32 $0xFFFFE003, lr  }
0x1b: {  	s9 =	sadd.s32 $0xFFFFFEF7, lr;
	s5 =	simm.s32 $0xFFFFFFFF;
	p2 =	slt.u32 s8, $0xFFFFF086  }
0x1c: {  	p1 =	slt.u32 s9, $0xF7A;
	s5 =	simm.s32 @!p2 $0x0  }
0x1d: {  	s5 =	simm.s32 @p1 $0x1;
	p0 =	seq.s32 s7, s2  }
0x1e: {  	s7 =	smul.u32 @!p0 $0xF7A, s2;
	p2 =	seq.s32 @!p0 s5, $0x0  }
0x1f: {  	s9 =	smul.u32 $0xF7A, s1;
	s8 =	simm.s32 @!p0 $0x1BF5;
	p2 =	por !p2, p0  }
0x20: {  	[sflag:s8] =	ssyncset.s32 @!p0 $0xFFFFF086;
	s6 =	sadd.s32 @!p0 s3, s7;
	s7 =	simm.s32 @!p0 $0x108  }
0x21: {  	s3 =	sadd.s32 s3, s9;
	s6 =	sadd.s32 @!p0 $0x88, s6;
	s7 =	simm.s32 @p2 $0x1082  }
0x22: {  	[simem:s7], [sflag:s8] =	dma.local @!p0 [hbm:s6], $0xF7A  }
0x23: {  	s9 =	sor.u32 $0xD0000000, s2;
	s6 =	simm.s32 $0x108;
	_ =	swait.ge @!p0 [sflag:s8], $0x0  }
0x24: {  	s3 =	sadd.s32 $0x88, s3;
	s6 =	simm.s32 @!p1 $0x1082;
	[sflag:s4] =	ssyncset.s32 $0xFFFFF086  }
0x25: {  	[simem:s6], [sflag:s4] =	dma.local [hbm:s3], $0xF7A  }
0x26: {  	[smem:$0x3F9F] =	sst s1;
	(tag) =	ssettag s2;
	_ =	strace s9  }
0x27: {  	s1 =	sld [smem:$0x3FAF]  }
0x28: {  	s2 =	sld [smem:$0x3FB0]  }
0x29: {  	s4 =	sld [smem:$0x3FB2]  }
0x2a: {  	p0 =	seq.s32 s5, $0x0;
	s5 =	sld [smem:$0x3FB3]  }
0x2b: {  	s6 =	sld [smem:$0x3FB4]  }
0x2c: {  	s7 =	sld [smem:$0x3FB5]  }
0x2d: {  	s3 =	simm.s32 $0x108;
	s8 =	sld [smem:$0x3FB6]  }
0x2e: {  	s3 =	simm.s32 @!p0 $0x1082;
	s9 =	sld [smem:$0x3FB7]  }
0x2f: {  	lr =	sadd.s32 s0, s3;
	s0 =	sld [smem:$0x3FAE]  }
0x30: {  	s3 =	sld [smem:$0x3FB1]  }
0x31: {  	[smem:$0x3FBA] =	sst s10  }
0x32: {  	s10 =	sld [smem:$0x3FB8];
	_ =	sdelay $0x3  }
0x33: {  	p0 =	seq.s32 s10, $0x1;
	s10 =	sld [smem:$0x3FBA];
	_ =	sdelay $0x3  }
0x34: {  	[smem:$0x3FBA] =	sst s10  }
0x35: {  	s10 =	sld [smem:$0x3FB9];
	_ =	sdelay $0x3  }
0x36: {  	p1 =	seq.s32 s10, $0x1;
	s10 =	sld [smem:$0x3FBA];
	_ =	sdelay $0x3  }
0x37: {  	[smem:$0x3FBA] =	sst s10  }
0x38: {  	s10 =	sld [smem:$0x3FBB]  }
0x39: {  	_ = 	snop;
	(pc) =	sbr.ind lr, $3  }
0x3a: {  	_ = 	snop  }
0x3b: {  	_ = 	snop  }
0x3c: {  	p2 =	seq.s32 s10, $0x1;
	s10 =	sld [smem:$0x3FBA]  }
0x3d: {  	_ =	shalt  }
0x3e: {  	_ =	shalt  }
0x3f: {  	_ =	shalt  }
0x40: {  	_ =	shalt  }
0x41: {  	_ =	shalt  }
0x42: {  	_ =	shalt  }
0x43: {  	_ =	shalt  }
0x44: {  	_ =	shalt  }
0x45: {  	_ =	shalt  }
0x46: {  	_ =	shalt  }
0x47: {  	_ =	shalt  }
0x48: {  	_ =	shalt  }
0x49: {  	_ =	shalt  }
0x4a: {  	_ =	shalt  }
0x4b: {  	_ =	shalt  }
0x4c: {  	_ =	shalt  }
0x4d: {  	_ =	shalt  }
0x4e: {  	_ =	shalt  }
0x4f: {  	_ =	shalt  }
0x50: {  	_ =	shalt  }
0x51: {  	_ =	shalt  }
0x52: {  	_ =	shalt  }
0x53: {  	_ =	shalt  }
0x54: {  	_ =	shalt  }
0x55: {  	_ =	shalt  }
0x56: {  	_ =	shalt  }
0x57: {  	_ =	shalt  }
0x58: {  	_ =	shalt  }
0x59: {  	_ =	shalt  }
0x5a: {  	_ =	shalt  }
0x5b: {  	_ =	shalt  }
0x5c: {  	_ =	shalt  }
0x5d: {  	_ =	shalt  }
0x5e: {  	_ =	shalt  }
0x5f: {  	_ =	shalt  }
0x60: {  	_ =	shalt  }
0x61: {  	_ =	shalt  }
0x62: {  	_ =	shalt  }
0x63: {  	_ =	shalt  }
0x64: {  	_ =	shalt  }
0x65: {  	_ =	shalt  }
0x66: {  	_ =	shalt  }
0x67: {  	_ =	shalt  }
0x68: {  	_ =	shalt  }
0x69: {  	_ =	shalt  }
0x6a: {  	_ =	shalt  }
0x6b: {  	_ =	shalt  }
0x6c: {  	_ =	shalt  }
0x6d: {  	_ =	shalt  }
0x6e: {  	_ =	shalt  }
0x6f: {  	_ =	shalt  }
0x70: {  	_ =	shalt  }
0x71: {  	_ =	shalt  }
0x72: {  	_ =	shalt  }
0x73: {  	_ =	shalt  }
0x74: {  	_ =	shalt  }
0x75: {  	_ =	shalt  }
0x76: {  	_ =	shalt  }
0x77: {  	_ =	shalt  }
0x78: {  	_ =	shalt  }
0x79: {  	_ =	shalt  }
0x7a: {  	_ =	shalt  }
0x7b: {  	_ =	shalt  }
0x7c: {  	_ =	shalt  }
0x7d: {  	_ =	shalt  }
0x7e: {  	_ =	shalt  }
0x7f: {  	_ =	shalt  }
0x80: {  	_ =	shalt  }
0x81: {  	_ =	shalt  }
0x82: {  	_ =	shalt  }
0x83: {  	_ =	shalt  }
0x84: {  	_ =	shalt  }
0x85: {  	_ =	shalt  }
0x86: {  	_ =	shalt  }
0x87: {  	_ =	shalt  }
.Lfunc_end0:
.L_simem_size_0:
called_computation_lowered:
.L_overlay_start_0:
0x88: {  	s2 =	sld [smem:$0x3FD9]  }
0x89: {  	s3 =	sld [smem:$0x3FFE];
	_ =	sdelay $0x1  }
0x8a: {  	s1 =	srdreg.scid  }
0x8b: {  	s0 =	sand.u32 $0x1, s1  }
0x8c: {  	s16 =	sshll.u32 s0, $0xA;
	s2 =	sadd.s32 s3, s2  }
0x8d: {  	s2 =	sadd.s32 s2, s16  }
0x8e: {  	[smem:$0x3FC6] =	sst s2  }
0x8f: {  	_ = 	snop  }
0x90: {  	(tm) =	ssettm $0x1  }
0x91: {  	s17 =	sld [smem:$0x3FFB];
	_ =	sdelay $0x3  }
0x92: {  	_ =	strace s17  }
0x93: {  	s2 =	sld [smem:$0x3FFC];
	_ =	sdelay $0x3  }
0x94: {  	_ =	strace s2  }
0x95: {  	s2 =	sld [smem:$0x3FFD];
	_ =	sdelay $0x3  }
0x96: {  	_ =	strace s2  }
0x97: {  	_ =	strace $0x8FFFFFFF  }
0x98: {  	s18 =	sld [smem:$0x3FDB];
	_ =	sdelay $0x1  }
0x99: {  	s19 =	simm.s32 $_scs_section_size  }
0x9a: {  	s4 =	simm.s32 $_size__tile_overlayer_lowered;
	s5 =	simm.s32 $_tile_overlayer_lowered  }
0x9b: {  	s22 =	simm.s32 $0x1BFF;
	s21 =	sshll.u32 s5, $0x1;
	s2 =	sadd.s32 s19, s18  }
0x9c: {  	s6 =	simm.s32 $0x0;
	s20 =	sshll.u32 s4, $0x1;
	s4 =	sadd.s32 s21, s2  }
0x9d: {  	[timem:s6], [sflag:s22] =	dma.local [hbm:s4], s20  }
0x9e: {  	_ =	swait.ge [sflag:s22], s20  }
0x9f: {  	s3 =	ssub.s32 $0x0, s20;
	[sflag:s22] =	ssyncset.done $0x0  }
0xa0: {  	[sflag:s22] =	ssyncadd.s32 s3;
	_ =	sdelay $0x1  }
0xa1: {  	s23 =	simm.s32 $0x1B8B  }
0xa2: {  	_ =	swait.ge [sflag:s23], $0x1  }
0xa3: {  	[sflag:s23] =	ssyncset.done $0x0  }
0xa4: {  	s25 =	simm.s32 $0x1B8E;
	s24 =	sld [smem:$0x3FFE];
	[sflag:s23] =	ssyncadd.s32 $0xFFFFFFFF  }
0xa5: {  	s26 =	simm.s32 $execute0_lowered;
	[smem:$0x3FD2] =	sst s25  }
0xa6: {  	s4 =	sshll.u32 s26, $0x1;
	_ =	strace $0x80000046;
	[dreg:$0x1] =	wrdreg $0xFFFFFFFF  }
0xa7: {  	s28 =	simm.s32 $_size_execute0_lowered;
	s2 =	sadd.s32 s2, s4;
	[dreg:$0x0] =	wrdreg $0x0  }
0xa8: {  	s4 =	sshll.u32 s28, $0x1;
	[dreg:$0x2] =	wrdreg s2  }
0xa9: {  	[dreg:$0x3] =	wrdreg s4  }
0xaa: {  	[dreg:$0x4] =	wrdreg $0xC0  }
0xab: {  	_ =	task [dreg:s6], $0x5FFFF  }
0xac: {  	[dreg:$0x1] =	wrdreg $0xFFFFFFFF  }
0xad: {  	[dreg:$0x0] =	wrdreg $0x60  }
0xae: {  	[dreg:$0x2] =	wrdreg s24  }
0xaf: {  	[dreg:$0x3] =	wrdreg $0x9  }
0xb0: {  	_ =	task.clear_ibuf [dreg:s6], $0x4FFFF;
	_ =	strace $0x90000046  }
0xb1: {  	s29 =	simm.s32 $0x9;
	_ =	strace $0x80000048  }
0xb2: {  	_ =	swait.ge [sflag:s29], $0x1  }
0xb3: {  	[sflag:s29] =	ssyncadd.s32 $0xFFFFFFFF  }
0xb4: {  	_ =	strace $0x90000048  }
0xb5: {  	_ =	sfence  }
0xb6: {  	s30 =	sld [smem:$0x0];
	_ =	sdelay $0x2  }
0xb7: {  	s31 =	sshll.u32 s1, $0xD;
	s1 =	sshrl.u32 s1, $0x2  }
0xb8: {  	s3 =	sand.u32 $0x4000, s31;
	s1 =	sadd.s32 s1, s30  }
0xb9: {  	s0 =	sor.u32 s3, s0;
	s1 =	sshll.u32 s1, $0x11  }
0xba: {  	s0 =	sor.u32 s1, s0  }
0xbb: {  	s0 =	sadd.s32 $0x8F2B, s0  }
0xbc: {  	[sflag:s0] =	ssyncadd.remote.s32 $0x1  }
0xbd: {  	_ =	sfence.sel $0xFFFF  }
0xbe: {  	[dreg:$0x0] =	wrdreg $0xFFFFFFFF;
	(pc) =	sbr.abs _section_cstart, $3  }
0xbf: {  	[dreg:$0x1] =	wrdreg $0xFFFFFFFF  }
0xc0: {  	_ =	task.clear_ibuf [dreg:s6], $0x2FFFF;
	_ =	strace $0x9FFFFFFF  }
0xc1: {  	(tm) =	ssettm $0x7FFFFFFF  }
tec
execute0_lowered:
.L_overlay_start_1:
0x0: {  	(tag) =	ssettag $0x1  }
0x1: {  	s4 =	rddreg [dreg:$0x0]  }
0x2: {  	s0 =	rddreg [dreg:$0x1];
	s2 =	simm.s32 $0x0;
	s3 =	srdreg.scid  }
0x3: {  	s1 =	stileid.u32;
	s13 =	simm.s32 $0x1;
	[smem:$0x7FF] =	sst s2  }
0x4: {  	s7 =	sand.u32 $0x1, s3;
	s20 =	sshll.u32 s1, $0x1;
	s5 =	sadd.s32 $0x800, s4  }
0x5: {  	s3 =	sadd.s32 $0x8800, s4;
	_ =	strace $0x80000047;
	s8 =	sor.u32 s7, s20  }
0x6: {  	s9 =	ssub.s32 $0x2, s7;
	p1 =	seq.s32 s7, $0x1;
	s7 =	sshll.u32 s7, $0x3  }
0x7: {  	s6 =	sshll.u32 s8, $0x7;
	s21 =	sshrl.u32 s9, $0x1;
	s11 =	sshll.u32 s8, $0x3  }
0x8: {  	p0 =	seq.s32 s8, $0x0;
	s22 =	sshll.u32 s8, $0x9;
	s8 =	sshllo.u32 s8, $0x3  }
0x9: {  	s10 =	sadd.s32 s6, s4;
	s9 =	ssub.s32 s9, s21;
	s12 =	sxor.u32 $0x1F8, s11  }
0xa: {  	p0 =	por !p0, !p1;
	s4 =	sadd.s32 s5, s22;
	s6 =	simm.s32 $0x1  }
0xb: {  	s14 =	sor.u32 $0x1, s11;
	s15 =	sor.u32 $0x2, s11;
	s16 =	sor.u32 $0x3, s11  }
0xc: {  	s17 =	sor.u32 $0x4, s11;
	s18 =	sor.u32 $0x5, s11;
	s19 =	sor.u32 $0x6, s11  }
0xd: {  	s20 =	sxor.u32 $0x1F9, s11;
	s21 =	sxor.u32 $0x1FA, s11;
	s22 =	sxor.u32 $0x1FB, s11  }
0xe: {  	v10 =	vlaneseq.u32;
	s24 =	sxor.u32 $0x1FC, s11;
	s26 =	sxor.u32 $0x1FD, s11;
	s28 =	sxor.u32 $0x1FE, s11  }
0xf: {  	v13 =	vmul.u32 $0x140, v10;
	s29 =	sxor.u32 $0x1FF, s11;
	p0 =	por !p0, !p0;
	s23 =	sshll.u32 s12, $0x6  }
0x10: {  	v7 =	vmov s8;
	v0 =	vmov s14;
	v2 =	vmov s16;
	s8 =	smax.u32 s9, $0x1;
	s14 =	simm.s32 $0x2000;
	s16 =	simm.s32 $0x2  }
0x11: {  	v4 =	vmov s17;
	v5 =	vmov s18;
	v6 =	vmov s19;
	s17 =	simm.s32 $0x3400;
	s18 =	simm.s32 $0x3;
	s19 =	simm.s32 $0x0  }
0x12: {  	s13 =	simm.s32 @!p0 $0x0;
	s5 =	sadd.s32 s5, s23;
	s23 =	sshll.u32 s1, $0x4  }
0x13: {  	v19 =	vimm.f32 $0.0e+00;
	v18 =	vadd.s32 $0xA0, v13;
	v3 =	vmov s11;
	s13 =	ssub.s32 s1, s13;
	s25 =	sor.u32 s23, s7;
	s7 =	sadd.s32 $0x8C00, s10  }
0x14: {  	v1 =	vmov s15;
	v8 =	vmov s12;
	v9 =	vmov s20;
	s9 =	ssub.s32 $0x20, s13;
	s15 =	sxor.u32 $0x1F8, s25;
	s30 =	sshll.u32 s13, $0x6  }
0x15: {  	v11 =	vmov s21;
	v12 =	vmov s22;
	v14 =	vmov s24;
	s10 =	sshll.u32 s13, $0x4;
	s31 =	sshrl.u32 s15, $0x4;
	s11 =	sshra.s32 s30, $0x2  }
0x16: {  	v15 =	vmov s26;
	v16 =	vmov s28;
	v17 =	vmov s29;
	s13 =	sand.u32 $0x1F0, s15;
	s15 =	simm.s32 $0x1000;
	s12 =	sadd.s32 $0xFFFFFFFF, s31  }
.LBB2_1:
0x17: {  	[tilespmem:s2], [sflag:$0x1] =	stream.linear.gather [hbm4b:s4+s2], $0x1000, $0x38;
	[tilespmem:$0x3800] =	vst v63  }
0x18: {  	_ = 	snop  }
0x19: {  	[tilespmem:s14], [sflag:$0x1] =	stream.linear.gather [hbm4b:s3+s2], $0x1400, $0x38;
	[tilespmem:$0x3800] =	vst v63  }
0x1a: {  	_ = 	snop  }
0x1b: {  	[tilespmem:s15], [sflag:$0x2] =	stream.linear.gather [hbm4b:s5+s2], $0x1000, $0x38;
	[tilespmem:$0x3800] =	vst v63  }
0x1c: {  	_ =	swait.ge [sflag:s6], $0x1000  }
0x1d: {  	[sflag:s6] =	ssyncset.done $0x0  }
0x1e: {  	[sflag:s6] =	ssyncadd.s32 $0xFFFFF000  }
0x1f: {  	_ =	swait.ge [sflag:s6], $0x1400  }
0x20: {  	s20 =	smov.u32 s11;
	[sflag:s6] =	ssyncset.done $0x0  }
0x21: {  	s21 =	smov.u32 s10;
	s22 =	smov.u32 s9;
	[sflag:s6] =	ssyncadd.s32 $0xFFFFEC00  }
.LBB2_2:
0x22: {  	v21 =	vld [tilespmem:s20+$0x0];
	_ =	sdelay $0x4  }
0x23: {  	v20 =	vand.u32 $0x7FFFFFFF, v21  }
0x24: {  	v22 =	vadd.f32 $-3.000000000e+00, v20;
	_ =	sdelay $0x1  }
0x25: {  	v20 =	vmul.f32 $7.500000000e+01, v22;
	_ =	sdelay $0x1  }
0x26: {  	v20 =	vadd.f32 $7.500000000e+01, v20;
	_ =	sdelay $0x1  }
0x27: {  	v20 =	vtrunc.f32 v20  }
0x28: {  	v23 =	vcvt.f32.s32 v20;
	_ =	sdelay $0x1  }
0x29: {  	vm6 =	vlt.s32 v21, $0x0;
	vm0 =	vgt.s32 v23, $0x0  }
0x2a: {  	v27 =	vmul.f32 $4.096000000e+03, v22;
	v20 =	vor.u32 s21, v10;
	v23 =	vnsel vm0, $0x0, v23  }
0x2b: {  	v29 =	vsel vm6, v18, v13;
	vm1 =	vgt.s32 v20, v3;
	v28 =	vmin.u32 v23, $0x9F  }
0x2c: {  	v21 =	vadd.f32 $4.194304500e+06, v27;
	v22 =	vadd.s32 v29, v28;
	_ =	sdelay $0x1  }
0x2d: {  	v21 =	vtrunc.f32 v21  }
0x2e: {  	v21 =	vcvt.f32.s32 v21;
	_ =	sdelay $0x1  }
0x2f: {  	s23 =	sand.u32 $0xFFFFFFF0, s21;
	[tilespmem:v22+s14+$0x0] =	vst.idx.add.s32.msk vm1, v21  }
0x30: {  	v21 =	vld [tilespmem:s23+$0x200];
	_ =	sdelay $0x4  }
0x31: {  	v30 =	vand.u32 $0x7FFFFFFF, v21  }
0x32: {  	v22 =	vadd.f32 $-3.000000000e+00, v30;
	_ =	sdelay $0x1  }
0x33: {  	v31 =	vmul.f32 $7.500000000e+01, v22;
	_ =	sdelay $0x1  }
0x34: {  	v23 =	vadd.f32 $7.500000000e+01, v31;
	_ =	sdelay $0x1  }
0x35: {  	v23 =	vtrunc.f32 v23  }
0x36: {  	v23 =	vcvt.f32.s32 v23;
	_ =	sdelay $0x1  }
0x37: {  	vm7 =	vgt.s32 v23, $0x0  }
0x38: {  	vm8 =	vlt.s32 v21, $0x0;
	v32 =	vmul.f32 $4.096000000e+03, v22;
	v23 =	vnsel vm7, $0x0, v23  }
0x39: {  	vm9 =	vgt.s32 v20, v0;
	v34 =	vsel vm8, v18, v13;
	v33 =	vmin.u32 v23, $0x9F  }
0x3a: {  	v21 =	vadd.f32 $4.194304500e+06, v32;
	v22 =	vadd.s32 v34, v33;
	_ =	sdelay $0x1  }
0x3b: {  	v21 =	vtrunc.f32 v21  }
0x3c: {  	v21 =	vcvt.f32.s32 v21;
	_ =	sdelay $0x1  }
0x3d: {  	[tilespmem:v22+s14+$0x0] =	vst.idx.add.s32.msk vm9, v21  }
0x3e: {  	v21 =	vld [tilespmem:s23+$0x400];
	_ =	sdelay $0x4  }
0x3f: {  	v35 =	vand.u32 $0x7FFFFFFF, v21  }
0x40: {  	v22 =	vadd.f32 $-3.000000000e+00, v35;
	_ =	sdelay $0x1  }
0x41: {  	v36 =	vmul.f32 $7.500000000e+01, v22;
	_ =	sdelay $0x1  }
0x42: {  	v23 =	vadd.f32 $7.500000000e+01, v36;
	_ =	sdelay $0x1  }
0x43: {  	v23 =	vtrunc.f32 v23  }
0x44: {  	v23 =	vcvt.f32.s32 v23;
	_ =	sdelay $0x1  }
0x45: {  	vm10 =	vgt.s32 v23, $0x0  }
0x46: {  	vm11 =	vlt.s32 v21, $0x0;
	v37 =	vmul.f32 $4.096000000e+03, v22;
	v23 =	vnsel vm10, $0x0, v23  }
0x47: {  	vm12 =	vgt.s32 v20, v1;
	v39 =	vsel vm11, v18, v13;
	v38 =	vmin.u32 v23, $0x9F  }
0x48: {  	v21 =	vadd.f32 $4.194304500e+06, v37;
	v22 =	vadd.s32 v39, v38;
	_ =	sdelay $0x1  }
0x49: {  	v21 =	vtrunc.f32 v21  }
0x4a: {  	v21 =	vcvt.f32.s32 v21;
	_ =	sdelay $0x1  }
0x4b: {  	[tilespmem:v22+s14+$0x0] =	vst.idx.add.s32.msk vm12, v21  }
0x4c: {  	v21 =	vld [tilespmem:s23+$0x600];
	_ =	sdelay $0x4  }
0x4d: {  	v40 =	vand.u32 $0x7FFFFFFF, v21  }
0x4e: {  	v22 =	vadd.f32 $-3.000000000e+00, v40;
	_ =	sdelay $0x1  }
0x4f: {  	v41 =	vmul.f32 $7.500000000e+01, v22;
	_ =	sdelay $0x1  }
0x50: {  	v23 =	vadd.f32 $7.500000000e+01, v41;
	_ =	sdelay $0x1  }
0x51: {  	v23 =	vtrunc.f32 v23  }
0x52: {  	v23 =	vcvt.f32.s32 v23;
	_ =	sdelay $0x1  }
0x53: {  	vm13 =	vgt.s32 v23, $0x0  }
0x54: {  	vm14 =	vlt.s32 v21, $0x0;
	v42 =	vmul.f32 $4.096000000e+03, v22;
	v23 =	vnsel vm13, $0x0, v23  }
0x55: {  	vm15 =	vgt.s32 v20, v2;
	v44 =	vsel vm14, v18, v13;
	v43 =	vmin.u32 v23, $0x9F  }
0x56: {  	v21 =	vadd.f32 $4.194304500e+06, v42;
	v22 =	vadd.s32 v44, v43;
	_ =	sdelay $0x1  }
0x57: {  	v21 =	vtrunc.f32 v21  }
0x58: {  	v21 =	vcvt.f32.s32 v21;
	_ =	sdelay $0x1  }
0x59: {  	[tilespmem:v22+s14+$0x0] =	vst.idx.add.s32.msk vm15, v21  }
0x5a: {  	v21 =	vld [tilespmem:s23+$0x800];
	_ =	sdelay $0x4  }
0x5b: {  	v45 =	vand.u32 $0x7FFFFFFF, v21  }
0x5c: {  	v22 =	vadd.f32 $-3.000000000e+00, v45;
	_ =	sdelay $0x1  }
0x5d: {  	v46 =	vmul.f32 $7.500000000e+01, v22;
	_ =	sdelay $0x1  }
0x5e: {  	v23 =	vadd.f32 $7.500000000e+01, v46;
	_ =	sdelay $0x1  }
0x5f: {  	v23 =	vtrunc.f32 v23  }
0x60: {  	v23 =	vcvt.f32.s32 v23;
	_ =	sdelay $0x1  }
0x61: {  	vm4 =	vgt.s32 v23, $0x0  }
0x62: {  	vm5 =	vlt.s32 v21, $0x0;
	v47 =	vmul.f32 $4.096000000e+03, v22;
	v23 =	vnsel vm4, $0x0, v23  }
0x63: {  	vm6 =	vgt.s32 v20, v4;
	v49 =	vsel vm5, v18, v13;
	v48 =	vmin.u32 v23, $0x9F  }
0x64: {  	v21 =	vadd.f32 $4.194304500e+06, v47;
	v22 =	vadd.s32 v49, v48;
	_ =	sdelay $0x1  }
0x65: {  	v21 =	vtrunc.f32 v21  }
0x66: {  	v21 =	vcvt.f32.s32 v21;
	_ =	sdelay $0x1  }
0x67: {  	[tilespmem:v22+s14+$0x0] =	vst.idx.add.s32.msk vm6, v21  }
0x68: {  	v21 =	vld [tilespmem:s23+$0xA00];
	_ =	sdelay $0x4  }
0x69: {  	v50 =	vand.u32 $0x7FFFFFFF, v21  }
0x6a: {  	v22 =	vadd.f32 $-3.000000000e+00, v50;
	_ =	sdelay $0x1  }
0x6b: {  	v51 =	vmul.f32 $7.500000000e+01, v22;
	_ =	sdelay $0x1  }
0x6c: {  	v23 =	vadd.f32 $7.500000000e+01, v51;
	_ =	sdelay $0x1  }
0x6d: {  	v23 =	vtrunc.f32 v23  }
0x6e: {  	v23 =	vcvt.f32.s32 v23;
	_ =	sdelay $0x1  }
0x6f: {  	vm7 =	vgt.s32 v23, $0x0  }
0x70: {  	vm8 =	vlt.s32 v21, $0x0;
	v52 =	vmul.f32 $4.096000000e+03, v22;
	v23 =	vnsel vm7, $0x0, v23  }
0x71: {  	vm9 =	vgt.s32 v20, v5;
	v54 =	vsel vm8, v18, v13;
	v53 =	vmin.u32 v23, $0x9F  }
0x72: {  	v21 =	vadd.f32 $4.194304500e+06, v52;
	v22 =	vadd.s32 v54, v53;
	_ =	sdelay $0x1  }
0x73: {  	v21 =	vtrunc.f32 v21  }
0x74: {  	v21 =	vcvt.f32.s32 v21;
	_ =	sdelay $0x1  }
0x75: {  	[tilespmem:v22+s14+$0x0] =	vst.idx.add.s32.msk vm9, v21  }
0x76: {  	v21 =	vld [tilespmem:s23+$0xC00];
	_ =	sdelay $0x4  }
0x77: {  	v55 =	vand.u32 $0x7FFFFFFF, v21  }
0x78: {  	v22 =	vadd.f32 $-3.000000000e+00, v55;
	_ =	sdelay $0x1  }
0x79: {  	v56 =	vmul.f32 $7.500000000e+01, v22;
	_ =	sdelay $0x1  }
0x7a: {  	v23 =	vadd.f32 $7.500000000e+01, v56;
	_ =	sdelay $0x1  }
0x7b: {  	v23 =	vtrunc.f32 v23  }
0x7c: {  	v23 =	vcvt.f32.s32 v23;
	_ =	sdelay $0x1  }
0x7d: {  	vm10 =	vgt.s32 v23, $0x0  }
0x7e: {  	vm11 =	vlt.s32 v21, $0x0;
	v57 =	vmul.f32 $4.096000000e+03, v22;
	v23 =	vnsel vm10, $0x0, v23  }
0x7f: {  	vm12 =	vgt.s32 v20, v6;
	v59 =	vsel vm11, v18, v13;
	v58 =	vmin.u32 v23, $0x9F  }
0x80: {  	v21 =	vadd.f32 $4.194304500e+06, v57;
	v22 =	vadd.s32 v59, v58;
	_ =	sdelay $0x1  }
0x81: {  	v21 =	vtrunc.f32 v21  }
0x82: {  	v21 =	vcvt.f32.s32 v21;
	_ =	sdelay $0x1  }
0x83: {  	[tilespmem:v22+s14+$0x0] =	vst.idx.add.s32.msk vm12, v21  }
0x84: {  	v21 =	vld [tilespmem:s23+$0xE00];
	_ =	sdelay $0x4  }
0x85: {  	v60 =	vand.u32 $0x7FFFFFFF, v21  }
0x86: {  	v22 =	vadd.f32 $-3.000000000e+00, v60;
	_ =	sdelay $0x1  }
0x87: {  	v61 =	vmul.f32 $7.500000000e+01, v22;
	_ =	sdelay $0x1  }
0x88: {  	v23 =	vadd.f32 $7.500000000e+01, v61;
	_ =	sdelay $0x1  }
0x89: {  	v23 =	vtrunc.f32 v23  }
0x8a: {  	v23 =	vcvt.f32.s32 v23;
	_ =	sdelay $0x1  }
0x8b: {  	vm13 =	vgt.s32 v23, $0x0  }
0x8c: {  	vm14 =	vlt.s32 v21, $0x0;
	v62 =	vmul.f32 $4.096000000e+03, v22;
	v23 =	vnsel vm13, $0x0, v23  }
0x8d: {  	vm15 =	vgt.s32 v20, v7;
	v63 =	vsel vm14, v18, v13;
	v20 =	vmin.u32 v23, $0x9F  }
0x8e: {  	p0 =	sne.s32 s22, $0x1;
	v21 =	vadd.f32 $4.194304500e+06, v62;
	v20 =	vadd.s32 v63, v20  }
.Ltmp0:
0x8f: {  	_ = 	snop;
	(pc) =	sbr.rel @p0 .LBB2_2-.Ltmp0, $3  }
0x90: {  	v21 =	vtrunc.f32 v21  }
0x91: {  	v21 =	vcvt.f32.s32 v21;
	_ =	sdelay $0x1  }
0x92: {  	s20 =	sadd.s32 $0x10, s20;
	s22 =	sadd.s32 $0xFFFFFFFF, s22;
	s21 =	sadd.s32 $0x10, s21;
	[tilespmem:v20+s14+$0x0] =	vst.idx.add.s32.msk vm15, v21  }
0x93: {  	_ =	swait.ge [sflag:s16], $0x1000  }
0x94: {  	[sflag:s16] =	ssyncset.done $0x0  }
0x95: {  	s20 =	smov.u32 s13;
	s21 =	smov.u32 s12;
	[sflag:s16] =	ssyncadd.s32 $0xFFFFF000  }
.LBB2_4:
0x96: {  	s22 =	sand.u32 $0x1F0, s20  }
0x97: {  	v21 =	vld [tilespmem:s22+$0x1000];
	_ =	sdelay $0x4  }
0x98: {  	v20 =	vand.u32 $0x7FFFFFFF, v21  }
0x99: {  	v22 =	vadd.f32 $-3.000000000e+00, v20;
	_ =	sdelay $0x1  }
0x9a: {  	v20 =	vmul.f32 $7.500000000e+01, v22;
	_ =	sdelay $0x1  }
0x9b: {  	v20 =	vadd.f32 $7.500000000e+01, v20;
	_ =	sdelay $0x1  }
0x9c: {  	v20 =	vtrunc.f32 v20  }
0x9d: {  	v23 =	vcvt.f32.s32 v20;
	_ =	sdelay $0x1  }
0x9e: {  	vm6 =	vlt.s32 v21, $0x0;
	vm0 =	vgt.s32 v23, $0x0  }
0x9f: {  	v27 =	vmul.f32 $4.096000000e+03, v22;
	v20 =	vor.u32 s20, v10;
	v23 =	vnsel vm0, $0x0, v23  }
0xa0: {  	v29 =	vsel vm6, v18, v13;
	vm1 =	vgt.u32 v20, v8;
	v28 =	vmin.u32 v23, $0x9F  }
0xa1: {  	v21 =	vadd.f32 $4.194304500e+06, v27;
	v22 =	vadd.s32 v29, v28;
	_ =	sdelay $0x1  }
0xa2: {  	v21 =	vtrunc.f32 v21  }
0xa3: {  	v21 =	vcvt.f32.s32 v21;
	_ =	sdelay $0x1  }
0xa4: {  	[tilespmem:v22+s14+$0x0] =	vst.idx.add.s32.msk vm1, v21  }
0xa5: {  	v21 =	vld [tilespmem:s22+$0x1200];
	_ =	sdelay $0x4  }
0xa6: {  	v30 =	vand.u32 $0x7FFFFFFF, v21  }
0xa7: {  	v22 =	vadd.f32 $-3.000000000e+00, v30;
	_ =	sdelay $0x1  }
0xa8: {  	v31 =	vmul.f32 $7.500000000e+01, v22;
	_ =	sdelay $0x1  }
0xa9: {  	v23 =	vadd.f32 $7.500000000e+01, v31;
	_ =	sdelay $0x1  }
0xaa: {  	v23 =	vtrunc.f32 v23  }
0xab: {  	v23 =	vcvt.f32.s32 v23;
	_ =	sdelay $0x1  }
0xac: {  	vm7 =	vgt.s32 v23, $0x0  }
0xad: {  	vm8 =	vlt.s32 v21, $0x0;
	v32 =	vmul.f32 $4.096000000e+03, v22;
	v23 =	vnsel vm7, $0x0, v23  }
0xae: {  	vm9 =	vgt.u32 v20, v9;
	v34 =	vsel vm8, v18, v13;
	v33 =	vmin.u32 v23, $0x9F  }
0xaf: {  	v21 =	vadd.f32 $4.194304500e+06, v32;
	v22 =	vadd.s32 v34, v33;
	_ =	sdelay $0x1  }
0xb0: {  	v21 =	vtrunc.f32 v21  }
0xb1: {  	v21 =	vcvt.f32.s32 v21;
	_ =	sdelay $0x1  }
0xb2: {  	[tilespmem:v22+s14+$0x0] =	vst.idx.add.s32.msk vm9, v21  }
0xb3: {  	v21 =	vld [tilespmem:s22+$0x1400];
	_ =	sdelay $0x4  }
0xb4: {  	v35 =	vand.u32 $0x7FFFFFFF, v21  }
0xb5: {  	v22 =	vadd.f32 $-3.000000000e+00, v35;
	_ =	sdelay $0x1  }
0xb6: {  	v36 =	vmul.f32 $7.500000000e+01, v22;
	_ =	sdelay $0x1  }
0xb7: {  	v23 =	vadd.f32 $7.500000000e+01, v36;
	_ =	sdelay $0x1  }
0xb8: {  	v23 =	vtrunc.f32 v23  }
0xb9: {  	v23 =	vcvt.f32.s32 v23;
	_ =	sdelay $0x1  }
0xba: {  	vm10 =	vgt.s32 v23, $0x0  }
0xbb: {  	vm11 =	vlt.s32 v21, $0x0;
	v37 =	vmul.f32 $4.096000000e+03, v22;
	v23 =	vnsel vm10, $0x0, v23  }
0xbc: {  	vm12 =	vgt.u32 v20, v11;
	v39 =	vsel vm11, v18, v13;
	v38 =	vmin.u32 v23, $0x9F  }
0xbd: {  	v21 =	vadd.f32 $4.194304500e+06, v37;
	v22 =	vadd.s32 v39, v38;
	_ =	sdelay $0x1  }
0xbe: {  	v21 =	vtrunc.f32 v21  }
0xbf: {  	v21 =	vcvt.f32.s32 v21;
	_ =	sdelay $0x1  }
0xc0: {  	[tilespmem:v22+s14+$0x0] =	vst.idx.add.s32.msk vm12, v21  }
0xc1: {  	v21 =	vld [tilespmem:s22+$0x1600];
	_ =	sdelay $0x4  }
0xc2: {  	v40 =	vand.u32 $0x7FFFFFFF, v21  }
0xc3: {  	v22 =	vadd.f32 $-3.000000000e+00, v40;
	_ =	sdelay $0x1  }
0xc4: {  	v41 =	vmul.f32 $7.500000000e+01, v22;
	_ =	sdelay $0x1  }
0xc5: {  	v23 =	vadd.f32 $7.500000000e+01, v41;
	_ =	sdelay $0x1  }
0xc6: {  	v23 =	vtrunc.f32 v23  }
0xc7: {  	v23 =	vcvt.f32.s32 v23;
	_ =	sdelay $0x1  }
0xc8: {  	vm13 =	vgt.s32 v23, $0x0  }
0xc9: {  	vm14 =	vlt.s32 v21, $0x0;
	v42 =	vmul.f32 $4.096000000e+03, v22;
	v23 =	vnsel vm13, $0x0, v23  }
0xca: {  	vm15 =	vgt.u32 v20, v12;
	v44 =	vsel vm14, v18, v13;
	v43 =	vmin.u32 v23, $0x9F  }
0xcb: {  	v21 =	vadd.f32 $4.194304500e+06, v42;
	v22 =	vadd.s32 v44, v43;
	_ =	sdelay $0x1  }
0xcc: {  	v21 =	vtrunc.f32 v21  }
0xcd: {  	v21 =	vcvt.f32.s32 v21;
	_ =	sdelay $0x1  }
0xce: {  	[tilespmem:v22+s14+$0x0] =	vst.idx.add.s32.msk vm15, v21  }
0xcf: {  	v21 =	vld [tilespmem:s22+$0x1800];
	_ =	sdelay $0x4  }
0xd0: {  	v45 =	vand.u32 $0x7FFFFFFF, v21  }
0xd1: {  	v22 =	vadd.f32 $-3.000000000e+00, v45;
	_ =	sdelay $0x1  }
0xd2: {  	v46 =	vmul.f32 $7.500000000e+01, v22;
	_ =	sdelay $0x1  }
0xd3: {  	v23 =	vadd.f32 $7.500000000e+01, v46;
	_ =	sdelay $0x1  }
0xd4: {  	v23 =	vtrunc.f32 v23  }
0xd5: {  	v23 =	vcvt.f32.s32 v23;
	_ =	sdelay $0x1  }
0xd6: {  	vm4 =	vgt.s32 v23, $0x0  }
0xd7: {  	vm5 =	vlt.s32 v21, $0x0;
	v47 =	vmul.f32 $4.096000000e+03, v22;
	v23 =	vnsel vm4, $0x0, v23  }
0xd8: {  	vm6 =	vgt.u32 v20, v14;
	v49 =	vsel vm5, v18, v13;
	v48 =	vmin.u32 v23, $0x9F  }
0xd9: {  	v21 =	vadd.f32 $4.194304500e+06, v47;
	v22 =	vadd.s32 v49, v48;
	_ =	sdelay $0x1  }
0xda: {  	v21 =	vtrunc.f32 v21  }
0xdb: {  	v21 =	vcvt.f32.s32 v21;
	_ =	sdelay $0x1  }
0xdc: {  	[tilespmem:v22+s14+$0x0] =	vst.idx.add.s32.msk vm6, v21  }
0xdd: {  	v21 =	vld [tilespmem:s22+$0x1A00];
	_ =	sdelay $0x4  }
0xde: {  	v50 =	vand.u32 $0x7FFFFFFF, v21  }
0xdf: {  	v22 =	vadd.f32 $-3.000000000e+00, v50;
	_ =	sdelay $0x1  }
0xe0: {  	v51 =	vmul.f32 $7.500000000e+01, v22;
	_ =	sdelay $0x1  }
0xe1: {  	v23 =	vadd.f32 $7.500000000e+01, v51;
	_ =	sdelay $0x1  }
0xe2: {  	v23 =	vtrunc.f32 v23  }
0xe3: {  	v23 =	vcvt.f32.s32 v23;
	_ =	sdelay $0x1  }
0xe4: {  	vm7 =	vgt.s32 v23, $0x0  }
0xe5: {  	vm8 =	vlt.s32 v21, $0x0;
	v52 =	vmul.f32 $4.096000000e+03, v22;
	v23 =	vnsel vm7, $0x0, v23  }
0xe6: {  	vm9 =	vgt.u32 v20, v15;
	v54 =	vsel vm8, v18, v13;
	v53 =	vmin.u32 v23, $0x9F  }
0xe7: {  	v21 =	vadd.f32 $4.194304500e+06, v52;
	v22 =	vadd.s32 v54, v53;
	_ =	sdelay $0x1  }
0xe8: {  	v21 =	vtrunc.f32 v21  }
0xe9: {  	v21 =	vcvt.f32.s32 v21;
	_ =	sdelay $0x1  }
0xea: {  	[tilespmem:v22+s14+$0x0] =	vst.idx.add.s32.msk vm9, v21  }
0xeb: {  	v21 =	vld [tilespmem:s22+$0x1C00];
	_ =	sdelay $0x4  }
0xec: {  	v55 =	vand.u32 $0x7FFFFFFF, v21  }
0xed: {  	v22 =	vadd.f32 $-3.000000000e+00, v55;
	_ =	sdelay $0x1  }
0xee: {  	v56 =	vmul.f32 $7.500000000e+01, v22;
	_ =	sdelay $0x1  }
0xef: {  	v23 =	vadd.f32 $7.500000000e+01, v56;
	_ =	sdelay $0x1  }
0xf0: {  	v23 =	vtrunc.f32 v23  }
0xf1: {  	v23 =	vcvt.f32.s32 v23;
	_ =	sdelay $0x1  }
0xf2: {  	vm10 =	vgt.s32 v23, $0x0  }
0xf3: {  	vm11 =	vlt.s32 v21, $0x0;
	v57 =	vmul.f32 $4.096000000e+03, v22;
	v23 =	vnsel vm10, $0x0, v23  }
0xf4: {  	vm12 =	vgt.u32 v20, v16;
	v59 =	vsel vm11, v18, v13;
	v58 =	vmin.u32 v23, $0x9F  }
0xf5: {  	v21 =	vadd.f32 $4.194304500e+06, v57;
	v22 =	vadd.s32 v59, v58;
	_ =	sdelay $0x1  }
0xf6: {  	v21 =	vtrunc.f32 v21  }
0xf7: {  	v21 =	vcvt.f32.s32 v21;
	_ =	sdelay $0x1  }
0xf8: {  	[tilespmem:v22+s14+$0x0] =	vst.idx.add.s32.msk vm12, v21  }
0xf9: {  	v21 =	vld [tilespmem:s22+$0x1E00];
	_ =	sdelay $0x4  }
0xfa: {  	v60 =	vand.u32 $0x7FFFFFFF, v21  }
0xfb: {  	v22 =	vadd.f32 $-3.000000000e+00, v60;
	_ =	sdelay $0x1  }
0xfc: {  	v61 =	vmul.f32 $7.500000000e+01, v22;
	_ =	sdelay $0x1  }
0xfd: {  	v23 =	vadd.f32 $7.500000000e+01, v61;
	_ =	sdelay $0x1  }
0xfe: {  	v23 =	vtrunc.f32 v23  }
0xff: {  	v23 =	vcvt.f32.s32 v23;
	_ =	sdelay $0x1  }
0x100: {  	vm13 =	vgt.s32 v23, $0x0  }
0x101: {  	vm14 =	vlt.s32 v21, $0x0;
	v62 =	vmul.f32 $4.096000000e+03, v22;
	v23 =	vnsel vm13, $0x0, v23  }
0x102: {  	s21 =	sadd.s32 $0x1, s21;
	vm15 =	vgt.u32 v20, v17;
	v63 =	vsel vm14, v18, v13;
	v20 =	vmin.u32 v23, $0x9F  }
0x103: {  	p0 =	slt.u32 s21, $0x1F;
	v21 =	vadd.f32 $4.194304500e+06, v62;
	v20 =	vadd.s32 v63, v20  }
.Ltmp1:
0x104: {  	_ = 	snop;
	(pc) =	sbr.rel @p0 .LBB2_4-.Ltmp1, $3  }
0x105: {  	v21 =	vtrunc.f32 v21  }
0x106: {  	v21 =	vcvt.f32.s32 v21;
	_ =	sdelay $0x1  }
0x107: {  	s20 =	sadd.s32 $0x10, s20;
	[tilespmem:v20+s14+$0x0] =	vst.idx.add.s32.msk vm15, v21  }
0x108: {  	[tilespmem:$0x3400] =	vst v19  }
0x109: {  	[tilespmem:$0x3410] =	vst v19  }
0x10a: {  	[tilespmem:$0x3420] =	vst v19  }
0x10b: {  	[tilespmem:$0x3430] =	vst v19  }
0x10c: {  	[tilespmem:$0x3440] =	vst v19  }
0x10d: {  	[tilespmem:$0x3450] =	vst v19  }
0x10e: {  	[tilespmem:$0x3460] =	vst v19  }
0x10f: {  	[tilespmem:$0x3470] =	vst v19  }
0x110: {  	[tilespmem:$0x3480] =	vst v19  }
0x111: {  	[tilespmem:$0x3490] =	vst v19  }
0x112: {  	[tilespmem:$0x34A0] =	vst v19  }
0x113: {  	[tilespmem:$0x34B0] =	vst v19  }
0x114: {  	[tilespmem:$0x34C0] =	vst v19  }
0x115: {  	[tilespmem:$0x34D0] =	vst v19  }
0x116: {  	[tilespmem:$0x34E0] =	vst v19  }
0x117: {  	[tilespmem:$0x34F0] =	vst v19  }
0x118: {  	[tilespmem:$0x3500] =	vst v19  }
0x119: {  	[tilespmem:$0x3510] =	vst v19  }
0x11a: {  	[tilespmem:$0x3520] =	vst v19  }
0x11b: {  	[tilespmem:$0x3530] =	vst v19  }
0x11c: {  	[tilespmem:$0x3540] =	vst v19  }
0x11d: {  	[tilespmem:$0x3550] =	vst v19  }
0x11e: {  	[tilespmem:$0x3560] =	vst v19  }
0x11f: {  	[tilespmem:$0x3570] =	vst v19  }
0x120: {  	[tilespmem:$0x3580] =	vst v19  }
0x121: {  	[tilespmem:$0x3590] =	vst v19  }
0x122: {  	[tilespmem:$0x35A0] =	vst v19  }
0x123: {  	[tilespmem:$0x35B0] =	vst v19  }
0x124: {  	[tilespmem:$0x35C0] =	vst v19  }
0x125: {  	[tilespmem:$0x35D0] =	vst v19  }
0x126: {  	[tilespmem:$0x35E0] =	vst v19  }
0x127: {  	[tilespmem:$0x35F0] =	vst v19  }
0x128: {  	[tilespmem:$0x3600] =	vst v19  }
0x129: {  	[tilespmem:$0x3610] =	vst v19  }
0x12a: {  	[tilespmem:$0x3620] =	vst v19  }
0x12b: {  	[tilespmem:$0x3630] =	vst v19  }
0x12c: {  	[tilespmem:$0x3640] =	vst v19  }
0x12d: {  	[tilespmem:$0x3650] =	vst v19  }
0x12e: {  	[tilespmem:$0x3660] =	vst v19  }
0x12f: {  	[tilespmem:$0x3670] =	vst v19  }
0x130: {  	[tilespmem:$0x3680] =	vst v19  }
0x131: {  	[tilespmem:$0x3690] =	vst v19  }
0x132: {  	[tilespmem:$0x36A0] =	vst v19  }
0x133: {  	[tilespmem:$0x36B0] =	vst v19  }
0x134: {  	[tilespmem:$0x36C0] =	vst v19  }
0x135: {  	[tilespmem:$0x36D0] =	vst v19  }
0x136: {  	[tilespmem:$0x36E0] =	vst v19  }
0x137: {  	[tilespmem:$0x36F0] =	vst v19  }
0x138: {  	[tilespmem:$0x3700] =	vst v19  }
0x139: {  	[tilespmem:$0x3710] =	vst v19  }
0x13a: {  	[tilespmem:$0x3720] =	vst v19  }
0x13b: {  	[tilespmem:$0x3730] =	vst v19  }
0x13c: {  	[tilespmem:$0x3740] =	vst v19  }
0x13d: {  	[tilespmem:$0x3750] =	vst v19  }
0x13e: {  	[tilespmem:$0x3760] =	vst v19  }
0x13f: {  	[tilespmem:$0x3770] =	vst v19  }
0x140: {  	[tilespmem:$0x3780] =	vst v19  }
0x141: {  	[tilespmem:$0x3790] =	vst v19  }
0x142: {  	[tilespmem:$0x37A0] =	vst v19  }
0x143: {  	[tilespmem:$0x37B0] =	vst v19;
	p0 =	por $0x0, $0x0;
	s20 =	simm.s32 $0xFFFFFF6  }
0x144: {  	[tilespmem:$0x37C0] =	vst v19;
	s20 =	simm.s32 @!p0 $0x0  }
0x145: {  	[tilespmem:$0x37D0] =	vst v19;
	s21 =	simm.s32 $0xA0;
	s20 =	sadd.s32 $0x0, s20  }
0x146: {  	[tilespmem:$0x37E0] =	vst v19;
	s21 =	simm.s32 @!p0 $0x0;
	s20 =	sshll.u32 s20, $0x4  }
0x147: {  	[tilespmem:$0x37F0] =	vst v19;
	s21 =	sadd.s32 s20, s21  }
0x148: {  	v20 =	vld [tilespmem:s21+$0x2780]  }
0x149: {  	v21 =	vld [tilespmem:s21+$0x2280]  }
0x14a: {  	v22 =	vld [tilespmem:s21+$0x2000]  }
0x14b: {  	v23 =	vld [tilespmem:s21+$0x2140]  }
0x14c: {  	v25 =	vld [tilespmem:s21+$0x23C0]  }
0x14d: {  	v33 =	vld [tilespmem:s21+$0x2640]  }
0x14e: {  	v53 =	vld [tilespmem:s21+$0x2DC0];
	_ =	sdelay $0x2  }
0x14f: {  	v24 =	vadd.s32 $0x200000, v20  }
0x150: {  	v26 =	vadd.s32 $0x200000, v21;
	v28 =	vadd.s32 $0x200000, v22;
	v31 =	vadd.s32 $0x200000, v23  }
0x151: {  	v52 =	vadd.s32 $0x200000, v25;
	v54 =	vadd.s32 $0x200000, v33;
	v56 =	vadd.s32 $0x200000, v53  }
0x152: {  	v27 =	vshra.s32 v24, $0x16;
	v24 =	vand.u32 $0xFFC00000, v24;
	v29 =	vshra.s32 v26, $0x16  }
0x153: {  	v26 =	vand.u32 $0xFFC00000, v26;
	v30 =	vand.u32 $0xFFC00000, v28;
	v28 =	vshra.s32 v28, $0x16  }
0x154: {  	v50 =	vand.u32 $0xFFC00000, v31;
	v31 =	vshra.s32 v31, $0x16;
	v29 =	vcvt.s32.f32 v29  }
0x155: {  	v32 =	vld [tilespmem:s21+$0x2500];
	v22 =	vsub.s32 v22, v30;
	v23 =	vsub.s32 v23, v50;
	v51 =	vcvt.s32.f32 v31  }
0x156: {  	v21 =	vsub.s32 v21, v26;
	v26 =	vand.u32 $0xFFC00000, v52;
	v20 =	vsub.s32 v20, v24  }
0x157: {  	v24 =	vcvt.s32.f32 v28;
	v28 =	vshra.s32 v52, $0x16;
	v22 =	vcvt.s32.f32 v22  }
0x158: {  	v30 =	vand.u32 $0xFFC00000, v56;
	v23 =	vcvt.s32.f32 v23;
	v21 =	vcvt.s32.f32 v21  }
0x159: {  	v25 =	vsub.s32 v25, v26;
	v26 =	vcvt.s32.f32 v28;
	v20 =	vcvt.s32.f32 v20  }
0x15a: {  	v25 =	vcvt.s32.f32 v25;
	v22 =	vadd.f32 v23, v22;
	v23 =	vadd.s32 $0x200000, v32  }
0x15b: {  	v55 =	vld [tilespmem:s21+$0x28C0];
	v24 =	vadd.f32 v51, v24;
	v28 =	vshra.s32 v23, $0x16;
	v23 =	vand.u32 $0xFFC00000, v23  }
0x15c: {  	v21 =	vadd.f32 v21, v22;
	v22 =	vsub.s32 v32, v23;
	v23 =	vand.u32 $0xFFC00000, v54  }
0x15d: {  	v24 =	vadd.f32 v29, v24;
	v29 =	vshra.s32 v54, $0x16;
	v23 =	vsub.s32 v33, v23  }
0x15e: {  	v22 =	vcvt.s32.f32 v22;
	v21 =	vadd.f32 v25, v21;
	v25 =	vcvt.s32.f32 v29;
	v29 =	vld [tilespmem:s21+$0x2A00]  }
0x15f: {  	v28 =	vcvt.s32.f32 v28;
	v24 =	vadd.f32 v26, v24;
	v23 =	vcvt.s32.f32 v23  }
0x160: {  	v21 =	vadd.f32 v22, v21;
	v22 =	vcvt.s32.f32 v27;
	v27 =	vadd.s32 $0x200000, v55  }
0x161: {  	v58 =	vld [tilespmem:s21+$0x2C80];
	v26 =	vshra.s32 v56, $0x16;
	v24 =	vadd.f32 v28, v24;
	v28 =	vand.u32 $0xFFC00000, v27  }
0x162: {  	v57 =	vld [tilespmem:s21+$0x2B40];
	v21 =	vadd.f32 v23, v21;
	v23 =	vshra.s32 v27, $0x16;
	v27 =	vsub.s32 v55, v28  }
0x163: {  	v24 =	vadd.f32 v25, v24;
	v25 =	vcvt.s32.f32 v27;
	v27 =	vadd.s32 $0x200000, v29  }
0x164: {  	v20 =	vadd.f32 v20, v21;
	v21 =	vcvt.s32.f32 v23;
	v23 =	vand.u32 $0xFFC00000, v27  }
0x165: {  	v22 =	vadd.f32 v22, v24;
	v24 =	vshra.s32 v27, $0x16;
	v23 =	vsub.s32 v29, v23  }
0x166: {  	v24 =	vcvt.s32.f32 v24;
	v29 =	vadd.s32 $0x200000, v58;
	v20 =	vadd.f32 v25, v20  }
0x167: {  	v28 =	vld [tilespmem:s21+$0x32C0];
	v23 =	vcvt.s32.f32 v23;
	v21 =	vadd.f32 v21, v22;
	v22 =	vadd.s32 $0x200000, v57  }
0x168: {  	v25 =	vsub.s32 v53, v30;
	v60 =	vshra.s32 v29, $0x16;
	v29 =	vand.u32 $0xFFC00000, v29  }
0x169: {  	v59 =	vld [tilespmem:s21+$0x2F00];
	v27 =	vshra.s32 v22, $0x16;
	v22 =	vand.u32 $0xFFC00000, v22;
	v31 =	vcvt.s32.f32 v60  }
0x16a: {  	v23 =	vadd.f32 v23, v20;
	v27 =	vcvt.s32.f32 v27;
	v22 =	vsub.s32 v57, v22  }
0x16b: {  	v21 =	vadd.f32 v24, v21;
	v24 =	vsub.s32 v58, v29;
	v29 =	vld [tilespmem:s21+$0x3040];
	v22 =	vcvt.s32.f32 v22  }
0x16c: {  	v25 =	vcvt.s32.f32 v25;
	v20 =	vadd.s32 $0x200000, v28;
	v24 =	vcvt.s32.f32 v24  }
0x16d: {  	v61 =	vand.u32 $0xFFC00000, v20;
	v27 =	vadd.f32 v27, v21;
	v22 =	vadd.f32 v22, v23  }
0x16e: {  	v21 =	vsub.s32 v28, v61;
	v28 =	vld [tilespmem:s21+$0x3180];
	v23 =	vcvt.s32.f32 v26;
	v26 =	vadd.s32 $0x200000, v59  }
0x16f: {  	v27 =	vadd.f32 v31, v27;
	v22 =	vadd.f32 v24, v22;
	v24 =	vand.u32 $0xFFC00000, v26  }
0x170: {  	v26 =	vshra.s32 v26, $0x16;
	v62 =	vadd.s32 $0x200000, v29;
	v24 =	vsub.s32 v59, v24  }
0x171: {  	v27 =	vadd.f32 v23, v27;
	v23 =	vand.u32 $0xFFC00000, v62;
	v22 =	vadd.f32 v25, v22  }
0x172: {  	s21 =	simm.s32 $0x200;
	v25 =	vcvt.s32.f32 v26;
	v26 =	vcvt.s32.f32 v24;
	v24 =	vshra.s32 v62, $0x16  }
0x173: {  	s21 =	simm.s32 @!p0 $0x0;
	v29 =	vsub.s32 v29, v23;
	v63 =	vadd.s32 $0x200000, v28;
	v23 =	vcvt.s32.f32 v24  }
0x174: {  	s22 =	sadd.s32 s21, s20;
	v24 =	vadd.f32 v25, v27;
	v22 =	vadd.f32 v26, v22;
	v27 =	vand.u32 $0xFFC00000, v63  }
0x175: {  	s21 =	simm.s32 $0x1;
	s23 =	sand.u32 $0xFFFFFF80, s22;
	s22 =	sadd.s32 $0x100, s22;
	v25 =	vcvt.s32.f32 v29;
	v26 =	vshra.s32 v63, $0x16;
	v27 =	vsub.s32 v28, v27  }
.LBB2_6:
0x176: {  	p0 =	sne.s32 s21, $0x13;
	v23 =	vadd.f32 v23, v24;
	v24 =	vcvt.s32.f32 v27;
	v20 =	vshra.s32 v20, $0x16;
	s24 =	smov.u32 s21;
	s21 =	sadd.s32 $0x1, s21  }
0x177: {  	v22 =	vadd.f32 v25, v22;
	v25 =	vcvt.s32.f32 v26  }
0x178: {  	v20 =	vcvt.s32.f32 v20  }
0x179: {  	v21 =	vcvt.s32.f32 v21;
	v23 =	vadd.f32 v25, v23;
	v22 =	vadd.f32 v24, v22;
	_ =	sdelay $0x1  }
0x17a: {  	s20 =	sand.u32 $0x70, s20;
	v20 =	vadd.f32 v20, v23;
	v21 =	vadd.f32 v21, v22  }
0x17b: {  	s23 =	sor.u32 s20, s23  }
0x17c: {  	p1 =	sgt.u32 s24, $0x9;
	[tilespmem:s23+$0x3400] =	vst v20;
	s23 =	simm.s32 $0xFFFFFF6  }
0x17d: {  	s22 =	sand.u32 $0xFFFFFF80, s22;
	v21 =	vmul.f32 $2.441406250e-04, v21;
	v20 =	vmul.f32 $-4.584472480e-05, v20;
	s23 =	simm.s32 @!p1 $0x0  }
0x17e: {  	s22 =	sor.u32 s20, s22;
	s23 =	sadd.s32 s24, s23  }
0x17f: {  	v20 =	vadd.f32 v20, v21;
	s24 =	simm.s32 $0xA0;
	s20 =	sshll.u32 s23, $0x4;
	s23 =	simm.s32 $0x200  }
0x180: {  	s24 =	simm.s32 @!p1 $0x0;
	s23 =	simm.s32 @!p1 $0x0  }
0x181: {  	s24 =	sadd.s32 s20, s24;
	s25 =	sadd.s32 s23, s20;
	[tilespmem:s22+$0x3400] =	vst v20  }
0x182: {  	v20 =	vld [tilespmem:s24+$0x2780];
	s23 =	sand.u32 $0xFFFFFF80, s25;
	s22 =	sadd.s32 $0x100, s25  }
0x183: {  	v21 =	vld [tilespmem:s24+$0x2280]  }
0x184: {  	v22 =	vld [tilespmem:s24+$0x2000]  }
0x185: {  	v23 =	vld [tilespmem:s24+$0x2140];
	_ =	sdelay $0x1  }
0x186: {  	v24 =	vld [tilespmem:s24+$0x23C0];
	v25 =	vadd.s32 $0x200000, v20  }
0x187: {  	v26 =	vadd.s32 $0x200000, v21;
	v27 =	vshra.s32 v25, $0x16;
	v25 =	vand.u32 $0xFFC00000, v25  }
0x188: {  	v28 =	vadd.s32 $0x200000, v22;
	v29 =	vshra.s32 v26, $0x16;
	v26 =	vand.u32 $0xFFC00000, v26  }
0x189: {  	v30 =	vand.u32 $0xFFC00000, v28;
	v31 =	vadd.s32 $0x200000, v23;
	v29 =	vcvt.s32.f32 v29;
	v32 =	vld [tilespmem:s24+$0x2500]  }
0x18a: {  	v28 =	vshra.s32 v28, $0x16;
	v22 =	vsub.s32 v22, v30;
	v30 =	vand.u32 $0xFFC00000, v31  }
0x18b: {  	v31 =	vshra.s32 v31, $0x16;
	v22 =	vcvt.s32.f32 v22;
	v23 =	vsub.s32 v23, v30  }
0x18c: {  	v30 =	vcvt.s32.f32 v31;
	v31 =	vadd.s32 $0x200000, v24;
	v23 =	vcvt.s32.f32 v23;
	v33 =	vld [tilespmem:s24+$0x2640]  }
0x18d: {  	v20 =	vsub.s32 v20, v25;
	v21 =	vsub.s32 v21, v26;
	v26 =	vand.u32 $0xFFC00000, v31  }
0x18e: {  	v25 =	vcvt.s32.f32 v28;
	v28 =	vshra.s32 v31, $0x16;
	v24 =	vsub.s32 v24, v26  }
0x18f: {  	v21 =	vcvt.s32.f32 v21;
	v22 =	vadd.f32 v23, v22;
	v23 =	vadd.s32 $0x200000, v32  }
0x190: {  	v26 =	vcvt.s32.f32 v28;
	v24 =	vcvt.s32.f32 v24;
	v28 =	vshra.s32 v23, $0x16;
	v31 =	vld [tilespmem:s24+$0x2DC0]  }
0x191: {  	v25 =	vadd.f32 v30, v25;
	v23 =	vand.u32 $0xFFC00000, v23;
	v30 =	vadd.s32 $0x200000, v33  }
0x192: {  	v21 =	vadd.f32 v21, v22;
	v22 =	vsub.s32 v32, v23;
	v23 =	vand.u32 $0xFFC00000, v30;
	v32 =	vld [tilespmem:s24+$0x28C0]  }
0x193: {  	v25 =	vadd.f32 v29, v25;
	v29 =	vshra.s32 v30, $0x16;
	v23 =	vsub.s32 v33, v23  }
0x194: {  	v21 =	vadd.f32 v24, v21;
	v24 =	vcvt.s32.f32 v29;
	v23 =	vcvt.s32.f32 v23;
	v29 =	vld [tilespmem:s24+$0x2A00]  }
0x195: {  	v28 =	vcvt.s32.f32 v28;
	v22 =	vcvt.s32.f32 v22;
	v30 =	vadd.s32 $0x200000, v31  }
0x196: {  	v25 =	vadd.f32 v26, v25;
	v26 =	vshra.s32 v30, $0x16;
	v30 =	vand.u32 $0xFFC00000, v30  }
0x197: {  	v21 =	vadd.f32 v22, v21;
	v22 =	vcvt.s32.f32 v27;
	v27 =	vadd.s32 $0x200000, v32;
	v33 =	vld [tilespmem:s24+$0x2B40]  }
0x198: {  	v20 =	vcvt.s32.f32 v20;
	v25 =	vadd.f32 v28, v25;
	v28 =	vand.u32 $0xFFC00000, v27  }
0x199: {  	v21 =	vadd.f32 v23, v21;
	v23 =	vshra.s32 v27, $0x16;
	v27 =	vsub.s32 v32, v28;
	v28 =	vld [tilespmem:s24+$0x32C0]  }
0x19a: {  	v24 =	vadd.f32 v24, v25;
	v25 =	vcvt.s32.f32 v27;
	v27 =	vadd.s32 $0x200000, v29  }
0x19b: {  	v20 =	vadd.f32 v20, v21;
	v21 =	vcvt.s32.f32 v23;
	v23 =	vand.u32 $0xFFC00000, v27;
	v32 =	vld [tilespmem:s24+$0x2C80]  }
0x19c: {  	v22 =	vadd.f32 v22, v24;
	v24 =	vshra.s32 v27, $0x16;
	v23 =	vsub.s32 v29, v23  }
0x19d: {  	v20 =	vadd.f32 v25, v20;
	v24 =	vcvt.s32.f32 v24;
	v23 =	vcvt.s32.f32 v23  }
0x19e: {  	v21 =	vadd.f32 v21, v22;
	v22 =	vadd.s32 $0x200000, v33;
	v25 =	vsub.s32 v31, v30  }
0x19f: {  	v27 =	vshra.s32 v22, $0x16;
	v23 =	vadd.f32 v23, v20;
	v20 =	vadd.s32 $0x200000, v28  }
0x1a0: {  	v22 =	vand.u32 $0xFFC00000, v22;
	v27 =	vcvt.s32.f32 v27;
	v29 =	vadd.s32 $0x200000, v32;
	v30 =	vld [tilespmem:s24+$0x2F00]  }
0x1a1: {  	v22 =	vsub.s32 v33, v22;
	v31 =	vshra.s32 v29, $0x16;
	v29 =	vand.u32 $0xFFC00000, v29  }
0x1a2: {  	v21 =	vadd.f32 v24, v21;
	v22 =	vcvt.s32.f32 v22;
	v24 =	vsub.s32 v32, v29;
	v29 =	vld [tilespmem:s24+$0x3040]  }
0x1a3: {  	v31 =	vcvt.s32.f32 v31;
	v32 =	vand.u32 $0xFFC00000, v20;
	v24 =	vcvt.s32.f32 v24  }
0x1a4: {  	v27 =	vadd.f32 v27, v21;
	v22 =	vadd.f32 v22, v23;
	v21 =	vsub.s32 v28, v32  }
0x1a5: {  	v25 =	vcvt.s32.f32 v25;
	v23 =	vcvt.s32.f32 v26;
	v26 =	vadd.s32 $0x200000, v30;
	v28 =	vld [tilespmem:s24+$0x3180]  }
0x1a6: {  	v27 =	vadd.f32 v31, v27;
	v22 =	vadd.f32 v24, v22;
	v24 =	vand.u32 $0xFFC00000, v26  }
0x1a7: {  	v26 =	vshra.s32 v26, $0x16;
	v24 =	vsub.s32 v30, v24;
	v30 =	vadd.s32 $0x200000, v29  }
.Ltmp2:
0x1a8: {  	v27 =	vadd.f32 v23, v27;
	v22 =	vadd.f32 v25, v22;
	v23 =	vand.u32 $0xFFC00000, v30;
	(pc) =	sbr.rel @p0 .LBB2_6-.Ltmp2, $4  }
0x1a9: {  	v25 =	vcvt.s32.f32 v26;
	v26 =	vcvt.s32.f32 v24;
	v24 =	vshra.s32 v30, $0x16  }
0x1aa: {  	v29 =	vsub.s32 v29, v23;
	v23 =	vcvt.s32.f32 v24;
	v30 =	vadd.s32 $0x200000, v28  }
0x1ab: {  	v24 =	vadd.f32 v25, v27;
	v22 =	vadd.f32 v26, v22;
	v27 =	vand.u32 $0xFFC00000, v30  }
0x1ac: {  	v25 =	vcvt.s32.f32 v29;
	v26 =	vshra.s32 v30, $0x16;
	v27 =	vsub.s32 v28, v27  }
0x1ad: {  	v23 =	vadd.f32 v23, v24  }
0x1ae: {  	v61 =	vcvt.s32.f32 v27;
	v62 =	vcvt.s32.f32 v26;
	v22 =	vadd.f32 v25, v22  }
0x1af: {  	v20 =	vshra.s32 v20, $0x16;
	v21 =	vcvt.s32.f32 v21  }
0x1b0: {  	v20 =	vcvt.s32.f32 v20;
	v23 =	vadd.f32 v62, v23;
	v22 =	vadd.f32 v61, v22;
	_ =	sdelay $0x1  }
0x1b1: {  	v20 =	vadd.f32 v20, v23;
	v21 =	vadd.f32 v21, v22;
	_ =	sdelay $0x1  }
0x1b2: {  	v63 =	vmul.f32 $-4.584472480e-05, v20;
	v21 =	vmul.f32 $2.441406250e-04, v21  }
0x1b3: {  	s20 =	sand.u32 $0x70, s20  }
0x1b4: {  	s22 =	sand.u32 $0xFFFFFF80, s22;
	s19 =	sadd.s32 $0x1, s19;
	s21 =	sor.u32 s20, s23;
	v21 =	vadd.f32 v63, v21  }
0x1b5: {  	s20 =	sor.u32 s20, s22;
	p0 =	sne.s32 s19, s8;
	[tilespmem:s21+$0x3400] =	vst v20  }
.Ltmp3:
0x1b6: {  	[tilespmem:s20+$0x3400] =	vst v21;
	(pc) =	sbr.rel @p0 .LBB2_1-.Ltmp3, $4  }
0x1b7: {  	[hbm4b:s7+s2] =	stream.linear.scatter [tilespmem:s17], [sflag:$0x3], $0x400, $0x38;
	[tilespmem:$0x3800] =	vst v63  }
0x1b8: {  	_ =	swait.ge [sflag:s18], $0x400  }
0x1b9: {  	[sflag:s18] =	ssyncset.done $0x0  }
0x1ba: {  	[sflag:s18] =	ssyncadd.s32 $0xFFFFFC00  }
0x1bb: {  	_ =	sfence.sel $0x180000  }
0x1bc: {  	[bflag:$0x0] =	sbarrier.arrive $0xFFFF  }
0x1bd: {  	p0 =	sne.s32 s1, $0x0;
	_ =	strace $0x90000047  }
0x1be: {  	s0 =	sadd.s32 @!p0 $0x100000, s0;
	[bflag:$0x2] =	sbarrier.arrive $0xFFFF  }
0x1bf: {  	[sflag:s0] =	ssyncadd.tile.s32 @!p0 $0x1;
	_ =	shalt  }
.Lfunc_end2:
_tile_overlayer_lowered:
.L_overlay_start_2:
0x1c0: {  	(tag) =	ssettag $0x2  }
0x1c1: {  	s0 =	rddreg [dreg:$0x0];
	s2 =	stileid.u32  }
0x1c2: {  	s1 =	rddreg [dreg:$0x1];
	p0 =	sne.s32 s2, $0x0  }
0x1c3: {  	s3 =	rddreg [dreg:$0x2];
	[bflag:$0x3] =	sbarrier.arrive $0xFFFF;
	s2 =	simm.s32 @!p0 $0x1C03  }
0x1c4: {  	[timem:s3], [sflag:s2] =	dma.local @!p0 [hbm:s0], s1  }
0x1c5: {  	s0 =	simm.s32 @!p0 $0x3  }
0x1c6: {  	_ =	swait.ge @!p0 [sflag:s0], s1  }
0x1c7: {  	s1 =	ssub.s32 @!p0 $0x0, s1;
	[sflag:s0] =	ssyncset.done @!p0 $0x0  }
0x1c8: {  	[sflag:s0] =	ssyncadd.s32 @!p0 s1  }
0x1c9: {  	[bflag:$0x3] =	sbarrier.arrive $0xFFFF  }
0x1ca: {  	_ =	shalt  }

</sc_bundles>
